<compile_context>
chip_gen: v7x
topology: tpu7x:2x2x1
jax: 0.10.2.dev20260603
libtpu: 0.0.44.dev20260713+nightly
codegen_flags: <defaults>
</compile_context>

<pallas_src>
import dataclasses
import functools

import jax
import jax.numpy as jnp
from jax import lax
from jax.experimental import pallas as pl
from jax.experimental.pallas import tpu as pltpu
from jax.experimental.pallas import tpu_sc as plsc

N_NODES = 10000
N_EDGES = 320000
F = 128
OUT_CH = 64

NC, NS = 2, 16
NW = NC * NS
EPW = N_EDGES // NW
CHUNK = 125
NCHUNK = EPW // CHUNK
NBUF = 2
NQUAD = NCHUNK // NBUF
NBLK = 2
BLK = NCHUNK // NBLK
N_PAD = 10240
RPS = N_PAD // NS

_mesh = plsc.VectorSubcoreMesh(core_axis_name="c", subcore_axis_name="s")

_sc_params = pltpu.CompilerParams()
if "needs_layout_passes" in pltpu.CompilerParams.__dataclass_fields__:
    _sc_params = dataclasses.replace(_sc_params, needs_layout_passes=False)


@functools.partial(
    pl.kernel,
    out_type=[jax.ShapeDtypeStruct((N_PAD,), jnp.float32),
              jax.ShapeDtypeStruct((N_PAD,), jnp.float32)],
    mesh=_mesh,
    scratch_types=[
        pltpu.VMEM((EPW,), jnp.int32),
        pltpu.VMEM((N_PAD,), jnp.float32),
        pltpu.VMEM((RPS,), jnp.float32),
        pltpu.VMEM((RPS,), jnp.float32),
        pltpu.VMEM_SHARED((NS, N_PAD), jnp.float32),
    ],
    compiler_params=_sc_params,
)
def _deg_kernel(edge2_hbm, out0_hbm, out1_hbm, dst_v, hist_v, red_v, tmp_v,
                acc_sh):
    c = lax.axis_index("c")
    s = lax.axis_index("s")
    wid = s * NC + c

    pltpu.sync_copy(edge2_hbm.at[1, wid], dst_v)

    @pl.loop(0, N_PAD // 16)
    def _(i):
        hist_v[pl.ds(i * 16, 16)] = jnp.zeros((16,), jnp.float32)

    ones16 = jnp.ones((16,), jnp.float32)

    @pl.loop(0, EPW // 16)
    def _(i):
        idx = dst_v[pl.ds(i * 16, 16)]
        plsc.addupdate_scatter(hist_v, [idx], ones16)

    pltpu.sync_copy(hist_v, acc_sh.at[s])
    plsc.subcore_barrier()

    @pl.loop(0, RPS // 16)
    def _(j):
        red_v[pl.ds(j * 16, 16)] = jnp.zeros((16,), jnp.float32)

    for k in range(NS):
        pltpu.sync_copy(acc_sh.at[k, pl.ds(s * RPS, RPS)], tmp_v)

        @pl.loop(0, RPS // 16)
        def _(j):
            red_v[pl.ds(j * 16, 16)] += tmp_v[pl.ds(j * 16, 16)]

    @pl.when(c == 0)
    def _():
        pltpu.sync_copy(red_v, out0_hbm.at[pl.ds(s * RPS, RPS)])

    @pl.when(c == 1)
    def _():
        pltpu.sync_copy(red_v, out1_hbm.at[pl.ds(s * RPS, RPS)])


@functools.partial(
    pl.kernel,
    out_type=[jax.ShapeDtypeStruct((N_PAD, F), jnp.float32),
              jax.ShapeDtypeStruct((N_PAD, F), jnp.float32)],
    mesh=_mesh,
    scratch_types=[
        pltpu.VMEM((BLK, CHUNK), jnp.int32),
        pltpu.VMEM((BLK, CHUNK), jnp.int32),
        [pltpu.VMEM((CHUNK, F), jnp.float32) for _ in range(NBUF)],
        pltpu.VMEM((32, F), jnp.float32),
        pltpu.VMEM_SHARED((N_PAD, F), jnp.float32),
        [pltpu.SemaphoreType.DMA for _ in range(NBUF)],
        [pltpu.SemaphoreType.DMA for _ in range(NBUF)],
    ],
    compiler_params=_sc_params,
)
def _scat_kernel(g_hbm, edge5_hbm, out0_hbm, out1_hbm,
                 si_v, di_v, bufs, zero_v, acc_sh, gsems, ssems):
    c = lax.axis_index("c")
    s = lax.axis_index("s")
    wid = s * NC + c

    pltpu.sync_copy(edge5_hbm.at[0, wid, 0], si_v)
    pltpu.sync_copy(edge5_hbm.at[1, wid, 0], di_v)

    @pl.loop(0, 32)
    def _(r):
        for j in range(F // 16):
            zero_v[r, pl.ds(j * 16, 16)] = jnp.zeros((16,), jnp.float32)

    @pl.loop(0, RPS // 32)
    def _(zb):
        pltpu.sync_copy(zero_v, acc_sh.at[pl.ds(s * RPS + zb * 32, 32)])

    plsc.subcore_barrier()

    for b in range(NBUF):
        pltpu.async_copy(g_hbm.at[si_v.at[b]], bufs[b], gsems[b])

    qper = BLK // NBUF

    @pl.loop(0, NQUAD)
    def _(q):
        k0 = q * NBUF
        scatters = []
        for b in range(NBUF):
            pltpu.make_async_copy(g_hbm.at[si_v.at[0]], bufs[b],
                                  gsems[b]).wait()
            scatters.append(
                pltpu.async_copy(
                    bufs[b], acc_sh.at[di_v.at[lax.rem(k0 + b, BLK)]],
                    ssems[b], add=True))
        for b in range(NBUF):
            scatters[b].wait()

        @pl.when(jnp.logical_and(lax.rem(q, qper) == qper - 1,
                                 q < NQUAD - 1))
        def _():
            fi = lax.div(q + 1, qper)
            pltpu.sync_copy(edge5_hbm.at[0, wid, fi], si_v)
            pltpu.sync_copy(edge5_hbm.at[1, wid, fi], di_v)

        for b in range(NBUF):
            @pl.when(q < NQUAD - 1)
            def _():
                pltpu.async_copy(
                    g_hbm.at[si_v.at[lax.rem(k0 + NBUF + b, BLK)]],
                    bufs[b], gsems[b])

    plsc.subcore_barrier()

    @pl.when(c == 0)
    def _():
        pltpu.sync_copy(acc_sh.at[pl.ds(s * RPS, RPS)],
                        out0_hbm.at[pl.ds(s * RPS, RPS)])

    @pl.when(c == 1)
    def _():
        pltpu.sync_copy(acc_sh.at[pl.ds(s * RPS, RPS)],
                        out1_hbm.at[pl.ds(s * RPS, RPS)])


BR = 2000
GR = N_NODES // BR


_tc_params = pltpu.CompilerParams(dimension_semantics=("parallel",))


def _mm0_body(x_ref, w_ref, o_ref):
    o_ref[...] = jnp.dot(x_ref[...], w_ref[...],
                         preferred_element_type=jnp.float32)


_mm0 = pl.pallas_call(
    _mm0_body,
    compiler_params=_tc_params,
    grid=(GR,),
    in_specs=[pl.BlockSpec((BR, F), lambda i: (i, 0)),
              pl.BlockSpec((F, F), lambda i: (0, 0))],
    out_specs=pl.BlockSpec((BR, F), lambda i: (i, 0)),
    out_shape=jax.ShapeDtypeStruct((N_NODES, F), jnp.float32),
)


def _scale_body(h_ref, d0_ref, d1_ref, g_ref, dis_ref):
    deg = d0_ref[...] + d1_ref[...] + 1.0
    dis = lax.rsqrt(deg)
    dis_ref[...] = dis
    g_ref[...] = h_ref[...] * dis


_scale = pl.pallas_call(
    _scale_body,
    compiler_params=_tc_params,
    grid=(GR,),
    in_specs=[pl.BlockSpec((BR, F), lambda i: (i, 0)),
              pl.BlockSpec((BR, 1), lambda i: (i, 0)),
              pl.BlockSpec((BR, 1), lambda i: (i, 0))],
    out_specs=[pl.BlockSpec((BR, F), lambda i: (i, 0)),
               pl.BlockSpec((BR, 1), lambda i: (i, 0))],
    out_shape=[jax.ShapeDtypeStruct((N_NODES, F), jnp.float32),
               jax.ShapeDtypeStruct((N_NODES, 1), jnp.float32)],
)


def _fuse_body(p0_ref, p1_ref, g0_ref, dis_ref, b_ref, o_ref):
    dis = dis_ref[...]
    h1 = dis * (p0_ref[...] + p1_ref[...] + g0_ref[...]) + b_ref[...]
    o_ref[...] = dis * jnp.maximum(h1, 0.0)


_fuse = pl.pallas_call(
    _fuse_body,
    compiler_params=_tc_params,
    grid=(GR,),
    in_specs=[pl.BlockSpec((BR, F), lambda i: (i, 0)),
              pl.BlockSpec((BR, F), lambda i: (i, 0)),
              pl.BlockSpec((BR, F), lambda i: (i, 0)),
              pl.BlockSpec((BR, 1), lambda i: (i, 0)),
              pl.BlockSpec((1, F), lambda i: (0, 0))],
    out_specs=pl.BlockSpec((BR, F), lambda i: (i, 0)),
    out_shape=jax.ShapeDtypeStruct((N_NODES, F), jnp.float32),
)


def _mm2_body(p0_ref, p1_ref, g1_ref, dis_ref, w_ref, b_ref, mean_ref,
              log_ref):
    q = dis_ref[...] * (p0_ref[...] + p1_ref[...] + g1_ref[...])
    out = jnp.dot(q, w_ref[...], preferred_element_type=jnp.float32) + b_ref[...]
    mean_ref[...] = out[:, :OUT_CH]
    log_ref[...] = out[:, OUT_CH:]


_mm2 = pl.pallas_call(
    _mm2_body,
    compiler_params=_tc_params,
    grid=(GR,),
    in_specs=[pl.BlockSpec((BR, F), lambda i: (i, 0)),
              pl.BlockSpec((BR, F), lambda i: (i, 0)),
              pl.BlockSpec((BR, F), lambda i: (i, 0)),
              pl.BlockSpec((BR, 1), lambda i: (i, 0)),
              pl.BlockSpec((F, F), lambda i: (0, 0)),
              pl.BlockSpec((1, F), lambda i: (0, 0))],
    out_specs=[pl.BlockSpec((BR, OUT_CH), lambda i: (i, 0)),
               pl.BlockSpec((BR, OUT_CH), lambda i: (i, 0))],
    out_shape=[jax.ShapeDtypeStruct((N_NODES, OUT_CH), jnp.float32),
               jax.ShapeDtypeStruct((N_NODES, OUT_CH), jnp.float32)],
)


@jax.jit
def _run(x, edge_index, W0, b0, Wm, bm, Wl, bl):
    ei = edge_index.astype(jnp.int32)
    edge2 = ei.reshape(2, NW, EPW)
    edge5 = ei.reshape(2, NW, NBLK, BLK, CHUNK)

    d0, d1 = _deg_kernel(edge2)
    h0 = _mm0(x, W0)
    g0, dis = _scale(h0, d0[:N_NODES, None], d1[:N_NODES, None])
    s0a, s0b = _scat_kernel(g0, edge5)
    g1 = _fuse(s0a, s0b, g0, dis, b0.reshape(1, F))
    s1a, s1b = _scat_kernel(g1, edge5)
    W_ml = jnp.concatenate([Wm, Wl], axis=1)
    b_ml = jnp.concatenate([bm, bl]).reshape(1, F)
    mean, logstd = _mm2(s1a, s1b, g1, dis, W_ml, b_ml)
    return (mean, logstd)


def kernel(x, edge_index, W0, b0, Wm, bm, Wl, bl):
    return _run(x, edge_index, W0, b0, Wm, bm, Wl, bl)

# --- scband reference (transcript-rebuilt; emitter-appended) ---
"""Pipeline reference for scband-i-vgae-encoder-57604101373963 (READ-ONLY COPY).

The authoritative reference and input builder live on the scoring server;
editing this copy changes nothing except your own understanding.
"""

import jax, jax.numpy as jnp
import numpy as np

N_NODES = 10000
N_EDGES = 320000
IN_CH = 128
HID_CH = 128
OUT_CH = 64


def _glorot(key, shape):
    fan_in, fan_out = shape[0], shape[1]
    limit = np.sqrt(6.0 / (fan_in + fan_out))
    return jax.random.uniform(key, shape, dtype=jnp.float32, minval=-limit, maxval=limit)


def setup_inputs(seed: int = 0) -> dict:
    key = jax.random.key(seed)
    ks = jax.random.split(key, 8)
    x = jax.random.normal(ks[0], (N_NODES, IN_CH), dtype=jnp.float32)
    edge_index = jax.random.randint(ks[1], (2, N_EDGES), 0, N_NODES, dtype=jnp.int64)
    W0 = _glorot(ks[2], (IN_CH, HID_CH))
    b0 = jnp.zeros((HID_CH,), dtype=jnp.float32)
    Wm = _glorot(ks[3], (HID_CH, OUT_CH))
    bm = jnp.zeros((OUT_CH,), dtype=jnp.float32)
    Wl = _glorot(ks[4], (HID_CH, OUT_CH))
    bl = jnp.zeros((OUT_CH,), dtype=jnp.float32)
    return {"x": x, "edge_index": edge_index, "W0": W0, "b0": b0,
            "Wm": Wm, "bm": bm, "Wl": Wl, "bl": bl}


def _gcn_conv(x, src, dst, norm, W, b, n_nodes):
    # PyG GCNConv: out = D^{-1/2} (A + I) D^{-1/2} X W + b
    h = x @ W
    msg = h[src] * norm[:, None]
    out = jnp.zeros((n_nodes, h.shape[1]), dtype=h.dtype).at[dst].add(msg)
    return out + b


def _build_norm(edge_index, n_nodes):
    loop = jnp.arange(n_nodes, dtype=edge_index.dtype)
    src = jnp.concatenate([edge_index[0], loop])
    dst = jnp.concatenate([edge_index[1], loop])
    deg = jnp.zeros((n_nodes,), dtype=jnp.float32).at[dst].add(1.0)
    deg_inv_sqrt = jnp.where(deg > 0, 1.0 / jnp.sqrt(deg), 0.0)
    norm = deg_inv_sqrt[src] * deg_inv_sqrt[dst]
    return src, dst, norm


def reference(x, edge_index, W0, b0, Wm, bm, Wl, bl):
    n_nodes = x.shape[0]
    src, dst, norm = _build_norm(edge_index, n_nodes)
    h = _gcn_conv(x, src, dst, norm, W0, b0, n_nodes)
    h = jax.nn.relu(h)
    mean = _gcn_conv(h, src, dst, norm, Wm, bm, n_nodes)
    logstd = _gcn_conv(h, src, dst, norm, Wl, bl, n_nodes)
    return (mean, logstd)

if __name__ == "__main__":
    import jax
    _d = setup_inputs()
    print(jax.jit(kernel)(*tuple(_d.values())))

</pallas_src>

<mosaic_0001>
#map = affine_map<(d0, d1) -> (0, 0)>
#map1 = affine_map<(d0, d1) -> (0, 0, 0, 0, 0)>
module attributes {stable_mosaic.version = 14 : i64} {
  func.func @_scat_kernel(%arg0: i32, %arg1: i32, %arg2: memref<10000x128xf32, #tpu.memory_space<hbm>>, %arg3: memref<2x32x2x40x125xi32, #tpu.memory_space<hbm>>, %arg4: memref<10240x128xf32, #tpu.memory_space<hbm>>, %arg5: memref<10240x128xf32, #tpu.memory_space<hbm>>, %arg6: memref<40x125xi32, #tpu.memory_space<vmem>>, %arg7: memref<40x125xi32, #tpu.memory_space<vmem>>, %arg8: memref<125x128xf32, #tpu.memory_space<vmem>>, %arg9: memref<125x128xf32, #tpu.memory_space<vmem>>, %arg10: memref<32x128xf32, #tpu.memory_space<vmem>>, %arg11: memref<10240x128xf32, #tpu.memory_space<vmem_shared>>, %arg12: memref<!tpu.dma_semaphore, #tpu.memory_space<semaphore_mem>>, %arg13: memref<!tpu.dma_semaphore, #tpu.memory_space<semaphore_mem>>, %arg14: memref<!tpu.dma_semaphore, #tpu.memory_space<semaphore_mem>>, %arg15: memref<!tpu.dma_semaphore, #tpu.memory_space<semaphore_mem>>) attributes {dimension_semantics = [#tpu.dimension_semantics<core_parallel>, #tpu.dimension_semantics<subcore_parallel>], iteration_bounds = array<i64: 2, 16>, scalar_prefetch = 0 : i64, scratch_operands = 10 : i64, tpu.core_type = #tpu.core_type<sc_vector_subcore>, window_params = [{transform_indices = #map}, {transform_indices = #map1}, {transform_indices = #map}, {transform_indices = #map}]} {
    %mul3A = arith.constant 2 : i32
    %mul3A_0 = arith.muli %arg1, %mul3A : i32
    %add3A = arith.addi %mul3A_0, %arg0 : i32
    %run_scoped3A = arith.constant 0 : i32
    %run_scoped3A_1 = arith.constant 0 : i32
    "tpu.region"() ({
      %run_scoped3A_39 = tpu.sem_alloc : memref<!tpu.dma_semaphore, #tpu.memory_space<semaphore_mem>>
      %dma_start3A_40 = arith.constant 0 : i32
      %dma_start3A_41 = arith.constant 0 : i32
      %dma_start3A_42 = tpu.memref_slice %arg3[%run_scoped3A, %add3A, %run_scoped3A_1, %dma_start3A_40, %dma_start3A_41] : memref<2x32x2x40x125xi32, #tpu.memory_space<hbm>> -> memref<1x1x1x40x125xi32, #tpu.memory_space<hbm>>
      %dma_start3A_43 = tpu.memref_squeeze %dma_start3A_42 : memref<1x1x1x40x125xi32, #tpu.memory_space<hbm>> -> memref<40x125xi32, #tpu.memory_space<hbm>>
      %dma_start3A_44 = arith.constant 0 : i32
      %dma_start3A_45 = arith.constant 0 : i32
      %dma_start3A_46 = tpu.memref_slice %arg3[%run_scoped3A, %add3A, %run_scoped3A_1, %dma_start3A_44, %dma_start3A_45] : memref<2x32x2x40x125xi32, #tpu.memory_space<hbm>> -> memref<1x1x1x40x125xi32, #tpu.memory_space<hbm>>
      %dma_start3A_47 = tpu.memref_squeeze %dma_start3A_46 : memref<1x1x1x40x125xi32, #tpu.memory_space<hbm>> -> memref<40x125xi32, #tpu.memory_space<hbm>>
      tpu.enqueue_dma source(%dma_start3A_47 : memref<40x125xi32, #tpu.memory_space<hbm>>) target(%arg6 : memref<40x125xi32, #tpu.memory_space<vmem>>) target_semaphore(%run_scoped3A_39 : memref<!tpu.dma_semaphore, #tpu.memory_space<semaphore_mem>>)
      %dma_wait3A = arith.constant 0 : i32
      %dma_wait3A_48 = arith.constant 0 : i32
      %dma_wait3A_49 = tpu.memref_slice %arg3[%run_scoped3A, %add3A, %run_scoped3A_1, %dma_wait3A, %dma_wait3A_48] : memref<2x32x2x40x125xi32, #tpu.memory_space<hbm>> -> memref<1x1x1x40x125xi32, #tpu.memory_space<hbm>>
      %dma_wait3A_50 = tpu.memref_squeeze %dma_wait3A_49 : memref<1x1x1x40x125xi32, #tpu.memory_space<hbm>> -> memref<40x125xi32, #tpu.memory_space<hbm>>
      %dma_wait3A_51 = arith.constant 0 : i32
      %dma_wait3A_52 = arith.constant 0 : i32
      %dma_wait3A_53 = tpu.memref_slice %arg3[%run_scoped3A, %add3A, %run_scoped3A_1, %dma_wait3A_51, %dma_wait3A_52] : memref<2x32x2x40x125xi32, #tpu.memory_space<hbm>> -> memref<1x1x1x40x125xi32, #tpu.memory_space<hbm>>
      %dma_wait3A_54 = tpu.memref_squeeze %dma_wait3A_53 : memref<1x1x1x40x125xi32, #tpu.memory_space<hbm>> -> memref<40x125xi32, #tpu.memory_space<hbm>>
      tpu.wait_dma2 semaphore(%run_scoped3A_39 : memref<!tpu.dma_semaphore, #tpu.memory_space<semaphore_mem>>) src(%dma_wait3A_54 : memref<40x125xi32, #tpu.memory_space<hbm>>) dst(%arg6 : memref<40x125xi32, #tpu.memory_space<vmem>>)
      tpu.yield
    }) : () -> ()
    %run_scoped3A_2 = arith.constant 1 : i32
    %run_scoped3A_3 = arith.constant 0 : i32
    "tpu.region"() ({
      %run_scoped3A_39 = tpu.sem_alloc : memref<!tpu.dma_semaphore, #tpu.memory_space<semaphore_mem>>
      %dma_start3A_40 = arith.constant 0 : i32
      %dma_start3A_41 = arith.constant 0 : i32
      %dma_start3A_42 = tpu.memref_slice %arg3[%run_scoped3A_2, %add3A, %run_scoped3A_3, %dma_start3A_40, %dma_start3A_41] : memref<2x32x2x40x125xi32, #tpu.memory_space<hbm>> -> memref<1x1x1x40x125xi32, #tpu.memory_space<hbm>>
      %dma_start3A_43 = tpu.memref_squeeze %dma_start3A_42 : memref<1x1x1x40x125xi32, #tpu.memory_space<hbm>> -> memref<40x125xi32, #tpu.memory_space<hbm>>
      %dma_start3A_44 = arith.constant 0 : i32
      %dma_start3A_45 = arith.constant 0 : i32
      %dma_start3A_46 = tpu.memref_slice %arg3[%run_scoped3A_2, %add3A, %run_scoped3A_3, %dma_start3A_44, %dma_start3A_45] : memref<2x32x2x40x125xi32, #tpu.memory_space<hbm>> -> memref<1x1x1x40x125xi32, #tpu.memory_space<hbm>>
      %dma_start3A_47 = tpu.memref_squeeze %dma_start3A_46 : memref<1x1x1x40x125xi32, #tpu.memory_space<hbm>> -> memref<40x125xi32, #tpu.memory_space<hbm>>
      tpu.enqueue_dma source(%dma_start3A_47 : memref<40x125xi32, #tpu.memory_space<hbm>>) target(%arg7 : memref<40x125xi32, #tpu.memory_space<vmem>>) target_semaphore(%run_scoped3A_39 : memref<!tpu.dma_semaphore, #tpu.memory_space<semaphore_mem>>)
      %dma_wait3A = arith.constant 0 : i32
      %dma_wait3A_48 = arith.constant 0 : i32
      %dma_wait3A_49 = tpu.memref_slice %arg3[%run_scoped3A_2, %add3A, %run_scoped3A_3, %dma_wait3A, %dma_wait3A_48] : memref<2x32x2x40x125xi32, #tpu.memory_space<hbm>> -> memref<1x1x1x40x125xi32, #tpu.memory_space<hbm>>
      %dma_wait3A_50 = tpu.memref_squeeze %dma_wait3A_49 : memref<1x1x1x40x125xi32, #tpu.memory_space<hbm>> -> memref<40x125xi32, #tpu.memory_space<hbm>>
      %dma_wait3A_51 = arith.constant 0 : i32
      %dma_wait3A_52 = arith.constant 0 : i32
      %dma_wait3A_53 = tpu.memref_slice %arg3[%run_scoped3A_2, %add3A, %run_scoped3A_3, %dma_wait3A_51, %dma_wait3A_52] : memref<2x32x2x40x125xi32, #tpu.memory_space<hbm>> -> memref<1x1x1x40x125xi32, #tpu.memory_space<hbm>>
      %dma_wait3A_54 = tpu.memref_squeeze %dma_wait3A_53 : memref<1x1x1x40x125xi32, #tpu.memory_space<hbm>> -> memref<40x125xi32, #tpu.memory_space<hbm>>
      tpu.wait_dma2 semaphore(%run_scoped3A_39 : memref<!tpu.dma_semaphore, #tpu.memory_space<semaphore_mem>>) src(%dma_wait3A_54 : memref<40x125xi32, #tpu.memory_space<hbm>>) dst(%arg7 : memref<40x125xi32, #tpu.memory_space<vmem>>)
      tpu.yield
    }) : () -> ()
    %scan3A = arith.constant 0 : i32
    %scan3A_4 = arith.constant 32 : i32
    %scan3A_5 = arith.addi %scan3A, %scan3A_4 : i32
    %scan3A_6 = arith.constant 1 : i32
    scf.for %scan3A_39 = %scan3A to %scan3A_5 step %scan3A_6  : i32 {
      %mul3A_40 = arith.constant 1 : i32
      %mul3A_41 = arith.muli %scan3A_39, %mul3A_40 : i32
      %add3A_42 = arith.constant 0 : i32
      %add3A_43 = arith.addi %add3A_42, %mul3A_41 : i32
      %broadcast_in_dim3A = arith.constant 0.000000e+00 : f32
      %broadcast_in_dim3A_44 = vector.broadcast %broadcast_in_dim3A : f32 to vector<16xf32>
      %swap3A = arith.index_cast %add3A_43 : i32 to index
      %swap3A_45 = arith.constant 0 : index
      %swap3A_46 = tpu.vector_load %arg10[%swap3A, %swap3A_45] {strides = array<i32>} : memref<32x128xf32, #tpu.memory_space<vmem>>, vector<16xf32>,
      tpu.vector_store %arg10[%swap3A, %swap3A_45], %broadcast_in_dim3A_44 {strides = array<i32>} : memref<32x128xf32, #tpu.memory_space<vmem>>, vector<16xf32>,
      %broadcast_in_dim3A_47 = arith.constant 0.000000e+00 : f32
      %broadcast_in_dim3A_48 = vector.broadcast %broadcast_in_dim3A_47 : f32 to vector<16xf32>
      %swap3A_49 = arith.index_cast %add3A_43 : i32 to index
      %swap3A_50 = arith.constant 16 : index
      %swap3A_51 = tpu.vector_load %arg10[%swap3A_49, %swap3A_50] {strides = array<i32>} : memref<32x128xf32, #tpu.memory_space<vmem>>, vector<16xf32>,
      tpu.vector_store %arg10[%swap3A_49, %swap3A_50], %broadcast_in_dim3A_48 {strides = array<i32>} : memref<32x128xf32, #tpu.memory_space<vmem>>, vector<16xf32>,
      %broadcast_in_dim3A_52 = arith.constant 0.000000e+00 : f32
      %broadcast_in_dim3A_53 = vector.broadcast %broadcast_in_dim3A_52 : f32 to vector<16xf32>
      %swap3A_54 = arith.index_cast %add3A_43 : i32 to index
      %swap3A_55 = arith.constant 32 : index
      %swap3A_56 = tpu.vector_load %arg10[%swap3A_54, %swap3A_55] {strides = array<i32>} : memref<32x128xf32, #tpu.memory_space<vmem>>, vector<16xf32>,
      tpu.vector_store %arg10[%swap3A_54, %swap3A_55], %broadcast_in_dim3A_53 {strides = array<i32>} : memref<32x128xf32, #tpu.memory_space<vmem>>, vector<16xf32>,
      %broadcast_in_dim3A_57 = arith.constant 0.000000e+00 : f32
      %broadcast_in_dim3A_58 = vector.broadcast %broadcast_in_dim3A_57 : f32 to vector<16xf32>
      %swap3A_59 = arith.index_cast %add3A_43 : i32 to index
      %swap3A_60 = arith.constant 48 : index
      %swap3A_61 = tpu.vector_load %arg10[%swap3A_59, %swap3A_60] {strides = array<i32>} : memref<32x128xf32, #tpu.memory_space<vmem>>, vector<16xf32>,
      tpu.vector_store %arg10[%swap3A_59, %swap3A_60], %broadcast_in_dim3A_58 {strides = array<i32>} : memref<32x128xf32, #tpu.memory_space<vmem>>, vector<16xf32>,
      %broadcast_in_dim3A_62 = arith.constant 0.000000e+00 : f32
      %broadcast_in_dim3A_63 = vector.broadcast %broadcast_in_dim3A_62 : f32 to vector<16xf32>
      %swap3A_64 = arith.index_cast %add3A_43 : i32 to index
      %swap3A_65 = arith.constant 64 : index
      %swap3A_66 = tpu.vector_load %arg10[%swap3A_64, %swap3A_65] {strides = array<i32>} : memref<32x128xf32, #tpu.memory_space<vmem>>, vector<16xf32>,
      tpu.vector_store %arg10[%swap3A_64, %swap3A_65], %broadcast_in_dim3A_63 {strides = array<i32>} : memref<32x128xf32, #tpu.memory_space<vmem>>, vector<16xf32>,
      %broadcast_in_dim3A_67 = arith.constant 0.000000e+00 : f32
      %broadcast_in_dim3A_68 = vector.broadcast %broadcast_in_dim3A_67 : f32 to vector<16xf32>
      %swap3A_69 = arith.index_cast %add3A_43 : i32 to index
      %swap3A_70 = arith.constant 80 : index
      %swap3A_71 = tpu.vector_load %arg10[%swap3A_69, %swap3A_70] {strides = array<i32>} : memref<32x128xf32, #tpu.memory_space<vmem>>, vector<16xf32>,
      tpu.vector_store %arg10[%swap3A_69, %swap3A_70], %broadcast_in_dim3A_68 {strides = array<i32>} : memref<32x128xf32, #tpu.memory_space<vmem>>, vector<16xf32>,
      %broadcast_in_dim3A_72 = arith.constant 0.000000e+00 : f32
      %broadcast_in_dim3A_73 = vector.broadcast %broadcast_in_dim3A_72 : f32 to vector<16xf32>
      %swap3A_74 = arith.index_cast %add3A_43 : i32 to index
      %swap3A_75 = arith.constant 96 : index
      %swap3A_76 = tpu.vector_load %arg10[%swap3A_74, %swap3A_75] {strides = array<i32>} : memref<32x128xf32, #tpu.memory_space<vmem>>, vector<16xf32>,
      tpu.vector_store %arg10[%swap3A_74, %swap3A_75], %broadcast_in_dim3A_73 {strides = array<i32>} : memref<32x128xf32, #tpu.memory_space<vmem>>, vector<16xf32>,
      %broadcast_in_dim3A_77 = arith.constant 0.000000e+00 : f32
      %broadcast_in_dim3A_78 = vector.broadcast %broadcast_in_dim3A_77 : f32 to vector<16xf32>
      %swap3A_79 = arith.index_cast %add3A_43 : i32 to index
      %swap3A_80 = arith.constant 112 : index
      %swap3A_81 = tpu.vector_load %arg10[%swap3A_79, %swap3A_80] {strides = array<i32>} : memref<32x128xf32, #tpu.memory_space<vmem>>, vector<16xf32>,
      tpu.vector_store %arg10[%swap3A_79, %swap3A_80], %broadcast_in_dim3A_78 {strides = array<i32>} : memref<32x128xf32, #tpu.memory_space<vmem>>, vector<16xf32>,
    }
    %scan3A_7 = arith.constant 32 : i32
    %scan3A_8 = arith.constant 0 : i32
    %scan3A_9 = arith.constant 20 : i32
    %scan3A_10 = arith.addi %scan3A_8, %scan3A_9 : i32
    %scan3A_11 = arith.constant 1 : i32
    scf.for %scan3A_39 = %scan3A_8 to %scan3A_10 step %scan3A_11  : i32 {
      %mul3A_40 = arith.constant 1 : i32
      %mul3A_41 = arith.muli %scan3A_39, %mul3A_40 : i32
      %add3A_42 = arith.constant 0 : i32
      %add3A_43 = arith.addi %add3A_42, %mul3A_41 : i32
      %mul3A_44 = arith.constant 640 : i32
      %mul3A_45 = arith.muli %arg1, %mul3A_44 : i32
      %mul3A_46 = arith.constant 32 : i32
      %mul3A_47 = arith.muli %add3A_43, %mul3A_46 : i32
      %add3A_48 = arith.addi %mul3A_45, %mul3A_47 : i32
      "tpu.region"() ({
        %run_scoped3A_49 = tpu.sem_alloc : memref<!tpu.dma_semaphore, #tpu.memory_space<semaphore_mem>>
        %dma_start3A_50 = arith.constant 0 : i32
        %dma_start3A_51 = tpu.memref_slice %arg11[%add3A_48, %dma_start3A_50] : memref<10240x128xf32, #tpu.memory_space<vmem_shared>> -> memref<32x128xf32, #tpu.memory_space<vmem_shared>>
        %dma_start3A_52 = arith.constant 0 : i32
        %dma_start3A_53 = tpu.memref_slice %arg11[%add3A_48, %dma_start3A_52] : memref<10240x128xf32, #tpu.memory_space<vmem_shared>> -> memref<32x128xf32, #tpu.memory_space<vmem_shared>>
        tpu.enqueue_dma source(%arg10 : memref<32x128xf32, #tpu.memory_space<vmem>>) target(%dma_start3A_53 : memref<32x128xf32, #tpu.memory_space<vmem_shared>>) target_semaphore(%run_scoped3A_49 : memref<!tpu.dma_semaphore, #tpu.memory_space<semaphore_mem>>)
        %dma_wait3A = arith.constant 0 : i32
        %dma_wait3A_54 = tpu.memref_slice %arg11[%add3A_48, %dma_wait3A] : memref<10240x128xf32, #tpu.memory_space<vmem_shared>> -> memref<32x128xf32, #tpu.memory_space<vmem_shared>>
        %dma_wait3A_55 = arith.constant 0 : i32
        %dma_wait3A_56 = tpu.memref_slice %arg11[%add3A_48, %dma_wait3A_55] : memref<10240x128xf32, #tpu.memory_space<vmem_shared>> -> memref<32x128xf32, #tpu.memory_space<vmem_shared>>
        tpu.wait_dma2 semaphore(%run_scoped3A_49 : memref<!tpu.dma_semaphore, #tpu.memory_space<semaphore_mem>>) src(%arg10 : memref<32x128xf32, #tpu.memory_space<vmem>>) dst(%dma_wait3A_56 : memref<32x128xf32, #tpu.memory_space<vmem_shared>>)
        tpu.yield
      }) : () -> ()
    }
    %scan3A_12 = arith.constant 20 : i32
    %barrier3A = arith.constant 0 : index
    tpu.barrier barrier_id(%barrier3A)
    %dma_start3A = arith.constant 0 : i32
    %dma_start3A_13 = arith.constant 0 : i32
    %dma_start3A_14 = tpu.memref_slice %arg6[%dma_start3A, %dma_start3A_13] : memref<40x125xi32, #tpu.memory_space<vmem>> -> memref<1x125xi32, #tpu.memory_space<vmem>>
    %dma_start3A_15 = tpu.memref_squeeze %dma_start3A_14 : memref<1x125xi32, #tpu.memory_space<vmem>> -> memref<125xi32, #tpu.memory_space<vmem>>
    %dma_start3A_16 = arith.constant 0 : i32
    %dma_start3A_17 = arith.constant 0 : i32
    %dma_start3A_18 = tpu.memref_slice %arg2[%dma_start3A_16, %dma_start3A_17] : memref<10000x128xf32, #tpu.memory_space<hbm>> -> memref<10000x128xf32, #tpu.memory_space<hbm>>
    tpu.enqueue_indirect_dma source(%dma_start3A_18 : memref<10000x128xf32, #tpu.memory_space<hbm>>) target(%arg8 : memref<125x128xf32, #tpu.memory_space<vmem>>) offsets(%dma_start3A_15 : memref<125xi32, #tpu.memory_space<vmem>>) semaphore(%arg12 : memref<!tpu.dma_semaphore, #tpu.memory_space<semaphore_mem>>)
    %dma_start3A_19 = arith.constant 1 : i32
    %dma_start3A_20 = arith.constant 0 : i32
    %dma_start3A_21 = tpu.memref_slice %arg6[%dma_start3A_19, %dma_start3A_20] : memref<40x125xi32, #tpu.memory_space<vmem>> -> memref<1x125xi32, #tpu.memory_space<vmem>>
    %dma_start3A_22 = tpu.memref_squeeze %dma_start3A_21 : memref<1x125xi32, #tpu.memory_space<vmem>> -> memref<125xi32, #tpu.memory_space<vmem>>
    %dma_start3A_23 = arith.constant 0 : i32
    %dma_start3A_24 = arith.constant 0 : i32
    %dma_start3A_25 = tpu.memref_slice %arg2[%dma_start3A_23, %dma_start3A_24] : memref<10000x128xf32, #tpu.memory_space<hbm>> -> memref<10000x128xf32, #tpu.memory_space<hbm>>
    tpu.enqueue_indirect_dma source(%dma_start3A_25 : memref<10000x128xf32, #tpu.memory_space<hbm>>) target(%arg9 : memref<125x128xf32, #tpu.memory_space<vmem>>) offsets(%dma_start3A_22 : memref<125xi32, #tpu.memory_space<vmem>>) semaphore(%arg13 : memref<!tpu.dma_semaphore, #tpu.memory_space<semaphore_mem>>)
    %scan3A_26 = arith.constant 0 : i32
    %scan3A_27 = arith.constant 40 : i32
    %scan3A_28 = arith.addi %scan3A_26, %scan3A_27 : i32
    %scan3A_29 = arith.constant 1 : i32
    scf.for %scan3A_39 = %scan3A_26 to %scan3A_28 step %scan3A_29  : i32 {
      %mul3A_40 = arith.constant 1 : i32
      %mul3A_41 = arith.muli %scan3A_39, %mul3A_40 : i32
      %add3A_42 = arith.constant 0 : i32
      %add3A_43 = arith.addi %add3A_42, %mul3A_41 : i32
      %mul3A_44 = arith.constant 2 : i32
      %mul3A_45 = arith.muli %add3A_43, %mul3A_44 : i32
      %dma_wait3A = arith.constant 0 : i32
      %dma_wait3A_46 = arith.constant 0 : i32
      %dma_wait3A_47 = tpu.memref_slice %arg6[%dma_wait3A, %dma_wait3A_46] : memref<40x125xi32, #tpu.memory_space<vmem>> -> memref<1x125xi32, #tpu.memory_space<vmem>>
      %dma_wait3A_48 = tpu.memref_squeeze %dma_wait3A_47 : memref<1x125xi32, #tpu.memory_space<vmem>> -> memref<125xi32, #tpu.memory_space<vmem>>
      %dma_wait3A_49 = arith.constant 0 : i32
      %dma_wait3A_50 = arith.constant 0 : i32
      %dma_wait3A_51 = tpu.memref_slice %arg2[%dma_wait3A_49, %dma_wait3A_50] : memref<10000x128xf32, #tpu.memory_space<hbm>> -> memref<10000x128xf32, #tpu.memory_space<hbm>>
      tpu.wait_indirect_dma semaphore(%arg12 : memref<!tpu.dma_semaphore, #tpu.memory_space<semaphore_mem>>) src(%dma_wait3A_51 : memref<10000x128xf32, #tpu.memory_space<hbm>>) dst(%arg8 : memref<125x128xf32, #tpu.memory_space<vmem>>)
      %add3A_52 = arith.constant 0 : i32
      %add3A_53 = arith.addi %mul3A_45, %add3A_52 : i32
      %rem3A = arith.constant 40 : i32
      %rem3A_54 = arith.remsi %add3A_53, %rem3A : i32
      %dma_start3A_55 = arith.constant 0 : i32
      %dma_start3A_56 = tpu.memref_slice %arg7[%rem3A_54, %dma_start3A_55] : memref<40x125xi32, #tpu.memory_space<vmem>> -> memref<1x125xi32, #tpu.memory_space<vmem>>
      %dma_start3A_57 = tpu.memref_squeeze %dma_start3A_56 : memref<1x125xi32, #tpu.memory_space<vmem>> -> memref<125xi32, #tpu.memory_space<vmem>>
      %dma_start3A_58 = arith.constant 0 : i32
      %dma_start3A_59 = arith.constant 0 : i32
      %dma_start3A_60 = tpu.memref_slice %arg11[%dma_start3A_58, %dma_start3A_59] : memref<10240x128xf32, #tpu.memory_space<vmem_shared>> -> memref<10240x128xf32, #tpu.memory_space<vmem_shared>>
      tpu.enqueue_indirect_dma source(%arg8 : memref<125x128xf32, #tpu.memory_space<vmem>>) target(%dma_start3A_60 : memref<10240x128xf32, #tpu.memory_space<vmem_shared>>) offsets(%dma_start3A_57 : memref<125xi32, #tpu.memory_space<vmem>>) semaphore(%arg14 : memref<!tpu.dma_semaphore, #tpu.memory_space<semaphore_mem>>) {add = true}
      %dma_wait3A_61 = arith.constant 0 : i32
      %dma_wait3A_62 = arith.constant 0 : i32
      %dma_wait3A_63 = tpu.memref_slice %arg6[%dma_wait3A_61, %dma_wait3A_62] : memref<40x125xi32, #tpu.memory_space<vmem>> -> memref<1x125xi32, #tpu.memory_space<vmem>>
      %dma_wait3A_64 = tpu.memref_squeeze %dma_wait3A_63 : memref<1x125xi32, #tpu.memory_space<vmem>> -> memref<125xi32, #tpu.memory_space<vmem>>
      %dma_wait3A_65 = arith.constant 0 : i32
      %dma_wait3A_66 = arith.constant 0 : i32
      %dma_wait3A_67 = tpu.memref_slice %arg2[%dma_wait3A_65, %dma_wait3A_66] : memref<10000x128xf32, #tpu.memory_space<hbm>> -> memref<10000x128xf32, #tpu.memory_space<hbm>>
      tpu.wait_indirect_dma semaphore(%arg13 : memref<!tpu.dma_semaphore, #tpu.memory_space<semaphore_mem>>) src(%dma_wait3A_67 : memref<10000x128xf32, #tpu.memory_space<hbm>>) dst(%arg9 : memref<125x128xf32, #tpu.memory_space<vmem>>)
      %add3A_68 = arith.constant 1 : i32
      %add3A_69 = arith.addi %mul3A_45, %add3A_68 : i32
      %rem3A_70 = arith.constant 40 : i32
      %rem3A_71 = arith.remsi %add3A_69, %rem3A_70 : i32
      %dma_start3A_72 = arith.constant 0 : i32
      %dma_start3A_73 = tpu.memref_slice %arg7[%rem3A_71, %dma_start3A_72] : memref<40x125xi32, #tpu.memory_space<vmem>> -> memref<1x125xi32, #tpu.memory_space<vmem>>
      %dma_start3A_74 = tpu.memref_squeeze %dma_start3A_73 : memref<1x125xi32, #tpu.memory_space<vmem>> -> memref<125xi32, #tpu.memory_space<vmem>>
      %dma_start3A_75 = arith.constant 0 : i32
      %dma_start3A_76 = arith.constant 0 : i32
      %dma_start3A_77 = tpu.memref_slice %arg11[%dma_start3A_75, %dma_start3A_76] : memref<10240x128xf32, #tpu.memory_space<vmem_shared>> -> memref<10240x128xf32, #tpu.memory_space<vmem_shared>>
      tpu.enqueue_indirect_dma source(%arg9 : memref<125x128xf32, #tpu.memory_space<vmem>>) target(%dma_start3A_77 : memref<10240x128xf32, #tpu.memory_space<vmem_shared>>) offsets(%dma_start3A_74 : memref<125xi32, #tpu.memory_space<vmem>>) semaphore(%arg15 : memref<!tpu.dma_semaphore, #tpu.memory_space<semaphore_mem>>) {add = true}
      %dma_wait3A_78 = arith.constant 0 : i32
      %dma_wait3A_79 = tpu.memref_slice %arg7[%rem3A_54, %dma_wait3A_78] : memref<40x125xi32, #tpu.memory_space<vmem>> -> memref<1x125xi32, #tpu.memory_space<vmem>>
      %dma_wait3A_80 = tpu.memref_squeeze %dma_wait3A_79 : memref<1x125xi32, #tpu.memory_space<vmem>> -> memref<125xi32, #tpu.memory_space<vmem>>
      %dma_wait3A_81 = arith.constant 0 : i32
      %dma_wait3A_82 = arith.constant 0 : i32
      %dma_wait3A_83 = tpu.memref_slice %arg11[%dma_wait3A_81, %dma_wait3A_82] : memref<10240x128xf32, #tpu.memory_space<vmem_shared>> -> memref<10240x128xf32, #tpu.memory_space<vmem_shared>>
      tpu.wait_indirect_dma semaphore(%arg14 : memref<!tpu.dma_semaphore, #tpu.memory_space<semaphore_mem>>) src(%arg8 : memref<125x128xf32, #tpu.memory_space<vmem>>) dst(%dma_wait3A_83 : memref<10240x128xf32, #tpu.memory_space<vmem_shared>>)
      %dma_wait3A_84 = arith.constant 0 : i32
      %dma_wait3A_85 = tpu.memref_slice %arg7[%rem3A_71, %dma_wait3A_84] : memref<40x125xi32, #tpu.memory_space<vmem>> -> memref<1x125xi32, #tpu.memory_space<vmem>>
      %dma_wait3A_86 = tpu.memref_squeeze %dma_wait3A_85 : memref<1x125xi32, #tpu.memory_space<vmem>> -> memref<125xi32, #tpu.memory_space<vmem>>
      %dma_wait3A_87 = arith.constant 0 : i32
      %dma_wait3A_88 = arith.constant 0 : i32
      %dma_wait3A_89 = tpu.memref_slice %arg11[%dma_wait3A_87, %dma_wait3A_88] : memref<10240x128xf32, #tpu.memory_space<vmem_shared>> -> memref<10240x128xf32, #tpu.memory_space<vmem_shared>>
      tpu.wait_indirect_dma semaphore(%arg15 : memref<!tpu.dma_semaphore, #tpu.memory_space<semaphore_mem>>) src(%arg9 : memref<125x128xf32, #tpu.memory_space<vmem>>) dst(%dma_wait3A_89 : memref<10240x128xf32, #tpu.memory_space<vmem_shared>>)
      %rem3A_90 = arith.constant 20 : i32
      %rem3A_91 = arith.remsi %add3A_43, %rem3A_90 : i32
      %eq3A_92 = arith.constant 19 : i32
      %eq3A_93 = arith.cmpi eq, %rem3A_91, %eq3A_92 : i32
      %lt3A = arith.constant 39 : i32
      %lt3A_94 = arith.cmpi slt, %add3A_43, %lt3A : i32
      %and3A = arith.andi %eq3A_93, %lt3A_94 : i1
      %convert_element_type3A_95 = arith.extui %and3A : i1 to i32
      %cond3A_96 = arith.constant 0 : i32
      %cond3A_97 = arith.cmpi ne, %convert_element_type3A_95, %cond3A_96 : i32
      scf.if %cond3A_97 {
        %add3A_108 = arith.constant 1 : i32
        %add3A_109 = arith.addi %add3A_43, %add3A_108 : i32
        %div3A = arith.constant 20 : i32
        %div3A_110 = arith.divsi %add3A_109, %div3A : i32
        %run_scoped3A_111 = arith.constant 0 : i32
        "tpu.region"() ({
          %run_scoped3A_113 = tpu.sem_alloc : memref<!tpu.dma_semaphore, #tpu.memory_space<semaphore_mem>>
          %dma_start3A_114 = arith.constant 0 : i32
          %dma_start3A_115 = arith.constant 0 : i32
          %dma_start3A_116 = tpu.memref_slice %arg3[%run_scoped3A_111, %add3A, %div3A_110, %dma_start3A_114, %dma_start3A_115] : memref<2x32x2x40x125xi32, #tpu.memory_space<hbm>> -> memref<1x1x1x40x125xi32, #tpu.memory_space<hbm>>
          %dma_start3A_117 = tpu.memref_squeeze %dma_start3A_116 : memref<1x1x1x40x125xi32, #tpu.memory_space<hbm>> -> memref<40x125xi32, #tpu.memory_space<hbm>>
          %dma_start3A_118 = arith.constant 0 : i32
          %dma_start3A_119 = arith.constant 0 : i32
          %dma_start3A_120 = tpu.memref_slice %arg3[%run_scoped3A_111, %add3A, %div3A_110, %dma_start3A_118, %dma_start3A_119] : memref<2x32x2x40x125xi32, #tpu.memory_space<hbm>> -> memref<1x1x1x40x125xi32, #tpu.memory_space<hbm>>
          %dma_start3A_121 = tpu.memref_squeeze %dma_start3A_120 : memref<1x1x1x40x125xi32, #tpu.memory_space<hbm>> -> memref<40x125xi32, #tpu.memory_space<hbm>>
          tpu.enqueue_dma source(%dma_start3A_121 : memref<40x125xi32, #tpu.memory_space<hbm>>) target(%arg6 : memref<40x125xi32, #tpu.memory_space<vmem>>) target_semaphore(%run_scoped3A_113 : memref<!tpu.dma_semaphore, #tpu.memory_space<semaphore_mem>>)
          %dma_wait3A_122 = arith.constant 0 : i32
          %dma_wait3A_123 = arith.constant 0 : i32
          %dma_wait3A_124 = tpu.memref_slice %arg3[%run_scoped3A_111, %add3A, %div3A_110, %dma_wait3A_122, %dma_wait3A_123] : memref<2x32x2x40x125xi32, #tpu.memory_space<hbm>> -> memref<1x1x1x40x125xi32, #tpu.memory_space<hbm>>
          %dma_wait3A_125 = tpu.memref_squeeze %dma_wait3A_124 : memref<1x1x1x40x125xi32, #tpu.memory_space<hbm>> -> memref<40x125xi32, #tpu.memory_space<hbm>>
          %dma_wait3A_126 = arith.constant 0 : i32
          %dma_wait3A_127 = arith.constant 0 : i32
          %dma_wait3A_128 = tpu.memref_slice %arg3[%run_scoped3A_111, %add3A, %div3A_110, %dma_wait3A_126, %dma_wait3A_127] : memref<2x32x2x40x125xi32, #tpu.memory_space<hbm>> -> memref<1x1x1x40x125xi32, #tpu.memory_space<hbm>>
          %dma_wait3A_129 = tpu.memref_squeeze %dma_wait3A_128 : memref<1x1x1x40x125xi32, #tpu.memory_space<hbm>> -> memref<40x125xi32, #tpu.memory_space<hbm>>
          tpu.wait_dma2 semaphore(%run_scoped3A_113 : memref<!tpu.dma_semaphore, #tpu.memory_space<semaphore_mem>>) src(%dma_wait3A_129 : memref<40x125xi32, #tpu.memory_space<hbm>>) dst(%arg6 : memref<40x125xi32, #tpu.memory_space<vmem>>)
          tpu.yield
        }) : () -> ()
        %run_scoped3A_112 = arith.constant 1 : i32
        "tpu.region"() ({
          %run_scoped3A_113 = tpu.sem_alloc : memref<!tpu.dma_semaphore, #tpu.memory_space<semaphore_mem>>
          %dma_start3A_114 = arith.constant 0 : i32
          %dma_start3A_115 = arith.constant 0 : i32
          %dma_start3A_116 = tpu.memref_slice %arg3[%run_scoped3A_112, %add3A, %div3A_110, %dma_start3A_114, %dma_start3A_115] : memref<2x32x2x40x125xi32, #tpu.memory_space<hbm>> -> memref<1x1x1x40x125xi32, #tpu.memory_space<hbm>>
          %dma_start3A_117 = tpu.memref_squeeze %dma_start3A_116 : memref<1x1x1x40x125xi32, #tpu.memory_space<hbm>> -> memref<40x125xi32, #tpu.memory_space<hbm>>
          %dma_start3A_118 = arith.constant 0 : i32
          %dma_start3A_119 = arith.constant 0 : i32
          %dma_start3A_120 = tpu.memref_slice %arg3[%run_scoped3A_112, %add3A, %div3A_110, %dma_start3A_118, %dma_start3A_119] : memref<2x32x2x40x125xi32, #tpu.memory_space<hbm>> -> memref<1x1x1x40x125xi32, #tpu.memory_space<hbm>>
          %dma_start3A_121 = tpu.memref_squeeze %dma_start3A_120 : memref<1x1x1x40x125xi32, #tpu.memory_space<hbm>> -> memref<40x125xi32, #tpu.memory_space<hbm>>
          tpu.enqueue_dma source(%dma_start3A_121 : memref<40x125xi32, #tpu.memory_space<hbm>>) target(%arg7 : memref<40x125xi32, #tpu.memory_space<vmem>>) target_semaphore(%run_scoped3A_113 : memref<!tpu.dma_semaphore, #tpu.memory_space<semaphore_mem>>)
          %dma_wait3A_122 = arith.constant 0 : i32
          %dma_wait3A_123 = arith.constant 0 : i32
          %dma_wait3A_124 = tpu.memref_slice %arg3[%run_scoped3A_112, %add3A, %div3A_110, %dma_wait3A_122, %dma_wait3A_123] : memref<2x32x2x40x125xi32, #tpu.memory_space<hbm>> -> memref<1x1x1x40x125xi32, #tpu.memory_space<hbm>>
          %dma_wait3A_125 = tpu.memref_squeeze %dma_wait3A_124 : memref<1x1x1x40x125xi32, #tpu.memory_space<hbm>> -> memref<40x125xi32, #tpu.memory_space<hbm>>
          %dma_wait3A_126 = arith.constant 0 : i32
          %dma_wait3A_127 = arith.constant 0 : i32
          %dma_wait3A_128 = tpu.memref_slice %arg3[%run_scoped3A_112, %add3A, %div3A_110, %dma_wait3A_126, %dma_wait3A_127] : memref<2x32x2x40x125xi32, #tpu.memory_space<hbm>> -> memref<1x1x1x40x125xi32, #tpu.memory_space<hbm>>
          %dma_wait3A_129 = tpu.memref_squeeze %dma_wait3A_128 : memref<1x1x1x40x125xi32, #tpu.memory_space<hbm>> -> memref<40x125xi32, #tpu.memory_space<hbm>>
          tpu.wait_dma2 semaphore(%run_scoped3A_113 : memref<!tpu.dma_semaphore, #tpu.memory_space<semaphore_mem>>) src(%dma_wait3A_129 : memref<40x125xi32, #tpu.memory_space<hbm>>) dst(%arg7 : memref<40x125xi32, #tpu.memory_space<vmem>>)
          tpu.yield
        }) : () -> ()
      } else {
      }
      %lt3A_98 = arith.constant 39 : i32
      %lt3A_99 = arith.cmpi slt, %add3A_43, %lt3A_98 : i32
      %convert_element_type3A_100 = arith.extui %lt3A_99 : i1 to i32
      %cond3A_101 = arith.constant 0 : i32
      %cond3A_102 = arith.cmpi ne, %convert_element_type3A_100, %cond3A_101 : i32
      scf.if %cond3A_102 {
        %add3A_108 = arith.constant 2 : i32
        %add3A_109 = arith.addi %mul3A_45, %add3A_108 : i32
        %add3A_110 = arith.constant 0 : i32
        %add3A_111 = arith.addi %add3A_109, %add3A_110 : i32
        %rem3A_112 = arith.constant 40 : i32
        %rem3A_113 = arith.remsi %add3A_111, %rem3A_112 : i32
        %dma_start3A_114 = arith.constant 0 : i32
        %dma_start3A_115 = tpu.memref_slice %arg6[%rem3A_113, %dma_start3A_114] : memref<40x125xi32, #tpu.memory_space<vmem>> -> memref<1x125xi32, #tpu.memory_space<vmem>>
        %dma_start3A_116 = tpu.memref_squeeze %dma_start3A_115 : memref<1x125xi32, #tpu.memory_space<vmem>> -> memref<125xi32, #tpu.memory_space<vmem>>
        %dma_start3A_117 = arith.constant 0 : i32
        %dma_start3A_118 = arith.constant 0 : i32
        %dma_start3A_119 = tpu.memref_slice %arg2[%dma_start3A_117, %dma_start3A_118] : memref<10000x128xf32, #tpu.memory_space<hbm>> -> memref<10000x128xf32, #tpu.memory_space<hbm>>
        tpu.enqueue_indirect_dma source(%dma_start3A_119 : memref<10000x128xf32, #tpu.memory_space<hbm>>) target(%arg8 : memref<125x128xf32, #tpu.memory_space<vmem>>) offsets(%dma_start3A_116 : memref<125xi32, #tpu.memory_space<vmem>>) semaphore(%arg12 : memref<!tpu.dma_semaphore, #tpu.memory_space<semaphore_mem>>)
      } else {
      }
      %lt3A_103 = arith.constant 39 : i32
      %lt3A_104 = arith.cmpi slt, %add3A_43, %lt3A_103 : i32
      %convert_element_type3A_105 = arith.extui %lt3A_104 : i1 to i32
      %cond3A_106 = arith.constant 0 : i32
      %cond3A_107 = arith.cmpi ne, %convert_element_type3A_105, %cond3A_106 : i32
      scf.if %cond3A_107 {
        %add3A_108 = arith.constant 2 : i32
        %add3A_109 = arith.addi %mul3A_45, %add3A_108 : i32
        %add3A_110 = arith.constant 1 : i32
        %add3A_111 = arith.addi %add3A_109, %add3A_110 : i32
        %rem3A_112 = arith.constant 40 : i32
        %rem3A_113 = arith.remsi %add3A_111, %rem3A_112 : i32
        %dma_start3A_114 = arith.constant 0 : i32
        %dma_start3A_115 = tpu.memref_slice %arg6[%rem3A_113, %dma_start3A_114] : memref<40x125xi32, #tpu.memory_space<vmem>> -> memref<1x125xi32, #tpu.memory_space<vmem>>
        %dma_start3A_116 = tpu.memref_squeeze %dma_start3A_115 : memref<1x125xi32, #tpu.memory_space<vmem>> -> memref<125xi32, #tpu.memory_space<vmem>>
        %dma_start3A_117 = arith.constant 0 : i32
        %dma_start3A_118 = arith.constant 0 : i32
        %dma_start3A_119 = tpu.memref_slice %arg2[%dma_start3A_117, %dma_start3A_118] : memref<10000x128xf32, #tpu.memory_space<hbm>> -> memref<10000x128xf32, #tpu.memory_space<hbm>>
        tpu.enqueue_indirect_dma source(%dma_start3A_119 : memref<10000x128xf32, #tpu.memory_space<hbm>>) target(%arg9 : memref<125x128xf32, #tpu.memory_space<vmem>>) offsets(%dma_start3A_116 : memref<125xi32, #tpu.memory_space<vmem>>) semaphore(%arg13 : memref<!tpu.dma_semaphore, #tpu.memory_space<semaphore_mem>>)
      } else {
      }
    }
    %scan3A_30 = arith.constant 40 : i32
    %barrier3A_31 = arith.constant 0 : index
    tpu.barrier barrier_id(%barrier3A_31)
    %eq3A = arith.constant 0 : i32
    %eq3A_32 = arith.cmpi eq, %arg0, %eq3A : i32
    %convert_element_type3A = arith.extui %eq3A_32 : i1 to i32
    %cond3A = arith.constant 0 : i32
    %cond3A_33 = arith.cmpi ne, %convert_element_type3A, %cond3A : i32
    scf.if %cond3A_33 {
      %mul3A_39 = arith.constant 640 : i32
      %mul3A_40 = arith.muli %arg1, %mul3A_39 : i32
      %mul3A_41 = arith.constant 640 : i32
      %mul3A_42 = arith.muli %arg1, %mul3A_41 : i32
      "tpu.region"() ({
        %run_scoped3A_43 = tpu.sem_alloc : memref<!tpu.dma_semaphore, #tpu.memory_space<semaphore_mem>>
        %dma_start3A_44 = arith.constant 0 : i32
        %dma_start3A_45 = tpu.memref_slice %arg4[%mul3A_42, %dma_start3A_44] : memref<10240x128xf32, #tpu.memory_space<hbm>> -> memref<640x128xf32, #tpu.memory_space<hbm>>
        %dma_start3A_46 = arith.constant 0 : i32
        %dma_start3A_47 = tpu.memref_slice %arg11[%mul3A_40, %dma_start3A_46] : memref<10240x128xf32, #tpu.memory_space<vmem_shared>> -> memref<640x128xf32, #tpu.memory_space<vmem_shared>>
        tpu.enqueue_dma source(%dma_start3A_47 : memref<640x128xf32, #tpu.memory_space<vmem_shared>>) target(%dma_start3A_45 : memref<640x128xf32, #tpu.memory_space<hbm>>) target_semaphore(%run_scoped3A_43 : memref<!tpu.dma_semaphore, #tpu.memory_space<semaphore_mem>>)
        %dma_wait3A = arith.constant 0 : i32
        %dma_wait3A_48 = tpu.memref_slice %arg4[%mul3A_42, %dma_wait3A] : memref<10240x128xf32, #tpu.memory_space<hbm>> -> memref<640x128xf32, #tpu.memory_space<hbm>>
        %dma_wait3A_49 = arith.constant 0 : i32
        %dma_wait3A_50 = tpu.memref_slice %arg11[%mul3A_40, %dma_wait3A_49] : memref<10240x128xf32, #tpu.memory_space<vmem_shared>> -> memref<640x128xf32, #tpu.memory_space<vmem_shared>>
        tpu.wait_dma2 semaphore(%run_scoped3A_43 : memref<!tpu.dma_semaphore, #tpu.memory_space<semaphore_mem>>) src(%dma_wait3A_50 : memref<640x128xf32, #tpu.memory_space<vmem_shared>>) dst(%dma_wait3A_48 : memref<640x128xf32, #tpu.memory_space<hbm>>)
        tpu.yield
      }) : () -> ()
    } else {
    }
    %eq3A_34 = arith.constant 1 : i32
    %eq3A_35 = arith.cmpi eq, %arg0, %eq3A_34 : i32
    %convert_element_type3A_36 = arith.extui %eq3A_35 : i1 to i32
    %cond3A_37 = arith.constant 0 : i32
    %cond3A_38 = arith.cmpi ne, %convert_element_type3A_36, %cond3A_37 : i32
    scf.if %cond3A_38 {
      %mul3A_39 = arith.constant 640 : i32
      %mul3A_40 = arith.muli %arg1, %mul3A_39 : i32
      %mul3A_41 = arith.constant 640 : i32
      %mul3A_42 = arith.muli %arg1, %mul3A_41 : i32
      "tpu.region"() ({
        %run_scoped3A_43 = tpu.sem_alloc : memref<!tpu.dma_semaphore, #tpu.memory_space<semaphore_mem>>
        %dma_start3A_44 = arith.constant 0 : i32
        %dma_start3A_45 = tpu.memref_slice %arg5[%mul3A_42, %dma_start3A_44] : memref<10240x128xf32, #tpu.memory_space<hbm>> -> memref<640x128xf32, #tpu.memory_space<hbm>>
        %dma_start3A_46 = arith.constant 0 : i32
        %dma_start3A_47 = tpu.memref_slice %arg11[%mul3A_40, %dma_start3A_46] : memref<10240x128xf32, #tpu.memory_space<vmem_shared>> -> memref<640x128xf32, #tpu.memory_space<vmem_shared>>
        tpu.enqueue_dma source(%dma_start3A_47 : memref<640x128xf32, #tpu.memory_space<vmem_shared>>) target(%dma_start3A_45 : memref<640x128xf32, #tpu.memory_space<hbm>>) target_semaphore(%run_scoped3A_43 : memref<!tpu.dma_semaphore, #tpu.memory_space<semaphore_mem>>)
        %dma_wait3A = arith.constant 0 : i32
        %dma_wait3A_48 = tpu.memref_slice %arg5[%mul3A_42, %dma_wait3A] : memref<10240x128xf32, #tpu.memory_space<hbm>> -> memref<640x128xf32, #tpu.memory_space<hbm>>
        %dma_wait3A_49 = arith.constant 0 : i32
        %dma_wait3A_50 = tpu.memref_slice %arg11[%mul3A_40, %dma_wait3A_49] : memref<10240x128xf32, #tpu.memory_space<vmem_shared>> -> memref<640x128xf32, #tpu.memory_space<vmem_shared>>
        tpu.wait_dma2 semaphore(%run_scoped3A_43 : memref<!tpu.dma_semaphore, #tpu.memory_space<semaphore_mem>>) src(%dma_wait3A_50 : memref<640x128xf32, #tpu.memory_space<vmem_shared>>) dst(%dma_wait3A_48 : memref<640x128xf32, #tpu.memory_space<hbm>>)
        tpu.yield
      }) : () -> ()
    } else {
    }
    return
  }
}

#map = affine_map<(d0, d1) -> (0, 0)>
#map1 = affine_map<(d0, d1) -> (0, 0, 0, 0, 0)>
module attributes {stable_mosaic.version = 14 : i64} {
  func.func @_scat_kernel(%arg0: i32, %arg1: i32, %arg2: memref<10000x128xf32, #tpu.memory_space<hbm>>, %arg3: memref<2x32x2x40x125xi32, #tpu.memory_space<hbm>>, %arg4: memref<10240x128xf32, #tpu.memory_space<hbm>>, %arg5: memref<10240x128xf32, #tpu.memory_space<hbm>>, %arg6: memref<40x125xi32, #tpu.memory_space<vmem>>, %arg7: memref<40x125xi32, #tpu.memory_space<vmem>>, %arg8: memref<125x128xf32, #tpu.memory_space<vmem>>, %arg9: memref<125x128xf32, #tpu.memory_space<vmem>>, %arg10: memref<32x128xf32, #tpu.memory_space<vmem>>, %arg11: memref<10240x128xf32, #tpu.memory_space<vmem_shared>>, %arg12: memref<!tpu.dma_semaphore, #tpu.memory_space<semaphore_mem>>, %arg13: memref<!tpu.dma_semaphore, #tpu.memory_space<semaphore_mem>>, %arg14: memref<!tpu.dma_semaphore, #tpu.memory_space<semaphore_mem>>, %arg15: memref<!tpu.dma_semaphore, #tpu.memory_space<semaphore_mem>>) attributes {dimension_semantics = [#tpu.dimension_semantics<core_parallel>, #tpu.dimension_semantics<subcore_parallel>], iteration_bounds = array<i64: 2, 16>, scalar_prefetch = 0 : i64, scratch_operands = 10 : i64, tpu.core_type = #tpu.core_type<sc_vector_subcore>, window_params = [{transform_indices = #map}, {transform_indices = #map1}, {transform_indices = #map}, {transform_indices = #map}]} {
    %mul3A = arith.constant 2 : i32
    %mul3A_0 = arith.muli %arg1, %mul3A : i32
    %add3A = arith.addi %mul3A_0, %arg0 : i32
    %run_scoped3A = arith.constant 0 : i32
    %run_scoped3A_1 = arith.constant 0 : i32
    "tpu.region"() ({
      %run_scoped3A_39 = tpu.sem_alloc : memref<!tpu.dma_semaphore, #tpu.memory_space<semaphore_mem>>
      %dma_start3A_40 = arith.constant 0 : i32
      %dma_start3A_41 = arith.constant 0 : i32
      %dma_start3A_42 = tpu.memref_slice %arg3[%run_scoped3A, %add3A, %run_scoped3A_1, %dma_start3A_40, %dma_start3A_41] : memref<2x32x2x40x125xi32, #tpu.memory_space<hbm>> -> memref<1x1x1x40x125xi32, #tpu.memory_space<hbm>>
      %dma_start3A_43 = tpu.memref_squeeze %dma_start3A_42 : memref<1x1x1x40x125xi32, #tpu.memory_space<hbm>> -> memref<40x125xi32, #tpu.memory_space<hbm>>
      %dma_start3A_44 = arith.constant 0 : i32
      %dma_start3A_45 = arith.constant 0 : i32
      %dma_start3A_46 = tpu.memref_slice %arg3[%run_scoped3A, %add3A, %run_scoped3A_1, %dma_start3A_44, %dma_start3A_45] : memref<2x32x2x40x125xi32, #tpu.memory_space<hbm>> -> memref<1x1x1x40x125xi32, #tpu.memory_space<hbm>>
      %dma_start3A_47 = tpu.memref_squeeze %dma_start3A_46 : memref<1x1x1x40x125xi32, #tpu.memory_space<hbm>> -> memref<40x125xi32, #tpu.memory_space<hbm>>
      tpu.enqueue_dma source(%dma_start3A_47 : memref<40x125xi32, #tpu.memory_space<hbm>>) target(%arg6 : memref<40x125xi32, #tpu.memory_space<vmem>>) target_semaphore(%run_scoped3A_39 : memref<!tpu.dma_semaphore, #tpu.memory_space<semaphore_mem>>)
      %dma_wait3A = arith.constant 0 : i32
      %dma_wait3A_48 = arith.constant 0 : i32
      %dma_wait3A_49 = tpu.memref_slice %arg3[%run_scoped3A, %add3A, %run_scoped3A_1, %dma_wait3A, %dma_wait3A_48] : memref<2x32x2x40x125xi32, #tpu.memory_space<hbm>> -> memref<1x1x1x40x125xi32, #tpu.memory_space<hbm>>
      %dma_wait3A_50 = tpu.memref_squeeze %dma_wait3A_49 : memref<1x1x1x40x125xi32, #tpu.memory_space<hbm>> -> memref<40x125xi32, #tpu.memory_space<hbm>>
      %dma_wait3A_51 = arith.constant 0 : i32
      %dma_wait3A_52 = arith.constant 0 : i32
      %dma_wait3A_53 = tpu.memref_slice %arg3[%run_scoped3A, %add3A, %run_scoped3A_1, %dma_wait3A_51, %dma_wait3A_52] : memref<2x32x2x40x125xi32, #tpu.memory_space<hbm>> -> memref<1x1x1x40x125xi32, #tpu.memory_space<hbm>>
      %dma_wait3A_54 = tpu.memref_squeeze %dma_wait3A_53 : memref<1x1x1x40x125xi32, #tpu.memory_space<hbm>> -> memref<40x125xi32, #tpu.memory_space<hbm>>
      tpu.wait_dma2 semaphore(%run_scoped3A_39 : memref<!tpu.dma_semaphore, #tpu.memory_space<semaphore_mem>>) src(%dma_wait3A_54 : memref<40x125xi32, #tpu.memory_space<hbm>>) dst(%arg6 : memref<40x125xi32, #tpu.memory_space<vmem>>)
      tpu.yield
    }) : () -> ()
    %run_scoped3A_2 = arith.constant 1 : i32
    %run_scoped3A_3 = arith.constant 0 : i32
    "tpu.region"() ({
      %run_scoped3A_39 = tpu.sem_alloc : memref<!tpu.dma_semaphore, #tpu.memory_space<semaphore_mem>>
      %dma_start3A_40 = arith.constant 0 : i32
      %dma_start3A_41 = arith.constant 0 : i32
      %dma_start3A_42 = tpu.memref_slice %arg3[%run_scoped3A_2, %add3A, %run_scoped3A_3, %dma_start3A_40, %dma_start3A_41] : memref<2x32x2x40x125xi32, #tpu.memory_space<hbm>> -> memref<1x1x1x40x125xi32, #tpu.memory_space<hbm>>
      %dma_start3A_43 = tpu.memref_squeeze %dma_start3A_42 : memref<1x1x1x40x125xi32, #tpu.memory_space<hbm>> -> memref<40x125xi32, #tpu.memory_space<hbm>>
      %dma_start3A_44 = arith.constant 0 : i32
      %dma_start3A_45 = arith.constant 0 : i32
      %dma_start3A_46 = tpu.memref_slice %arg3[%run_scoped3A_2, %add3A, %run_scoped3A_3, %dma_start3A_44, %dma_start3A_45] : memref<2x32x2x40x125xi32, #tpu.memory_space<hbm>> -> memref<1x1x1x40x125xi32, #tpu.memory_space<hbm>>
      %dma_start3A_47 = tpu.memref_squeeze %dma_start3A_46 : memref<1x1x1x40x125xi32, #tpu.memory_space<hbm>> -> memref<40x125xi32, #tpu.memory_space<hbm>>
      tpu.enqueue_dma source(%dma_start3A_47 : memref<40x125xi32, #tpu.memory_space<hbm>>) target(%arg7 : memref<40x125xi32, #tpu.memory_space<vmem>>) target_semaphore(%run_scoped3A_39 : memref<!tpu.dma_semaphore, #tpu.memory_space<semaphore_mem>>)
      %dma_wait3A = arith.constant 0 : i32
      %dma_wait3A_48 = arith.constant 0 : i32
      %dma_wait3A_49 = tpu.memref_slice %arg3[%run_scoped3A_2, %add3A, %run_scoped3A_3, %dma_wait3A, %dma_wait3A_48] : memref<2x32x2x40x125xi32, #tpu.memory_space<hbm>> -> memref<1x1x1x40x125xi32, #tpu.memory_space<hbm>>
      %dma_wait3A_50 = tpu.memref_squeeze %dma_wait3A_49 : memref<1x1x1x40x125xi32, #tpu.memory_space<hbm>> -> memref<40x125xi32, #tpu.memory_space<hbm>>
      %dma_wait3A_51 = arith.constant 0 : i32
      %dma_wait3A_52 = arith.constant 0 : i32
      %dma_wait3A_53 = tpu.memref_slice %arg3[%run_scoped3A_2, %add3A, %run_scoped3A_3, %dma_wait3A_51, %dma_wait3A_52] : memref<2x32x2x40x125xi32, #tpu.memory_space<hbm>> -> memref<1x1x1x40x125xi32, #tpu.memory_space<hbm>>
      %dma_wait3A_54 = tpu.memref_squeeze %dma_wait3A_53 : memref<1x1x1x40x125xi32, #tpu.memory_space<hbm>> -> memref<40x125xi32, #tpu.memory_space<hbm>>
      tpu.wait_dma2 semaphore(%run_scoped3A_39 : memref<!tpu.dma_semaphore, #tpu.memory_space<semaphore_mem>>) src(%dma_wait3A_54 : memref<40x125xi32, #tpu.memory_space<hbm>>) dst(%arg7 : memref<40x125xi32, #tpu.memory_space<vmem>>)
      tpu.yield
    }) : () -> ()
    %scan3A = arith.constant 0 : i32
    %scan3A_4 = arith.constant 32 : i32
    %scan3A_5 = arith.addi %scan3A, %scan3A_4 : i32
    %scan3A_6 = arith.constant 1 : i32
    scf.for %scan3A_39 = %scan3A to %scan3A_5 step %scan3A_6  : i32 {
      %mul3A_40 = arith.constant 1 : i32
      %mul3A_41 = arith.muli %scan3A_39, %mul3A_40 : i32
      %add3A_42 = arith.constant 0 : i32
      %add3A_43 = arith.addi %add3A_42, %mul3A_41 : i32
      %broadcast_in_dim3A = arith.constant 0.000000e+00 : f32
      %broadcast_in_dim3A_44 = vector.broadcast %broadcast_in_dim3A : f32 to vector<16xf32>
      %swap3A = arith.index_cast %add3A_43 : i32 to index
      %swap3A_45 = arith.constant 0 : index
      %swap3A_46 = tpu.vector_load %arg10[%swap3A, %swap3A_45] {strides = array<i32>} : memref<32x128xf32, #tpu.memory_space<vmem>>, vector<16xf32>,
      tpu.vector_store %arg10[%swap3A, %swap3A_45], %broadcast_in_dim3A_44 {strides = array<i32>} : memref<32x128xf32, #tpu.memory_space<vmem>>, vector<16xf32>,
      %broadcast_in_dim3A_47 = arith.constant 0.000000e+00 : f32
      %broadcast_in_dim3A_48 = vector.broadcast %broadcast_in_dim3A_47 : f32 to vector<16xf32>
      %swap3A_49 = arith.index_cast %add3A_43 : i32 to index
      %swap3A_50 = arith.constant 16 : index
      %swap3A_51 = tpu.vector_load %arg10[%swap3A_49, %swap3A_50] {strides = array<i32>} : memref<32x128xf32, #tpu.memory_space<vmem>>, vector<16xf32>,
      tpu.vector_store %arg10[%swap3A_49, %swap3A_50], %broadcast_in_dim3A_48 {strides = array<i32>} : memref<32x128xf32, #tpu.memory_space<vmem>>, vector<16xf32>,
      %broadcast_in_dim3A_52 = arith.constant 0.000000e+00 : f32
      %broadcast_in_dim3A_53 = vector.broadcast %broadcast_in_dim3A_52 : f32 to vector<16xf32>
      %swap3A_54 = arith.index_cast %add3A_43 : i32 to index
      %swap3A_55 = arith.constant 32 : index
      %swap3A_56 = tpu.vector_load %arg10[%swap3A_54, %swap3A_55] {strides = array<i32>} : memref<32x128xf32, #tpu.memory_space<vmem>>, vector<16xf32>,
      tpu.vector_store %arg10[%swap3A_54, %swap3A_55], %broadcast_in_dim3A_53 {strides = array<i32>} : memref<32x128xf32, #tpu.memory_space<vmem>>, vector<16xf32>,
      %broadcast_in_dim3A_57 = arith.constant 0.000000e+00 : f32
      %broadcast_in_dim3A_58 = vector.broadcast %broadcast_in_dim3A_57 : f32 to vector<16xf32>
      %swap3A_59 = arith.index_cast %add3A_43 : i32 to index
      %swap3A_60 = arith.constant 48 : index
      %swap3A_61 = tpu.vector_load %arg10[%swap3A_59, %swap3A_60] {strides = array<i32>} : memref<32x128xf32, #tpu.memory_space<vmem>>, vector<16xf32>,
      tpu.vector_store %arg10[%swap3A_59, %swap3A_60], %broadcast_in_dim3A_58 {strides = array<i32>} : memref<32x128xf32, #tpu.memory_space<vmem>>, vector<16xf32>,
      %broadcast_in_dim3A_62 = arith.constant 0.000000e+00 : f32
      %broadcast_in_dim3A_63 = vector.broadcast %broadcast_in_dim3A_62 : f32 to vector<16xf32>
      %swap3A_64 = arith.index_cast %add3A_43 : i32 to index
      %swap3A_65 = arith.constant 64 : index
      %swap3A_66 = tpu.vector_load %arg10[%swap3A_64, %swap3A_65] {strides = array<i32>} : memref<32x128xf32, #tpu.memory_space<vmem>>, vector<16xf32>,
      tpu.vector_store %arg10[%swap3A_64, %swap3A_65], %broadcast_in_dim3A_63 {strides = array<i32>} : memref<32x128xf32, #tpu.memory_space<vmem>>, vector<16xf32>,
      %broadcast_in_dim3A_67 = arith.constant 0.000000e+00 : f32
      %broadcast_in_dim3A_68 = vector.broadcast %broadcast_in_dim3A_67 : f32 to vector<16xf32>
      %swap3A_69 = arith.index_cast %add3A_43 : i32 to index
      %swap3A_70 = arith.constant 80 : index
      %swap3A_71 = tpu.vector_load %arg10[%swap3A_69, %swap3A_70] {strides = array<i32>} : memref<32x128xf32, #tpu.memory_space<vmem>>, vector<16xf32>,
      tpu.vector_store %arg10[%swap3A_69, %swap3A_70], %broadcast_in_dim3A_68 {strides = array<i32>} : memref<32x128xf32, #tpu.memory_space<vmem>>, vector<16xf32>,
      %broadcast_in_dim3A_72 = arith.constant 0.000000e+00 : f32
      %broadcast_in_dim3A_73 = vector.broadcast %broadcast_in_dim3A_72 : f32 to vector<16xf32>
      %swap3A_74 = arith.index_cast %add3A_43 : i32 to index
      %swap3A_75 = arith.constant 96 : index
      %swap3A_76 = tpu.vector_load %arg10[%swap3A_74, %swap3A_75] {strides = array<i32>} : memref<32x128xf32, #tpu.memory_space<vmem>>, vector<16xf32>,
      tpu.vector_store %arg10[%swap3A_74, %swap3A_75], %broadcast_in_dim3A_73 {strides = array<i32>} : memref<32x128xf32, #tpu.memory_space<vmem>>, vector<16xf32>,
      %broadcast_in_dim3A_77 = arith.constant 0.000000e+00 : f32
      %broadcast_in_dim3A_78 = vector.broadcast %broadcast_in_dim3A_77 : f32 to vector<16xf32>
      %swap3A_79 = arith.index_cast %add3A_43 : i32 to index
      %swap3A_80 = arith.constant 112 : index
      %swap3A_81 = tpu.vector_load %arg10[%swap3A_79, %swap3A_80] {strides = array<i32>} : memref<32x128xf32, #tpu.memory_space<vmem>>, vector<16xf32>,
      tpu.vector_store %arg10[%swap3A_79, %swap3A_80], %broadcast_in_dim3A_78 {strides = array<i32>} : memref<32x128xf32, #tpu.memory_space<vmem>>, vector<16xf32>,
    }
    %scan3A_7 = arith.constant 32 : i32
    %scan3A_8 = arith.constant 0 : i32
    %scan3A_9 = arith.constant 20 : i32
    %scan3A_10 = arith.addi %scan3A_8, %scan3A_9 : i32
    %scan3A_11 = arith.constant 1 : i32
    scf.for %scan3A_39 = %scan3A_8 to %scan3A_10 step %scan3A_11  : i32 {
      %mul3A_40 = arith.constant 1 : i32
      %mul3A_41 = arith.muli %scan3A_39, %mul3A_40 : i32
      %add3A_42 = arith.constant 0 : i32
      %add3A_43 = arith.addi %add3A_42, %mul3A_41 : i32
      %mul3A_44 = arith.constant 640 : i32
      %mul3A_45 = arith.muli %arg1, %mul3A_44 : i32
      %mul3A_46 = arith.constant 32 : i32
      %mul3A_47 = arith.muli %add3A_43, %mul3A_46 : i32
      %add3A_48 = arith.addi %mul3A_45, %mul3A_47 : i32
      "tpu.region"() ({
        %run_scoped3A_49 = tpu.sem_alloc : memref<!tpu.dma_semaphore, #tpu.memory_space<semaphore_mem>>
        %dma_start3A_50 = arith.constant 0 : i32
        %dma_start3A_51 = tpu.memref_slice %arg11[%add3A_48, %dma_start3A_50] : memref<10240x128xf32, #tpu.memory_space<vmem_shared>> -> memref<32x128xf32, #tpu.memory_space<vmem_shared>>
        %dma_start3A_52 = arith.constant 0 : i32
        %dma_start3A_53 = tpu.memref_slice %arg11[%add3A_48, %dma_start3A_52] : memref<10240x128xf32, #tpu.memory_space<vmem_shared>> -> memref<32x128xf32, #tpu.memory_space<vmem_shared>>
        tpu.enqueue_dma source(%arg10 : memref<32x128xf32, #tpu.memory_space<vmem>>) target(%dma_start3A_53 : memref<32x128xf32, #tpu.memory_space<vmem_shared>>) target_semaphore(%run_scoped3A_49 : memref<!tpu.dma_semaphore, #tpu.memory_space<semaphore_mem>>)
        %dma_wait3A = arith.constant 0 : i32
        %dma_wait3A_54 = tpu.memref_slice %arg11[%add3A_48, %dma_wait3A] : memref<10240x128xf32, #tpu.memory_space<vmem_shared>> -> memref<32x128xf32, #tpu.memory_space<vmem_shared>>
        %dma_wait3A_55 = arith.constant 0 : i32
        %dma_wait3A_56 = tpu.memref_slice %arg11[%add3A_48, %dma_wait3A_55] : memref<10240x128xf32, #tpu.memory_space<vmem_shared>> -> memref<32x128xf32, #tpu.memory_space<vmem_shared>>
        tpu.wait_dma2 semaphore(%run_scoped3A_49 : memref<!tpu.dma_semaphore, #tpu.memory_space<semaphore_mem>>) src(%arg10 : memref<32x128xf32, #tpu.memory_space<vmem>>) dst(%dma_wait3A_56 : memref<32x128xf32, #tpu.memory_space<vmem_shared>>)
        tpu.yield
      }) : () -> ()
    }
    %scan3A_12 = arith.constant 20 : i32
    %barrier3A = arith.constant 0 : index
    tpu.barrier barrier_id(%barrier3A)
    %dma_start3A = arith.constant 0 : i32
    %dma_start3A_13 = arith.constant 0 : i32
    %dma_start3A_14 = tpu.memref_slice %arg6[%dma_start3A, %dma_start3A_13] : memref<40x125xi32, #tpu.memory_space<vmem>> -> memref<1x125xi32, #tpu.memory_space<vmem>>
    %dma_start3A_15 = tpu.memref_squeeze %dma_start3A_14 : memref<1x125xi32, #tpu.memory_space<vmem>> -> memref<125xi32, #tpu.memory_space<vmem>>
    %dma_start3A_16 = arith.constant 0 : i32
    %dma_start3A_17 = arith.constant 0 : i32
    %dma_start3A_18 = tpu.memref_slice %arg2[%dma_start3A_16, %dma_start3A_17] : memref<10000x128xf32, #tpu.memory_space<hbm>> -> memref<10000x128xf32, #tpu.memory_space<hbm>>
    tpu.enqueue_indirect_dma source(%dma_start3A_18 : memref<10000x128xf32, #tpu.memory_space<hbm>>) target(%arg8 : memref<125x128xf32, #tpu.memory_space<vmem>>) offsets(%dma_start3A_15 : memref<125xi32, #tpu.memory_space<vmem>>) semaphore(%arg12 : memref<!tpu.dma_semaphore, #tpu.memory_space<semaphore_mem>>)
    %dma_start3A_19 = arith.constant 1 : i32
    %dma_start3A_20 = arith.constant 0 : i32
    %dma_start3A_21 = tpu.memref_slice %arg6[%dma_start3A_19, %dma_start3A_20] : memref<40x125xi32, #tpu.memory_space<vmem>> -> memref<1x125xi32, #tpu.memory_space<vmem>>
    %dma_start3A_22 = tpu.memref_squeeze %dma_start3A_21 : memref<1x125xi32, #tpu.memory_space<vmem>> -> memref<125xi32, #tpu.memory_space<vmem>>
    %dma_start3A_23 = arith.constant 0 : i32
    %dma_start3A_24 = arith.constant 0 : i32
    %dma_start3A_25 = tpu.memref_slice %arg2[%dma_start3A_23, %dma_start3A_24] : memref<10000x128xf32, #tpu.memory_space<hbm>> -> memref<10000x128xf32, #tpu.memory_space<hbm>>
    tpu.enqueue_indirect_dma source(%dma_start3A_25 : memref<10000x128xf32, #tpu.memory_space<hbm>>) target(%arg9 : memref<125x128xf32, #tpu.memory_space<vmem>>) offsets(%dma_start3A_22 : memref<125xi32, #tpu.memory_space<vmem>>) semaphore(%arg13 : memref<!tpu.dma_semaphore, #tpu.memory_space<semaphore_mem>>)
    %scan3A_26 = arith.constant 0 : i32
    %scan3A_27 = arith.constant 40 : i32
    %scan3A_28 = arith.addi %scan3A_26, %scan3A_27 : i32
    %scan3A_29 = arith.constant 1 : i32
    scf.for %scan3A_39 = %scan3A_26 to %scan3A_28 step %scan3A_29  : i32 {
      %mul3A_40 = arith.constant 1 : i32
      %mul3A_41 = arith.muli %scan3A_39, %mul3A_40 : i32
      %add3A_42 = arith.constant 0 : i32
      %add3A_43 = arith.addi %add3A_42, %mul3A_41 : i32
      %mul3A_44 = arith.constant 2 : i32
      %mul3A_45 = arith.muli %add3A_43, %mul3A_44 : i32
      %dma_wait3A = arith.constant 0 : i32
      %dma_wait3A_46 = arith.constant 0 : i32
      %dma_wait3A_47 = tpu.memref_slice %arg6[%dma_wait3A, %dma_wait3A_46] : memref<40x125xi32, #tpu.memory_space<vmem>> -> memref<1x125xi32, #tpu.memory_space<vmem>>
      %dma_wait3A_48 = tpu.memref_squeeze %dma_wait3A_47 : memref<1x125xi32, #tpu.memory_space<vmem>> -> memref<125xi32, #tpu.memory_space<vmem>>
      %dma_wait3A_49 = arith.constant 0 : i32
      %dma_wait3A_50 = arith.constant 0 : i32
      %dma_wait3A_51 = tpu.memref_slice %arg2[%dma_wait3A_49, %dma_wait3A_50] : memref<10000x128xf32, #tpu.memory_space<hbm>> -> memref<10000x128xf32, #tpu.memory_space<hbm>>
      tpu.wait_indirect_dma semaphore(%arg12 : memref<!tpu.dma_semaphore, #tpu.memory_space<semaphore_mem>>) src(%dma_wait3A_51 : memref<10000x128xf32, #tpu.memory_space<hbm>>) dst(%arg8 : memref<125x128xf32, #tpu.memory_space<vmem>>)
      %add3A_52 = arith.constant 0 : i32
      %add3A_53 = arith.addi %mul3A_45, %add3A_52 : i32
      %rem3A = arith.constant 40 : i32
      %rem3A_54 = arith.remsi %add3A_53, %rem3A : i32
      %dma_start3A_55 = arith.constant 0 : i32
      %dma_start3A_56 = tpu.memref_slice %arg7[%rem3A_54, %dma_start3A_55] : memref<40x125xi32, #tpu.memory_space<vmem>> -> memref<1x125xi32, #tpu.memory_space<vmem>>
      %dma_start3A_57 = tpu.memref_squeeze %dma_start3A_56 : memref<1x125xi32, #tpu.memory_space<vmem>> -> memref<125xi32, #tpu.memory_space<vmem>>
      %dma_start3A_58 = arith.constant 0 : i32
      %dma_start3A_59 = arith.constant 0 : i32
      %dma_start3A_60 = tpu.memref_slice %arg11[%dma_start3A_58, %dma_start3A_59] : memref<10240x128xf32, #tpu.memory_space<vmem_shared>> -> memref<10240x128xf32, #tpu.memory_space<vmem_shared>>
      tpu.enqueue_indirect_dma source(%arg8 : memref<125x128xf32, #tpu.memory_space<vmem>>) target(%dma_start3A_60 : memref<10240x128xf32, #tpu.memory_space<vmem_shared>>) offsets(%dma_start3A_57 : memref<125xi32, #tpu.memory_space<vmem>>) semaphore(%arg14 : memref<!tpu.dma_semaphore, #tpu.memory_space<semaphore_mem>>) {add = true}
      %dma_wait3A_61 = arith.constant 0 : i32
      %dma_wait3A_62 = arith.constant 0 : i32
      %dma_wait3A_63 = tpu.memref_slice %arg6[%dma_wait3A_61, %dma_wait3A_62] : memref<40x125xi32, #tpu.memory_space<vmem>> -> memref<1x125xi32, #tpu.memory_space<vmem>>
      %dma_wait3A_64 = tpu.memref_squeeze %dma_wait3A_63 : memref<1x125xi32, #tpu.memory_space<vmem>> -> memref<125xi32, #tpu.memory_space<vmem>>
      %dma_wait3A_65 = arith.constant 0 : i32
      %dma_wait3A_66 = arith.constant 0 : i32
      %dma_wait3A_67 = tpu.memref_slice %arg2[%dma_wait3A_65, %dma_wait3A_66] : memref<10000x128xf32, #tpu.memory_space<hbm>> -> memref<10000x128xf32, #tpu.memory_space<hbm>>
      tpu.wait_indirect_dma semaphore(%arg13 : memref<!tpu.dma_semaphore, #tpu.memory_space<semaphore_mem>>) src(%dma_wait3A_67 : memref<10000x128xf32, #tpu.memory_space<hbm>>) dst(%arg9 : memref<125x128xf32, #tpu.memory_space<vmem>>)
      %add3A_68 = arith.constant 1 : i32
      %add3A_69 = arith.addi %mul3A_45, %add3A_68 : i32
      %rem3A_70 = arith.constant 40 : i32
      %rem3A_71 = arith.remsi %add3A_69, %rem3A_70 : i32
      %dma_start3A_72 = arith.constant 0 : i32
      %dma_start3A_73 = tpu.memref_slice %arg7[%rem3A_71, %dma_start3A_72] : memref<40x125xi32, #tpu.memory_space<vmem>> -> memref<1x125xi32, #tpu.memory_space<vmem>>
      %dma_start3A_74 = tpu.memref_squeeze %dma_start3A_73 : memref<1x125xi32, #tpu.memory_space<vmem>> -> memref<125xi32, #tpu.memory_space<vmem>>
      %dma_start3A_75 = arith.constant 0 : i32
      %dma_start3A_76 = arith.constant 0 : i32
      %dma_start3A_77 = tpu.memref_slice %arg11[%dma_start3A_75, %dma_start3A_76] : memref<10240x128xf32, #tpu.memory_space<vmem_shared>> -> memref<10240x128xf32, #tpu.memory_space<vmem_shared>>
      tpu.enqueue_indirect_dma source(%arg9 : memref<125x128xf32, #tpu.memory_space<vmem>>) target(%dma_start3A_77 : memref<10240x128xf32, #tpu.memory_space<vmem_shared>>) offsets(%dma_start3A_74 : memref<125xi32, #tpu.memory_space<vmem>>) semaphore(%arg15 : memref<!tpu.dma_semaphore, #tpu.memory_space<semaphore_mem>>) {add = true}
      %dma_wait3A_78 = arith.constant 0 : i32
      %dma_wait3A_79 = tpu.memref_slice %arg7[%rem3A_54, %dma_wait3A_78] : memref<40x125xi32, #tpu.memory_space<vmem>> -> memref<1x125xi32, #tpu.memory_space<vmem>>
      %dma_wait3A_80 = tpu.memref_squeeze %dma_wait3A_79 : memref<1x125xi32, #tpu.memory_space<vmem>> -> memref<125xi32, #tpu.memory_space<vmem>>
      %dma_wait3A_81 = arith.constant 0 : i32
      %dma_wait3A_82 = arith.constant 0 : i32
      %dma_wait3A_83 = tpu.memref_slice %arg11[%dma_wait3A_81, %dma_wait3A_82] : memref<10240x128xf32, #tpu.memory_space<vmem_shared>> -> memref<10240x128xf32, #tpu.memory_space<vmem_shared>>
      tpu.wait_indirect_dma semaphore(%arg14 : memref<!tpu.dma_semaphore, #tpu.memory_space<semaphore_mem>>) src(%arg8 : memref<125x128xf32, #tpu.memory_space<vmem>>) dst(%dma_wait3A_83 : memref<10240x128xf32, #tpu.memory_space<vmem_shared>>)
      %dma_wait3A_84 = arith.constant 0 : i32
      %dma_wait3A_85 = tpu.memref_slice %arg7[%rem3A_71, %dma_wait3A_84] : memref<40x125xi32, #tpu.memory_space<vmem>> -> memref<1x125xi32, #tpu.memory_space<vmem>>
      %dma_wait3A_86 = tpu.memref_squeeze %dma_wait3A_85 : memref<1x125xi32, #tpu.memory_space<vmem>> -> memref<125xi32, #tpu.memory_space<vmem>>
      %dma_wait3A_87 = arith.constant 0 : i32
      %dma_wait3A_88 = arith.constant 0 : i32
      %dma_wait3A_89 = tpu.memref_slice %arg11[%dma_wait3A_87, %dma_wait3A_88] : memref<10240x128xf32, #tpu.memory_space<vmem_shared>> -> memref<10240x128xf32, #tpu.memory_space<vmem_shared>>
      tpu.wait_indirect_dma semaphore(%arg15 : memref<!tpu.dma_semaphore, #tpu.memory_space<semaphore_mem>>) src(%arg9 : memref<125x128xf32, #tpu.memory_space<vmem>>) dst(%dma_wait3A_89 : memref<10240x128xf32, #tpu.memory_space<vmem_shared>>)
      %rem3A_90 = arith.constant 20 : i32
      %rem3A_91 = arith.remsi %add3A_43, %rem3A_90 : i32
      %eq3A_92 = arith.constant 19 : i32
      %eq3A_93 = arith.cmpi eq, %rem3A_91, %eq3A_92 : i32
      %lt3A = arith.constant 39 : i32
      %lt3A_94 = arith.cmpi slt, %add3A_43, %lt3A : i32
      %and3A = arith.andi %eq3A_93, %lt3A_94 : i1
      %convert_element_type3A_95 = arith.extui %and3A : i1 to i32
      %cond3A_96 = arith.constant 0 : i32
      %cond3A_97 = arith.cmpi ne, %convert_element_type3A_95, %cond3A_96 : i32
      scf.if %cond3A_97 {
        %add3A_108 = arith.constant 1 : i32
        %add3A_109 = arith.addi %add3A_43, %add3A_108 : i32
        %div3A = arith.constant 20 : i32
        %div3A_110 = arith.divsi %add3A_109, %div3A : i32
        %run_scoped3A_111 = arith.constant 0 : i32
        "tpu.region"() ({
          %run_scoped3A_113 = tpu.sem_alloc : memref<!tpu.dma_semaphore, #tpu.memory_space<semaphore_mem>>
          %dma_start3A_114 = arith.constant 0 : i32
          %dma_start3A_115 = arith.constant 0 : i32
          %dma_start3A_116 = tpu.memref_slice %arg3[%run_scoped3A_111, %add3A, %div3A_110, %dma_start3A_114, %dma_start3A_115] : memref<2x32x2x40x125xi32, #tpu.memory_space<hbm>> -> memref<1x1x1x40x125xi32, #tpu.memory_space<hbm>>
          %dma_start3A_117 = tpu.memref_squeeze %dma_start3A_116 : memref<1x1x1x40x125xi32, #tpu.memory_space<hbm>> -> memref<40x125xi32, #tpu.memory_space<hbm>>
          %dma_start3A_118 = arith.constant 0 : i32
          %dma_start3A_119 = arith.constant 0 : i32
          %dma_start3A_120 = tpu.memref_slice %arg3[%run_scoped3A_111, %add3A, %div3A_110, %dma_start3A_118, %dma_start3A_119] : memref<2x32x2x40x125xi32, #tpu.memory_space<hbm>> -> memref<1x1x1x40x125xi32, #tpu.memory_space<hbm>>
          %dma_start3A_121 = tpu.memref_squeeze %dma_start3A_120 : memref<1x1x1x40x125xi32, #tpu.memory_space<hbm>> -> memref<40x125xi32, #tpu.memory_space<hbm>>
          tpu.enqueue_dma source(%dma_start3A_121 : memref<40x125xi32, #tpu.memory_space<hbm>>) target(%arg6 : memref<40x125xi32, #tpu.memory_space<vmem>>) target_semaphore(%run_scoped3A_113 : memref<!tpu.dma_semaphore, #tpu.memory_space<semaphore_mem>>)
          %dma_wait3A_122 = arith.constant 0 : i32
          %dma_wait3A_123 = arith.constant 0 : i32
          %dma_wait3A_124 = tpu.memref_slice %arg3[%run_scoped3A_111, %add3A, %div3A_110, %dma_wait3A_122, %dma_wait3A_123] : memref<2x32x2x40x125xi32, #tpu.memory_space<hbm>> -> memref<1x1x1x40x125xi32, #tpu.memory_space<hbm>>
          %dma_wait3A_125 = tpu.memref_squeeze %dma_wait3A_124 : memref<1x1x1x40x125xi32, #tpu.memory_space<hbm>> -> memref<40x125xi32, #tpu.memory_space<hbm>>
          %dma_wait3A_126 = arith.constant 0 : i32
          %dma_wait3A_127 = arith.constant 0 : i32
          %dma_wait3A_128 = tpu.memref_slice %arg3[%run_scoped3A_111, %add3A, %div3A_110, %dma_wait3A_126, %dma_wait3A_127] : memref<2x32x2x40x125xi32, #tpu.memory_space<hbm>> -> memref<1x1x1x40x125xi32, #tpu.memory_space<hbm>>
          %dma_wait3A_129 = tpu.memref_squeeze %dma_wait3A_128 : memref<1x1x1x40x125xi32, #tpu.memory_space<hbm>> -> memref<40x125xi32, #tpu.memory_space<hbm>>
          tpu.wait_dma2 semaphore(%run_scoped3A_113 : memref<!tpu.dma_semaphore, #tpu.memory_space<semaphore_mem>>) src(%dma_wait3A_129 : memref<40x125xi32, #tpu.memory_space<hbm>>) dst(%arg6 : memref<40x125xi32, #tpu.memory_space<vmem>>)
          tpu.yield
        }) : () -> ()
        %run_scoped3A_112 = arith.constant 1 : i32
        "tpu.region"() ({
          %run_scoped3A_113 = tpu.sem_alloc : memref<!tpu.dma_semaphore, #tpu.memory_space<semaphore_mem>>
          %dma_start3A_114 = arith.constant 0 : i32
          %dma_start3A_115 = arith.constant 0 : i32
          %dma_start3A_116 = tpu.memref_slice %arg3[%run_scoped3A_112, %add3A, %div3A_110, %dma_start3A_114, %dma_start3A_115] : memref<2x32x2x40x125xi32, #tpu.memory_space<hbm>> -> memref<1x1x1x40x125xi32, #tpu.memory_space<hbm>>
          %dma_start3A_117 = tpu.memref_squeeze %dma_start3A_116 : memref<1x1x1x40x125xi32, #tpu.memory_space<hbm>> -> memref<40x125xi32, #tpu.memory_space<hbm>>
          %dma_start3A_118 = arith.constant 0 : i32
          %dma_start3A_119 = arith.constant 0 : i32
          %dma_start3A_120 = tpu.memref_slice %arg3[%run_scoped3A_112, %add3A, %div3A_110, %dma_start3A_118, %dma_start3A_119] : memref<2x32x2x40x125xi32, #tpu.memory_space<hbm>> -> memref<1x1x1x40x125xi32, #tpu.memory_space<hbm>>
          %dma_start3A_121 = tpu.memref_squeeze %dma_start3A_120 : memref<1x1x1x40x125xi32, #tpu.memory_space<hbm>> -> memref<40x125xi32, #tpu.memory_space<hbm>>
          tpu.enqueue_dma source(%dma_start3A_121 : memref<40x125xi32, #tpu.memory_space<hbm>>) target(%arg7 : memref<40x125xi32, #tpu.memory_space<vmem>>) target_semaphore(%run_scoped3A_113 : memref<!tpu.dma_semaphore, #tpu.memory_space<semaphore_mem>>)
          %dma_wait3A_122 = arith.constant 0 : i32
          %dma_wait3A_123 = arith.constant 0 : i32
          %dma_wait3A_124 = tpu.memref_slice %arg3[%run_scoped3A_112, %add3A, %div3A_110, %dma_wait3A_122, %dma_wait3A_123] : memref<2x32x2x40x125xi32, #tpu.memory_space<hbm>> -> memref<1x1x1x40x125xi32, #tpu.memory_space<hbm>>
          %dma_wait3A_125 = tpu.memref_squeeze %dma_wait3A_124 : memref<1x1x1x40x125xi32, #tpu.memory_space<hbm>> -> memref<40x125xi32, #tpu.memory_space<hbm>>
          %dma_wait3A_126 = arith.constant 0 : i32
          %dma_wait3A_127 = arith.constant 0 : i32
          %dma_wait3A_128 = tpu.memref_slice %arg3[%run_scoped3A_112, %add3A, %div3A_110, %dma_wait3A_126, %dma_wait3A_127] : memref<2x32x2x40x125xi32, #tpu.memory_space<hbm>> -> memref<1x1x1x40x125xi32, #tpu.memory_space<hbm>>
          %dma_wait3A_129 = tpu.memref_squeeze %dma_wait3A_128 : memref<1x1x1x40x125xi32, #tpu.memory_space<hbm>> -> memref<40x125xi32, #tpu.memory_space<hbm>>
          tpu.wait_dma2 semaphore(%run_scoped3A_113 : memref<!tpu.dma_semaphore, #tpu.memory_space<semaphore_mem>>) src(%dma_wait3A_129 : memref<40x125xi32, #tpu.memory_space<hbm>>) dst(%arg7 : memref<40x125xi32, #tpu.memory_space<vmem>>)
          tpu.yield
        }) : () -> ()
      } else {
      }
      %lt3A_98 = arith.constant 39 : i32
      %lt3A_99 = arith.cmpi slt, %add3A_43, %lt3A_98 : i32
      %convert_element_type3A_100 = arith.extui %lt3A_99 : i1 to i32
      %cond3A_101 = arith.constant 0 : i32
      %cond3A_102 = arith.cmpi ne, %convert_element_type3A_100, %cond3A_101 : i32
      scf.if %cond3A_102 {
        %add3A_108 = arith.constant 2 : i32
        %add3A_109 = arith.addi %mul3A_45, %add3A_108 : i32
        %add3A_110 = arith.constant 0 : i32
        %add3A_111 = arith.addi %add3A_109, %add3A_110 : i32
        %rem3A_112 = arith.constant 40 : i32
        %rem3A_113 = arith.remsi %add3A_111, %rem3A_112 : i32
        %dma_start3A_114 = arith.constant 0 : i32
        %dma_start3A_115 = tpu.memref_slice %arg6[%rem3A_113, %dma_start3A_114] : memref<40x125xi32, #tpu.memory_space<vmem>> -> memref<1x125xi32, #tpu.memory_space<vmem>>
        %dma_start3A_116 = tpu.memref_squeeze %dma_start3A_115 : memref<1x125xi32, #tpu.memory_space<vmem>> -> memref<125xi32, #tpu.memory_space<vmem>>
        %dma_start3A_117 = arith.constant 0 : i32
        %dma_start3A_118 = arith.constant 0 : i32
        %dma_start3A_119 = tpu.memref_slice %arg2[%dma_start3A_117, %dma_start3A_118] : memref<10000x128xf32, #tpu.memory_space<hbm>> -> memref<10000x128xf32, #tpu.memory_space<hbm>>
        tpu.enqueue_indirect_dma source(%dma_start3A_119 : memref<10000x128xf32, #tpu.memory_space<hbm>>) target(%arg8 : memref<125x128xf32, #tpu.memory_space<vmem>>) offsets(%dma_start3A_116 : memref<125xi32, #tpu.memory_space<vmem>>) semaphore(%arg12 : memref<!tpu.dma_semaphore, #tpu.memory_space<semaphore_mem>>)
      } else {
      }
      %lt3A_103 = arith.constant 39 : i32
      %lt3A_104 = arith.cmpi slt, %add3A_43, %lt3A_103 : i32
      %convert_element_type3A_105 = arith.extui %lt3A_104 : i1 to i32
      %cond3A_106 = arith.constant 0 : i32
      %cond3A_107 = arith.cmpi ne, %convert_element_type3A_105, %cond3A_106 : i32
      scf.if %cond3A_107 {
        %add3A_108 = arith.constant 2 : i32
        %add3A_109 = arith.addi %mul3A_45, %add3A_108 : i32
        %add3A_110 = arith.constant 1 : i32
        %add3A_111 = arith.addi %add3A_109, %add3A_110 : i32
        %rem3A_112 = arith.constant 40 : i32
        %rem3A_113 = arith.remsi %add3A_111, %rem3A_112 : i32
        %dma_start3A_114 = arith.constant 0 : i32
        %dma_start3A_115 = tpu.memref_slice %arg6[%rem3A_113, %dma_start3A_114] : memref<40x125xi32, #tpu.memory_space<vmem>> -> memref<1x125xi32, #tpu.memory_space<vmem>>
        %dma_start3A_116 = tpu.memref_squeeze %dma_start3A_115 : memref<1x125xi32, #tpu.memory_space<vmem>> -> memref<125xi32, #tpu.memory_space<vmem>>
        %dma_start3A_117 = arith.constant 0 : i32
        %dma_start3A_118 = arith.constant 0 : i32
        %dma_start3A_119 = tpu.memref_slice %arg2[%dma_start3A_117, %dma_start3A_118] : memref<10000x128xf32, #tpu.memory_space<hbm>> -> memref<10000x128xf32, #tpu.memory_space<hbm>>
        tpu.enqueue_indirect_dma source(%dma_start3A_119 : memref<10000x128xf32, #tpu.memory_space<hbm>>) target(%arg9 : memref<125x128xf32, #tpu.memory_space<vmem>>) offsets(%dma_start3A_116 : memref<125xi32, #tpu.memory_space<vmem>>) semaphore(%arg13 : memref<!tpu.dma_semaphore, #tpu.memory_space<semaphore_mem>>)
      } else {
      }
    }
    %scan3A_30 = arith.constant 40 : i32
    %barrier3A_31 = arith.constant 0 : index
    tpu.barrier barrier_id(%barrier3A_31)
    %eq3A = arith.constant 0 : i32
    %eq3A_32 = arith.cmpi eq, %arg0, %eq3A : i32
    %convert_element_type3A = arith.extui %eq3A_32 : i1 to i32
    %cond3A = arith.constant 0 : i32
    %cond3A_33 = arith.cmpi ne, %convert_element_type3A, %cond3A : i32
    scf.if %cond3A_33 {
      %mul3A_39 = arith.constant 640 : i32
      %mul3A_40 = arith.muli %arg1, %mul3A_39 : i32
      %mul3A_41 = arith.constant 640 : i32
      %mul3A_42 = arith.muli %arg1, %mul3A_41 : i32
      "tpu.region"() ({
        %run_scoped3A_43 = tpu.sem_alloc : memref<!tpu.dma_semaphore, #tpu.memory_space<semaphore_mem>>
        %dma_start3A_44 = arith.constant 0 : i32
        %dma_start3A_45 = tpu.memref_slice %arg4[%mul3A_42, %dma_start3A_44] : memref<10240x128xf32, #tpu.memory_space<hbm>> -> memref<640x128xf32, #tpu.memory_space<hbm>>
        %dma_start3A_46 = arith.constant 0 : i32
        %dma_start3A_47 = tpu.memref_slice %arg11[%mul3A_40, %dma_start3A_46] : memref<10240x128xf32, #tpu.memory_space<vmem_shared>> -> memref<640x128xf32, #tpu.memory_space<vmem_shared>>
        tpu.enqueue_dma source(%dma_start3A_47 : memref<640x128xf32, #tpu.memory_space<vmem_shared>>) target(%dma_start3A_45 : memref<640x128xf32, #tpu.memory_space<hbm>>) target_semaphore(%run_scoped3A_43 : memref<!tpu.dma_semaphore, #tpu.memory_space<semaphore_mem>>)
        %dma_wait3A = arith.constant 0 : i32
        %dma_wait3A_48 = tpu.memref_slice %arg4[%mul3A_42, %dma_wait3A] : memref<10240x128xf32, #tpu.memory_space<hbm>> -> memref<640x128xf32, #tpu.memory_space<hbm>>
        %dma_wait3A_49 = arith.constant 0 : i32
        %dma_wait3A_50 = tpu.memref_slice %arg11[%mul3A_40, %dma_wait3A_49] : memref<10240x128xf32, #tpu.memory_space<vmem_shared>> -> memref<640x128xf32, #tpu.memory_space<vmem_shared>>
        tpu.wait_dma2 semaphore(%run_scoped3A_43 : memref<!tpu.dma_semaphore, #tpu.memory_space<semaphore_mem>>) src(%dma_wait3A_50 : memref<640x128xf32, #tpu.memory_space<vmem_shared>>) dst(%dma_wait3A_48 : memref<640x128xf32, #tpu.memory_space<hbm>>)
        tpu.yield
      }) : () -> ()
    } else {
    }
    %eq3A_34 = arith.constant 1 : i32
    %eq3A_35 = arith.cmpi eq, %arg0, %eq3A_34 : i32
    %convert_element_type3A_36 = arith.extui %eq3A_35 : i1 to i32
    %cond3A_37 = arith.constant 0 : i32
    %cond3A_38 = arith.cmpi ne, %convert_element_type3A_36, %cond3A_37 : i32
    scf.if %cond3A_38 {
      %mul3A_39 = arith.constant 640 : i32
      %mul3A_40 = arith.muli %arg1, %mul3A_39 : i32
      %mul3A_41 = arith.constant 640 : i32
      %mul3A_42 = arith.muli %arg1, %mul3A_41 : i32
      "tpu.region"() ({
        %run_scoped3A_43 = tpu.sem_alloc : memref<!tpu.dma_semaphore, #tpu.memory_space<semaphore_mem>>
        %dma_start3A_44 = arith.constant 0 : i32
        %dma_start3A_45 = tpu.memref_slice %arg5[%mul3A_42, %dma_start3A_44] : memref<10240x128xf32, #tpu.memory_space<hbm>> -> memref<640x128xf32, #tpu.memory_space<hbm>>
        %dma_start3A_46 = arith.constant 0 : i32
        %dma_start3A_47 = tpu.memref_slice %arg11[%mul3A_40, %dma_start3A_46] : memref<10240x128xf32, #tpu.memory_space<vmem_shared>> -> memref<640x128xf32, #tpu.memory_space<vmem_shared>>
        tpu.enqueue_dma source(%dma_start3A_47 : memref<640x128xf32, #tpu.memory_space<vmem_shared>>) target(%dma_start3A_45 : memref<640x128xf32, #tpu.memory_space<hbm>>) target_semaphore(%run_scoped3A_43 : memref<!tpu.dma_semaphore, #tpu.memory_space<semaphore_mem>>)
        %dma_wait3A = arith.constant 0 : i32
        %dma_wait3A_48 = tpu.memref_slice %arg5[%mul3A_42, %dma_wait3A] : memref<10240x128xf32, #tpu.memory_space<hbm>> -> memref<640x128xf32, #tpu.memory_space<hbm>>
        %dma_wait3A_49 = arith.constant 0 : i32
        %dma_wait3A_50 = tpu.memref_slice %arg11[%mul3A_40, %dma_wait3A_49] : memref<10240x128xf32, #tpu.memory_space<vmem_shared>> -> memref<640x128xf32, #tpu.memory_space<vmem_shared>>
        tpu.wait_dma2 semaphore(%run_scoped3A_43 : memref<!tpu.dma_semaphore, #tpu.memory_space<semaphore_mem>>) src(%dma_wait3A_50 : memref<640x128xf32, #tpu.memory_space<vmem_shared>>) dst(%dma_wait3A_48 : memref<640x128xf32, #tpu.memory_space<hbm>>)
        tpu.yield
      }) : () -> ()
    } else {
    }
    return
  }
}

#map = affine_map<(d0, d1) -> (0, 0, 0)>
#map1 = affine_map<(d0, d1) -> (0)>
module attributes {stable_mosaic.version = 14 : i64} {
  func.func @_deg_kernel(%arg0: i32, %arg1: i32, %arg2: memref<2x32x10000xi32, #tpu.memory_space<hbm>>, %arg3: memref<10240xf32, #tpu.memory_space<hbm>>, %arg4: memref<10240xf32, #tpu.memory_space<hbm>>, %arg5: memref<10000xi32, #tpu.memory_space<vmem>>, %arg6: memref<10240xf32, #tpu.memory_space<vmem>>, %arg7: memref<640xf32, #tpu.memory_space<vmem>>, %arg8: memref<640xf32, #tpu.memory_space<vmem>>, %arg9: memref<16x10240xf32, #tpu.memory_space<vmem_shared>>) attributes {dimension_semantics = [#tpu.dimension_semantics<core_parallel>, #tpu.dimension_semantics<subcore_parallel>], iteration_bounds = array<i64: 2, 16>, scalar_prefetch = 0 : i64, scratch_operands = 5 : i64, tpu.core_type = #tpu.core_type<sc_vector_subcore>, window_params = [{transform_indices = #map}, {transform_indices = #map1}, {transform_indices = #map1}]} {
    %mul3A = arith.constant 2 : i32
    %mul3A_0 = arith.muli %arg1, %mul3A : i32
    %add3A = arith.addi %mul3A_0, %arg0 : i32
    %run_scoped3A = arith.constant 1 : i32
    "tpu.region"() ({
      %run_scoped3A_151 = tpu.sem_alloc : memref<!tpu.dma_semaphore, #tpu.memory_space<semaphore_mem>>
      %dma_start3A = arith.constant 0 : i32
      %dma_start3A_152 = tpu.memref_slice %arg2[%run_scoped3A, %add3A, %dma_start3A] : memref<2x32x10000xi32, #tpu.memory_space<hbm>> -> memref<1x1x10000xi32, #tpu.memory_space<hbm>>
      %dma_start3A_153 = tpu.memref_squeeze %dma_start3A_152 : memref<1x1x10000xi32, #tpu.memory_space<hbm>> -> memref<10000xi32, #tpu.memory_space<hbm>>
      %dma_start3A_154 = arith.constant 0 : i32
      %dma_start3A_155 = tpu.memref_slice %arg2[%run_scoped3A, %add3A, %dma_start3A_154] : memref<2x32x10000xi32, #tpu.memory_space<hbm>> -> memref<1x1x10000xi32, #tpu.memory_space<hbm>>
      %dma_start3A_156 = tpu.memref_squeeze %dma_start3A_155 : memref<1x1x10000xi32, #tpu.memory_space<hbm>> -> memref<10000xi32, #tpu.memory_space<hbm>>
      tpu.enqueue_dma source(%dma_start3A_156 : memref<10000xi32, #tpu.memory_space<hbm>>) target(%arg5 : memref<10000xi32, #tpu.memory_space<vmem>>) target_semaphore(%run_scoped3A_151 : memref<!tpu.dma_semaphore, #tpu.memory_space<semaphore_mem>>)
      %dma_wait3A = arith.constant 0 : i32
      %dma_wait3A_157 = tpu.memref_slice %arg2[%run_scoped3A, %add3A, %dma_wait3A] : memref<2x32x10000xi32, #tpu.memory_space<hbm>> -> memref<1x1x10000xi32, #tpu.memory_space<hbm>>
      %dma_wait3A_158 = tpu.memref_squeeze %dma_wait3A_157 : memref<1x1x10000xi32, #tpu.memory_space<hbm>> -> memref<10000xi32, #tpu.memory_space<hbm>>
      %dma_wait3A_159 = arith.constant 0 : i32
      %dma_wait3A_160 = tpu.memref_slice %arg2[%run_scoped3A, %add3A, %dma_wait3A_159] : memref<2x32x10000xi32, #tpu.memory_space<hbm>> -> memref<1x1x10000xi32, #tpu.memory_space<hbm>>
      %dma_wait3A_161 = tpu.memref_squeeze %dma_wait3A_160 : memref<1x1x10000xi32, #tpu.memory_space<hbm>> -> memref<10000xi32, #tpu.memory_space<hbm>>
      tpu.wait_dma2 semaphore(%run_scoped3A_151 : memref<!tpu.dma_semaphore, #tpu.memory_space<semaphore_mem>>) src(%dma_wait3A_161 : memref<10000xi32, #tpu.memory_space<hbm>>) dst(%arg5 : memref<10000xi32, #tpu.memory_space<vmem>>)
      tpu.yield
    }) : () -> ()
    %scan3A = arith.constant 0 : i32
    %scan3A_1 = arith.constant 640 : i32
    %scan3A_2 = arith.addi %scan3A, %scan3A_1 : i32
    %scan3A_3 = arith.constant 1 : i32
    scf.for %scan3A_151 = %scan3A to %scan3A_2 step %scan3A_3  : i32 {
      %mul3A_152 = arith.constant 1 : i32
      %mul3A_153 = arith.muli %scan3A_151, %mul3A_152 : i32
      %add3A_154 = arith.constant 0 : i32
      %add3A_155 = arith.addi %add3A_154, %mul3A_153 : i32
      %broadcast_in_dim3A_156 = arith.constant 0.000000e+00 : f32
      %broadcast_in_dim3A_157 = vector.broadcast %broadcast_in_dim3A_156 : f32 to vector<16xf32>
      %mul3A_158 = arith.constant 16 : i32
      %mul3A_159 = arith.muli %add3A_155, %mul3A_158 : i32
      %swap3A = arith.index_cast %mul3A_159 : i32 to index
      %swap3A_160 = tpu.vector_load %arg6[%swap3A] {strides = array<i32>} : memref<10240xf32, #tpu.memory_space<vmem>>, vector<16xf32>,
      tpu.vector_store %arg6[%swap3A], %broadcast_in_dim3A_157 {strides = array<i32>} : memref<10240xf32, #tpu.memory_space<vmem>>, vector<16xf32>,
    }
    %scan3A_4 = arith.constant 640 : i32
    %broadcast_in_dim3A = arith.constant 1.000000e+00 : f32
    %broadcast_in_dim3A_5 = vector.broadcast %broadcast_in_dim3A : f32 to vector<16xf32>
    %scan3A_6 = arith.constant 0 : i32
    %scan3A_7 = arith.constant 625 : i32
    %scan3A_8 = arith.addi %scan3A_6, %scan3A_7 : i32
    %scan3A_9 = arith.constant 1 : i32
    scf.for %scan3A_151 = %scan3A_6 to %scan3A_8 step %scan3A_9  : i32 {
      %mul3A_152 = arith.constant 1 : i32
      %mul3A_153 = arith.muli %scan3A_151, %mul3A_152 : i32
      %add3A_154 = arith.constant 0 : i32
      %add3A_155 = arith.addi %add3A_154, %mul3A_153 : i32
      %mul3A_156 = arith.constant 16 : i32
      %mul3A_157 = arith.muli %add3A_155, %mul3A_156 : i32
      %get3A = arith.index_cast %mul3A_157 : i32 to index
      %get3A_158 = tpu.vector_load %arg5[%get3A] {strides = array<i32>} : memref<10000xi32, #tpu.memory_space<vmem>>, vector<16xi32>,
      tpu.vector_store_idx %arg6[%get3A_158], %broadcast_in_dim3A_5 {add = true} : memref<10240xf32, #tpu.memory_space<vmem>>[vector<16xi32>], vector<16xf32>,
    }
    %scan3A_10 = arith.constant 625 : i32
    "tpu.region"() ({
      %run_scoped3A_151 = tpu.sem_alloc : memref<!tpu.dma_semaphore, #tpu.memory_space<semaphore_mem>>
      %dma_start3A = arith.constant 0 : i32
      %dma_start3A_152 = tpu.memref_slice %arg9[%arg1, %dma_start3A] : memref<16x10240xf32, #tpu.memory_space<vmem_shared>> -> memref<1x10240xf32, #tpu.memory_space<vmem_shared>>
      %dma_start3A_153 = tpu.memref_squeeze %dma_start3A_152 : memref<1x10240xf32, #tpu.memory_space<vmem_shared>> -> memref<10240xf32, #tpu.memory_space<vmem_shared>>
      %dma_start3A_154 = arith.constant 0 : i32
      %dma_start3A_155 = tpu.memref_slice %arg9[%arg1, %dma_start3A_154] : memref<16x10240xf32, #tpu.memory_space<vmem_shared>> -> memref<1x10240xf32, #tpu.memory_space<vmem_shared>>
      %dma_start3A_156 = tpu.memref_squeeze %dma_start3A_155 : memref<1x10240xf32, #tpu.memory_space<vmem_shared>> -> memref<10240xf32, #tpu.memory_space<vmem_shared>>
      tpu.enqueue_dma source(%arg6 : memref<10240xf32, #tpu.memory_space<vmem>>) target(%dma_start3A_156 : memref<10240xf32, #tpu.memory_space<vmem_shared>>) target_semaphore(%run_scoped3A_151 : memref<!tpu.dma_semaphore, #tpu.memory_space<semaphore_mem>>)
      %dma_wait3A = arith.constant 0 : i32
      %dma_wait3A_157 = tpu.memref_slice %arg9[%arg1, %dma_wait3A] : memref<16x10240xf32, #tpu.memory_space<vmem_shared>> -> memref<1x10240xf32, #tpu.memory_space<vmem_shared>>
      %dma_wait3A_158 = tpu.memref_squeeze %dma_wait3A_157 : memref<1x10240xf32, #tpu.memory_space<vmem_shared>> -> memref<10240xf32, #tpu.memory_space<vmem_shared>>
      %dma_wait3A_159 = arith.constant 0 : i32
      %dma_wait3A_160 = tpu.memref_slice %arg9[%arg1, %dma_wait3A_159] : memref<16x10240xf32, #tpu.memory_space<vmem_shared>> -> memref<1x10240xf32, #tpu.memory_space<vmem_shared>>
      %dma_wait3A_161 = tpu.memref_squeeze %dma_wait3A_160 : memref<1x10240xf32, #tpu.memory_space<vmem_shared>> -> memref<10240xf32, #tpu.memory_space<vmem_shared>>
      tpu.wait_dma2 semaphore(%run_scoped3A_151 : memref<!tpu.dma_semaphore, #tpu.memory_space<semaphore_mem>>) src(%arg6 : memref<10240xf32, #tpu.memory_space<vmem>>) dst(%dma_wait3A_161 : memref<10240xf32, #tpu.memory_space<vmem_shared>>)
      tpu.yield
    }) : () -> ()
    %barrier3A = arith.constant 0 : index
    tpu.barrier barrier_id(%barrier3A)
    %scan3A_11 = arith.constant 0 : i32
    %scan3A_12 = arith.constant 40 : i32
    %scan3A_13 = arith.addi %scan3A_11, %scan3A_12 : i32
    %scan3A_14 = arith.constant 1 : i32
    scf.for %scan3A_151 = %scan3A_11 to %scan3A_13 step %scan3A_14  : i32 {
      %mul3A_152 = arith.constant 1 : i32
      %mul3A_153 = arith.muli %scan3A_151, %mul3A_152 : i32
      %add3A_154 = arith.constant 0 : i32
      %add3A_155 = arith.addi %add3A_154, %mul3A_153 : i32
      %broadcast_in_dim3A_156 = arith.constant 0.000000e+00 : f32
      %broadcast_in_dim3A_157 = vector.broadcast %broadcast_in_dim3A_156 : f32 to vector<16xf32>
      %mul3A_158 = arith.constant 16 : i32
      %mul3A_159 = arith.muli %add3A_155, %mul3A_158 : i32
      %swap3A = arith.index_cast %mul3A_159 : i32 to index
      %swap3A_160 = tpu.vector_load %arg7[%swap3A] {strides = array<i32>} : memref<640xf32, #tpu.memory_space<vmem>>, vector<16xf32>,
      tpu.vector_store %arg7[%swap3A], %broadcast_in_dim3A_157 {strides = array<i32>} : memref<640xf32, #tpu.memory_space<vmem>>, vector<16xf32>,
    }
    %scan3A_15 = arith.constant 40 : i32
    %mul3A_16 = arith.constant 640 : i32
    %mul3A_17 = arith.muli %arg1, %mul3A_16 : i32
    %run_scoped3A_18 = arith.constant 0 : i32
    "tpu.region"() ({
      %run_scoped3A_151 = tpu.sem_alloc : memref<!tpu.dma_semaphore, #tpu.memory_space<semaphore_mem>>
      %dma_start3A = tpu.memref_slice %arg9[%run_scoped3A_18, %mul3A_17] : memref<16x10240xf32, #tpu.memory_space<vmem_shared>> -> memref<1x640xf32, #tpu.memory_space<vmem_shared>>
      %dma_start3A_152 = tpu.memref_squeeze %dma_start3A : memref<1x640xf32, #tpu.memory_space<vmem_shared>> -> memref<640xf32, #tpu.memory_space<vmem_shared>>
      %dma_start3A_153 = tpu.memref_slice %arg9[%run_scoped3A_18, %mul3A_17] : memref<16x10240xf32, #tpu.memory_space<vmem_shared>> -> memref<1x640xf32, #tpu.memory_space<vmem_shared>>
      %dma_start3A_154 = tpu.memref_squeeze %dma_start3A_153 : memref<1x640xf32, #tpu.memory_space<vmem_shared>> -> memref<640xf32, #tpu.memory_space<vmem_shared>>
      tpu.enqueue_dma source(%dma_start3A_154 : memref<640xf32, #tpu.memory_space<vmem_shared>>) target(%arg8 : memref<640xf32, #tpu.memory_space<vmem>>) target_semaphore(%run_scoped3A_151 : memref<!tpu.dma_semaphore, #tpu.memory_space<semaphore_mem>>)
      %dma_wait3A = tpu.memref_slice %arg9[%run_scoped3A_18, %mul3A_17] : memref<16x10240xf32, #tpu.memory_space<vmem_shared>> -> memref<1x640xf32, #tpu.memory_space<vmem_shared>>
      %dma_wait3A_155 = tpu.memref_squeeze %dma_wait3A : memref<1x640xf32, #tpu.memory_space<vmem_shared>> -> memref<640xf32, #tpu.memory_space<vmem_shared>>
      %dma_wait3A_156 = tpu.memref_slice %arg9[%run_scoped3A_18, %mul3A_17] : memref<16x10240xf32, #tpu.memory_space<vmem_shared>> -> memref<1x640xf32, #tpu.memory_space<vmem_shared>>
      %dma_wait3A_157 = tpu.memref_squeeze %dma_wait3A_156 : memref<1x640xf32, #tpu.memory_space<vmem_shared>> -> memref<640xf32, #tpu.memory_space<vmem_shared>>
      tpu.wait_dma2 semaphore(%run_scoped3A_151 : memref<!tpu.dma_semaphore, #tpu.memory_space<semaphore_mem>>) src(%dma_wait3A_157 : memref<640xf32, #tpu.memory_space<vmem_shared>>) dst(%arg8 : memref<640xf32, #tpu.memory_space<vmem>>)
      tpu.yield
    }) : () -> ()
    %scan3A_19 = arith.constant 0 : i32
    %scan3A_20 = arith.constant 40 : i32
    %scan3A_21 = arith.addi %scan3A_19, %scan3A_20 : i32
    %scan3A_22 = arith.constant 1 : i32
    scf.for %scan3A_151 = %scan3A_19 to %scan3A_21 step %scan3A_22  : i32 {
      %mul3A_152 = arith.constant 1 : i32
      %mul3A_153 = arith.muli %scan3A_151, %mul3A_152 : i32
      %add3A_154 = arith.constant 0 : i32
      %add3A_155 = arith.addi %add3A_154, %mul3A_153 : i32
      %mul3A_156 = arith.constant 16 : i32
      %mul3A_157 = arith.muli %add3A_155, %mul3A_156 : i32
      %get3A = arith.index_cast %mul3A_157 : i32 to index
      %get3A_158 = tpu.vector_load %arg7[%get3A] {strides = array<i32>} : memref<640xf32, #tpu.memory_space<vmem>>, vector<16xf32>,
      %mul3A_159 = arith.constant 16 : i32
      %mul3A_160 = arith.muli %add3A_155, %mul3A_159 : i32
      %get3A_161 = arith.index_cast %mul3A_160 : i32 to index
      %get3A_162 = tpu.vector_load %arg8[%get3A_161] {strides = array<i32>} : memref<640xf32, #tpu.memory_space<vmem>>, vector<16xf32>,
      %add3A_163 = arith.addf %get3A_158, %get3A_162 : vector<16xf32>
      %swap3A = arith.index_cast %mul3A_157 : i32 to index
      %swap3A_164 = tpu.vector_load %arg7[%swap3A] {strides = array<i32>} : memref<640xf32, #tpu.memory_space<vmem>>, vector<16xf32>,
      tpu.vector_store %arg7[%swap3A], %add3A_163 {strides = array<i32>} : memref<640xf32, #tpu.memory_space<vmem>>, vector<16xf32>,
    }
    %scan3A_23 = arith.constant 40 : i32
    %mul3A_24 = arith.constant 640 : i32
    %mul3A_25 = arith.muli %arg1, %mul3A_24 : i32
    %run_scoped3A_26 = arith.constant 1 : i32
    "tpu.region"() ({
      %run_scoped3A_151 = tpu.sem_alloc : memref<!tpu.dma_semaphore, #tpu.memory_space<semaphore_mem>>
      %dma_start3A = tpu.memref_slice %arg9[%run_scoped3A_26, %mul3A_25] : memref<16x10240xf32, #tpu.memory_space<vmem_shared>> -> memref<1x640xf32, #tpu.memory_space<vmem_shared>>
      %dma_start3A_152 = tpu.memref_squeeze %dma_start3A : memref<1x640xf32, #tpu.memory_space<vmem_shared>> -> memref<640xf32, #tpu.memory_space<vmem_shared>>
      %dma_start3A_153 = tpu.memref_slice %arg9[%run_scoped3A_26, %mul3A_25] : memref<16x10240xf32, #tpu.memory_space<vmem_shared>> -> memref<1x640xf32, #tpu.memory_space<vmem_shared>>
      %dma_start3A_154 = tpu.memref_squeeze %dma_start3A_153 : memref<1x640xf32, #tpu.memory_space<vmem_shared>> -> memref<640xf32, #tpu.memory_space<vmem_shared>>
      tpu.enqueue_dma source(%dma_start3A_154 : memref<640xf32, #tpu.memory_space<vmem_shared>>) target(%arg8 : memref<640xf32, #tpu.memory_space<vmem>>) target_semaphore(%run_scoped3A_151 : memref<!tpu.dma_semaphore, #tpu.memory_space<semaphore_mem>>)
      %dma_wait3A = tpu.memref_slice %arg9[%run_scoped3A_26, %mul3A_25] : memref<16x10240xf32, #tpu.memory_space<vmem_shared>> -> memref<1x640xf32, #tpu.memory_space<vmem_shared>>
      %dma_wait3A_155 = tpu.memref_squeeze %dma_wait3A : memref<1x640xf32, #tpu.memory_space<vmem_shared>> -> memref<640xf32, #tpu.memory_space<vmem_shared>>
      %dma_wait3A_156 = tpu.memref_slice %arg9[%run_scoped3A_26, %mul3A_25] : memref<16x10240xf32, #tpu.memory_space<vmem_shared>> -> memref<1x640xf32, #tpu.memory_space<vmem_shared>>
      %dma_wait3A_157 = tpu.memref_squeeze %dma_wait3A_156 : memref<1x640xf32, #tpu.memory_space<vmem_shared>> -> memref<640xf32, #tpu.memory_space<vmem_shared>>
      tpu.wait_dma2 semaphore(%run_scoped3A_151 : memref<!tpu.dma_semaphore, #tpu.memory_space<semaphore_mem>>) src(%dma_wait3A_157 : memref<640xf32, #tpu.memory_space<vmem_shared>>) dst(%arg8 : memref<640xf32, #tpu.memory_space<vmem>>)
      tpu.yield
    }) : () -> ()
    %scan3A_27 = arith.constant 0 : i32
    %scan3A_28 = arith.constant 40 : i32
    %scan3A_29 = arith.addi %scan3A_27, %scan3A_28 : i32
    %scan3A_30 = arith.constant 1 : i32
    scf.for %scan3A_151 = %scan3A_27 to %scan3A_29 step %scan3A_30  : i32 {
      %mul3A_152 = arith.constant 1 : i32
      %mul3A_153 = arith.muli %scan3A_151, %mul3A_152 : i32
      %add3A_154 = arith.constant 0 : i32
      %add3A_155 = arith.addi %add3A_154, %mul3A_153 : i32
      %mul3A_156 = arith.constant 16 : i32
      %mul3A_157 = arith.muli %add3A_155, %mul3A_156 : i32
      %get3A = arith.index_cast %mul3A_157 : i32 to index
      %get3A_158 = tpu.vector_load %arg7[%get3A] {strides = array<i32>} : memref<640xf32, #tpu.memory_space<vmem>>, vector<16xf32>,
      %mul3A_159 = arith.constant 16 : i32
      %mul3A_160 = arith.muli %add3A_155, %mul3A_159 : i32
      %get3A_161 = arith.index_cast %mul3A_160 : i32 to index
      %get3A_162 = tpu.vector_load %arg8[%get3A_161] {strides = array<i32>} : memref<640xf32, #tpu.memory_space<vmem>>, vector<16xf32>,
      %add3A_163 = arith.addf %get3A_158, %get3A_162 : vector<16xf32>
      %swap3A = arith.index_cast %mul3A_157 : i32 to index
      %swap3A_164 = tpu.vector_load %arg7[%swap3A] {strides = array<i32>} : memref<640xf32, #tpu.memory_space<vmem>>, vector<16xf32>,
      tpu.vector_store %arg7[%swap3A], %add3A_163 {strides = array<i32>} : memref<640xf32, #tpu.memory_space<vmem>>, vector<16xf32>,
    }
    %scan3A_31 = arith.constant 40 : i32
    %mul3A_32 = arith.constant 640 : i32
    %mul3A_33 = arith.muli %arg1, %mul3A_32 : i32
    %run_scoped3A_34 = arith.constant 2 : i32
    "tpu.region"() ({
      %run_scoped3A_151 = tpu.sem_alloc : memref<!tpu.dma_semaphore, #tpu.memory_space<semaphore_mem>>
      %dma_start3A = tpu.memref_slice %arg9[%run_scoped3A_34, %mul3A_33] : memref<16x10240xf32, #tpu.memory_space<vmem_shared>> -> memref<1x640xf32, #tpu.memory_space<vmem_shared>>
      %dma_start3A_152 = tpu.memref_squeeze %dma_start3A : memref<1x640xf32, #tpu.memory_space<vmem_shared>> -> memref<640xf32, #tpu.memory_space<vmem_shared>>
      %dma_start3A_153 = tpu.memref_slice %arg9[%run_scoped3A_34, %mul3A_33] : memref<16x10240xf32, #tpu.memory_space<vmem_shared>> -> memref<1x640xf32, #tpu.memory_space<vmem_shared>>
      %dma_start3A_154 = tpu.memref_squeeze %dma_start3A_153 : memref<1x640xf32, #tpu.memory_space<vmem_shared>> -> memref<640xf32, #tpu.memory_space<vmem_shared>>
      tpu.enqueue_dma source(%dma_start3A_154 : memref<640xf32, #tpu.memory_space<vmem_shared>>) target(%arg8 : memref<640xf32, #tpu.memory_space<vmem>>) target_semaphore(%run_scoped3A_151 : memref<!tpu.dma_semaphore, #tpu.memory_space<semaphore_mem>>)
      %dma_wait3A = tpu.memref_slice %arg9[%run_scoped3A_34, %mul3A_33] : memref<16x10240xf32, #tpu.memory_space<vmem_shared>> -> memref<1x640xf32, #tpu.memory_space<vmem_shared>>
      %dma_wait3A_155 = tpu.memref_squeeze %dma_wait3A : memref<1x640xf32, #tpu.memory_space<vmem_shared>> -> memref<640xf32, #tpu.memory_space<vmem_shared>>
      %dma_wait3A_156 = tpu.memref_slice %arg9[%run_scoped3A_34, %mul3A_33] : memref<16x10240xf32, #tpu.memory_space<vmem_shared>> -> memref<1x640xf32, #tpu.memory_space<vmem_shared>>
      %dma_wait3A_157 = tpu.memref_squeeze %dma_wait3A_156 : memref<1x640xf32, #tpu.memory_space<vmem_shared>> -> memref<640xf32, #tpu.memory_space<vmem_shared>>
      tpu.wait_dma2 semaphore(%run_scoped3A_151 : memref<!tpu.dma_semaphore, #tpu.memory_space<semaphore_mem>>) src(%dma_wait3A_157 : memref<640xf32, #tpu.memory_space<vmem_shared>>) dst(%arg8 : memref<640xf32, #tpu.memory_space<vmem>>)
      tpu.yield
    }) : () -> ()
    %scan3A_35 = arith.constant 0 : i32
    %scan3A_36 = arith.constant 40 : i32
    %scan3A_37 = arith.addi %scan3A_35, %scan3A_36 : i32
    %scan3A_38 = arith.constant 1 : i32
    scf.for %scan3A_151 = %scan3A_35 to %scan3A_37 step %scan3A_38  : i32 {
      %mul3A_152 = arith.constant 1 : i32
      %mul3A_153 = arith.muli %scan3A_151, %mul3A_152 : i32
      %add3A_154 = arith.constant 0 : i32
      %add3A_155 = arith.addi %add3A_154, %mul3A_153 : i32
      %mul3A_156 = arith.constant 16 : i32
      %mul3A_157 = arith.muli %add3A_155, %mul3A_156 : i32
      %get3A = arith.index_cast %mul3A_157 : i32 to index
      %get3A_158 = tpu.vector_load %arg7[%get3A] {strides = array<i32>} : memref<640xf32, #tpu.memory_space<vmem>>, vector<16xf32>,
      %mul3A_159 = arith.constant 16 : i32
      %mul3A_160 = arith.muli %add3A_155, %mul3A_159 : i32
      %get3A_161 = arith.index_cast %mul3A_160 : i32 to index
      %get3A_162 = tpu.vector_load %arg8[%get3A_161] {strides = array<i32>} : memref<640xf32, #tpu.memory_space<vmem>>, vector<16xf32>,
      %add3A_163 = arith.addf %get3A_158, %get3A_162 : vector<16xf32>
      %swap3A = arith.index_cast %mul3A_157 : i32 to index
      %swap3A_164 = tpu.vector_load %arg7[%swap3A] {strides = array<i32>} : memref<640xf32, #tpu.memory_space<vmem>>, vector<16xf32>,
      tpu.vector_store %arg7[%swap3A], %add3A_163 {strides = array<i32>} : memref<640xf32, #tpu.memory_space<vmem>>, vector<16xf32>,
    }
    %scan3A_39 = arith.constant 40 : i32
    %mul3A_40 = arith.constant 640 : i32
    %mul3A_41 = arith.muli %arg1, %mul3A_40 : i32
    %run_scoped3A_42 = arith.constant 3 : i32
    "tpu.region"() ({
      %run_scoped3A_151 = tpu.sem_alloc : memref<!tpu.dma_semaphore, #tpu.memory_space<semaphore_mem>>
      %dma_start3A = tpu.memref_slice %arg9[%run_scoped3A_42, %mul3A_41] : memref<16x10240xf32, #tpu.memory_space<vmem_shared>> -> memref<1x640xf32, #tpu.memory_space<vmem_shared>>
      %dma_start3A_152 = tpu.memref_squeeze %dma_start3A : memref<1x640xf32, #tpu.memory_space<vmem_shared>> -> memref<640xf32, #tpu.memory_space<vmem_shared>>
      %dma_start3A_153 = tpu.memref_slice %arg9[%run_scoped3A_42, %mul3A_41] : memref<16x10240xf32, #tpu.memory_space<vmem_shared>> -> memref<1x640xf32, #tpu.memory_space<vmem_shared>>
      %dma_start3A_154 = tpu.memref_squeeze %dma_start3A_153 : memref<1x640xf32, #tpu.memory_space<vmem_shared>> -> memref<640xf32, #tpu.memory_space<vmem_shared>>
      tpu.enqueue_dma source(%dma_start3A_154 : memref<640xf32, #tpu.memory_space<vmem_shared>>) target(%arg8 : memref<640xf32, #tpu.memory_space<vmem>>) target_semaphore(%run_scoped3A_151 : memref<!tpu.dma_semaphore, #tpu.memory_space<semaphore_mem>>)
      %dma_wait3A = tpu.memref_slice %arg9[%run_scoped3A_42, %mul3A_41] : memref<16x10240xf32, #tpu.memory_space<vmem_shared>> -> memref<1x640xf32, #tpu.memory_space<vmem_shared>>
      %dma_wait3A_155 = tpu.memref_squeeze %dma_wait3A : memref<1x640xf32, #tpu.memory_space<vmem_shared>> -> memref<640xf32, #tpu.memory_space<vmem_shared>>
      %dma_wait3A_156 = tpu.memref_slice %arg9[%run_scoped3A_42, %mul3A_41] : memref<16x10240xf32, #tpu.memory_space<vmem_shared>> -> memref<1x640xf32, #tpu.memory_space<vmem_shared>>
      %dma_wait3A_157 = tpu.memref_squeeze %dma_wait3A_156 : memref<1x640xf32, #tpu.memory_space<vmem_shared>> -> memref<640xf32, #tpu.memory_space<vmem_shared>>
      tpu.wait_dma2 semaphore(%run_scoped3A_151 : memref<!tpu.dma_semaphore, #tpu.memory_space<semaphore_mem>>) src(%dma_wait3A_157 : memref<640xf32, #tpu.memory_space<vmem_shared>>) dst(%arg8 : memref<640xf32, #tpu.memory_space<vmem>>)
      tpu.yield
    }) : () -> ()
    %scan3A_43 = arith.constant 0 : i32
    %scan3A_44 = arith.constant 40 : i32
    %scan3A_45 = arith.addi %scan3A_43, %scan3A_44 : i32
    %scan3A_46 = arith.constant 1 : i32
    scf.for %scan3A_151 = %scan3A_43 to %scan3A_45 step %scan3A_46  : i32 {
      %mul3A_152 = arith.constant 1 : i32
      %mul3A_153 = arith.muli %scan3A_151, %mul3A_152 : i32
      %add3A_154 = arith.constant 0 : i32
      %add3A_155 = arith.addi %add3A_154, %mul3A_153 : i32
      %mul3A_156 = arith.constant 16 : i32
      %mul3A_157 = arith.muli %add3A_155, %mul3A_156 : i32
      %get3A = arith.index_cast %mul3A_157 : i32 to index
      %get3A_158 = tpu.vector_load %arg7[%get3A] {strides = array<i32>} : memref<640xf32, #tpu.memory_space<vmem>>, vector<16xf32>,
      %mul3A_159 = arith.constant 16 : i32
      %mul3A_160 = arith.muli %add3A_155, %mul3A_159 : i32
      %get3A_161 = arith.index_cast %mul3A_160 : i32 to index
      %get3A_162 = tpu.vector_load %arg8[%get3A_161] {strides = array<i32>} : memref<640xf32, #tpu.memory_space<vmem>>, vector<16xf32>,
      %add3A_163 = arith.addf %get3A_158, %get3A_162 : vector<16xf32>
      %swap3A = arith.index_cast %mul3A_157 : i32 to index
      %swap3A_164 = tpu.vector_load %arg7[%swap3A] {strides = array<i32>} : memref<640xf32, #tpu.memory_space<vmem>>, vector<16xf32>,
      tpu.vector_store %arg7[%swap3A], %add3A_163 {strides = array<i32>} : memref<640xf32, #tpu.memory_space<vmem>>, vector<16xf32>,
    }
    %scan3A_47 = arith.constant 40 : i32
    %mul3A_48 = arith.constant 640 : i32
    %mul3A_49 = arith.muli %arg1, %mul3A_48 : i32
    %run_scoped3A_50 = arith.constant 4 : i32
    "tpu.region"() ({
      %run_scoped3A_151 = tpu.sem_alloc : memref<!tpu.dma_semaphore, #tpu.memory_space<semaphore_mem>>
      %dma_start3A = tpu.memref_slice %arg9[%run_scoped3A_50, %mul3A_49] : memref<16x10240xf32, #tpu.memory_space<vmem_shared>> -> memref<1x640xf32, #tpu.memory_space<vmem_shared>>
      %dma_start3A_152 = tpu.memref_squeeze %dma_start3A : memref<1x640xf32, #tpu.memory_space<vmem_shared>> -> memref<640xf32, #tpu.memory_space<vmem_shared>>
      %dma_start3A_153 = tpu.memref_slice %arg9[%run_scoped3A_50, %mul3A_49] : memref<16x10240xf32, #tpu.memory_space<vmem_shared>> -> memref<1x640xf32, #tpu.memory_space<vmem_shared>>
      %dma_start3A_154 = tpu.memref_squeeze %dma_start3A_153 : memref<1x640xf32, #tpu.memory_space<vmem_shared>> -> memref<640xf32, #tpu.memory_space<vmem_shared>>
      tpu.enqueue_dma source(%dma_start3A_154 : memref<640xf32, #tpu.memory_space<vmem_shared>>) target(%arg8 : memref<640xf32, #tpu.memory_space<vmem>>) target_semaphore(%run_scoped3A_151 : memref<!tpu.dma_semaphore, #tpu.memory_space<semaphore_mem>>)
      %dma_wait3A = tpu.memref_slice %arg9[%run_scoped3A_50, %mul3A_49] : memref<16x10240xf32, #tpu.memory_space<vmem_shared>> -> memref<1x640xf32, #tpu.memory_space<vmem_shared>>
      %dma_wait3A_155 = tpu.memref_squeeze %dma_wait3A : memref<1x640xf32, #tpu.memory_space<vmem_shared>> -> memref<640xf32, #tpu.memory_space<vmem_shared>>
      %dma_wait3A_156 = tpu.memref_slice %arg9[%run_scoped3A_50, %mul3A_49] : memref<16x10240xf32, #tpu.memory_space<vmem_shared>> -> memref<1x640xf32, #tpu.memory_space<vmem_shared>>
      %dma_wait3A_157 = tpu.memref_squeeze %dma_wait3A_156 : memref<1x640xf32, #tpu.memory_space<vmem_shared>> -> memref<640xf32, #tpu.memory_space<vmem_shared>>
      tpu.wait_dma2 semaphore(%run_scoped3A_151 : memref<!tpu.dma_semaphore, #tpu.memory_space<semaphore_mem>>) src(%dma_wait3A_157 : memref<640xf32, #tpu.memory_space<vmem_shared>>) dst(%arg8 : memref<640xf32, #tpu.memory_space<vmem>>)
      tpu.yield
    }) : () -> ()
    %scan3A_51 = arith.constant 0 : i32
    %scan3A_52 = arith.constant 40 : i32
    %scan3A_53 = arith.addi %scan3A_51, %scan3A_52 : i32
    %scan3A_54 = arith.constant 1 : i32
    scf.for %scan3A_151 = %scan3A_51 to %scan3A_53 step %scan3A_54  : i32 {
      %mul3A_152 = arith.constant 1 : i32
      %mul3A_153 = arith.muli %scan3A_151, %mul3A_152 : i32
      %add3A_154 = arith.constant 0 : i32
      %add3A_155 = arith.addi %add3A_154, %mul3A_153 : i32
      %mul3A_156 = arith.constant 16 : i32
      %mul3A_157 = arith.muli %add3A_155, %mul3A_156 : i32
      %get3A = arith.index_cast %mul3A_157 : i32 to index
      %get3A_158 = tpu.vector_load %arg7[%get3A] {strides = array<i32>} : memref<640xf32, #tpu.memory_space<vmem>>, vector<16xf32>,
      %mul3A_159 = arith.constant 16 : i32
      %mul3A_160 = arith.muli %add3A_155, %mul3A_159 : i32
      %get3A_161 = arith.index_cast %mul3A_160 : i32 to index
      %get3A_162 = tpu.vector_load %arg8[%get3A_161] {strides = array<i32>} : memref<640xf32, #tpu.memory_space<vmem>>, vector<16xf32>,
      %add3A_163 = arith.addf %get3A_158, %get3A_162 : vector<16xf32>
      %swap3A = arith.index_cast %mul3A_157 : i32 to index
      %swap3A_164 = tpu.vector_load %arg7[%swap3A] {strides = array<i32>} : memref<640xf32, #tpu.memory_space<vmem>>, vector<16xf32>,
      tpu.vector_store %arg7[%swap3A], %add3A_163 {strides = array<i32>} : memref<640xf32, #tpu.memory_space<vmem>>, vector<16xf32>,
    }
    %scan3A_55 = arith.constant 40 : i32
    %mul3A_56 = arith.constant 640 : i32
    %mul3A_57 = arith.muli %arg1, %mul3A_56 : i32
    %run_scoped3A_58 = arith.constant 5 : i32
    "tpu.region"() ({
      %run_scoped3A_151 = tpu.sem_alloc : memref<!tpu.dma_semaphore, #tpu.memory_space<semaphore_mem>>
      %dma_start3A = tpu.memref_slice %arg9[%run_scoped3A_58, %mul3A_57] : memref<16x10240xf32, #tpu.memory_space<vmem_shared>> -> memref<1x640xf32, #tpu.memory_space<vmem_shared>>
      %dma_start3A_152 = tpu.memref_squeeze %dma_start3A : memref<1x640xf32, #tpu.memory_space<vmem_shared>> -> memref<640xf32, #tpu.memory_space<vmem_shared>>
      %dma_start3A_153 = tpu.memref_slice %arg9[%run_scoped3A_58, %mul3A_57] : memref<16x10240xf32, #tpu.memory_space<vmem_shared>> -> memref<1x640xf32, #tpu.memory_space<vmem_shared>>
      %dma_start3A_154 = tpu.memref_squeeze %dma_start3A_153 : memref<1x640xf32, #tpu.memory_space<vmem_shared>> -> memref<640xf32, #tpu.memory_space<vmem_shared>>
      tpu.enqueue_dma source(%dma_start3A_154 : memref<640xf32, #tpu.memory_space<vmem_shared>>) target(%arg8 : memref<640xf32, #tpu.memory_space<vmem>>) target_semaphore(%run_scoped3A_151 : memref<!tpu.dma_semaphore, #tpu.memory_space<semaphore_mem>>)
      %dma_wait3A = tpu.memref_slice %arg9[%run_scoped3A_58, %mul3A_57] : memref<16x10240xf32, #tpu.memory_space<vmem_shared>> -> memref<1x640xf32, #tpu.memory_space<vmem_shared>>
      %dma_wait3A_155 = tpu.memref_squeeze %dma_wait3A : memref<1x640xf32, #tpu.memory_space<vmem_shared>> -> memref<640xf32, #tpu.memory_space<vmem_shared>>
      %dma_wait3A_156 = tpu.memref_slice %arg9[%run_scoped3A_58, %mul3A_57] : memref<16x10240xf32, #tpu.memory_space<vmem_shared>> -> memref<1x640xf32, #tpu.memory_space<vmem_shared>>
      %dma_wait3A_157 = tpu.memref_squeeze %dma_wait3A_156 : memref<1x640xf32, #tpu.memory_space<vmem_shared>> -> memref<640xf32, #tpu.memory_space<vmem_shared>>
      tpu.wait_dma2 semaphore(%run_scoped3A_151 : memref<!tpu.dma_semaphore, #tpu.memory_space<semaphore_mem>>) src(%dma_wait3A_157 : memref<640xf32, #tpu.memory_space<vmem_shared>>) dst(%arg8 : memref<640xf32, #tpu.memory_space<vmem>>)
      tpu.yield
    }) : () -> ()
    %scan3A_59 = arith.constant 0 : i32
    %scan3A_60 = arith.constant 40 : i32
    %scan3A_61 = arith.addi %scan3A_59, %scan3A_60 : i32
    %scan3A_62 = arith.constant 1 : i32
    scf.for %scan3A_151 = %scan3A_59 to %scan3A_61 step %scan3A_62  : i32 {
      %mul3A_152 = arith.constant 1 : i32
      %mul3A_153 = arith.muli %scan3A_151, %mul3A_152 : i32
      %add3A_154 = arith.constant 0 : i32
      %add3A_155 = arith.addi %add3A_154, %mul3A_153 : i32
      %mul3A_156 = arith.constant 16 : i32
      %mul3A_157 = arith.muli %add3A_155, %mul3A_156 : i32
      %get3A = arith.index_cast %mul3A_157 : i32 to index
      %get3A_158 = tpu.vector_load %arg7[%get3A] {strides = array<i32>} : memref<640xf32, #tpu.memory_space<vmem>>, vector<16xf32>,
      %mul3A_159 = arith.constant 16 : i32
      %mul3A_160 = arith.muli %add3A_155, %mul3A_159 : i32
      %get3A_161 = arith.index_cast %mul3A_160 : i32 to index
      %get3A_162 = tpu.vector_load %arg8[%get3A_161] {strides = array<i32>} : memref<640xf32, #tpu.memory_space<vmem>>, vector<16xf32>,
      %add3A_163 = arith.addf %get3A_158, %get3A_162 : vector<16xf32>
      %swap3A = arith.index_cast %mul3A_157 : i32 to index
      %swap3A_164 = tpu.vector_load %arg7[%swap3A] {strides = array<i32>} : memref<640xf32, #tpu.memory_space<vmem>>, vector<16xf32>,
      tpu.vector_store %arg7[%swap3A], %add3A_163 {strides = array<i32>} : memref<640xf32, #tpu.memory_space<vmem>>, vector<16xf32>,
    }
    %scan3A_63 = arith.constant 40 : i32
    %mul3A_64 = arith.constant 640 : i32
    %mul3A_65 = arith.muli %arg1, %mul3A_64 : i32
    %run_scoped3A_66 = arith.constant 6 : i32
    "tpu.region"() ({
      %run_scoped3A_151 = tpu.sem_alloc : memref<!tpu.dma_semaphore, #tpu.memory_space<semaphore_mem>>
      %dma_start3A = tpu.memref_slice %arg9[%run_scoped3A_66, %mul3A_65] : memref<16x10240xf32, #tpu.memory_space<vmem_shared>> -> memref<1x640xf32, #tpu.memory_space<vmem_shared>>
      %dma_start3A_152 = tpu.memref_squeeze %dma_start3A : memref<1x640xf32, #tpu.memory_space<vmem_shared>> -> memref<640xf32, #tpu.memory_space<vmem_shared>>
      %dma_start3A_153 = tpu.memref_slice %arg9[%run_scoped3A_66, %mul3A_65] : memref<16x10240xf32, #tpu.memory_space<vmem_shared>> -> memref<1x640xf32, #tpu.memory_space<vmem_shared>>
      %dma_start3A_154 = tpu.memref_squeeze %dma_start3A_153 : memref<1x640xf32, #tpu.memory_space<vmem_shared>> -> memref<640xf32, #tpu.memory_space<vmem_shared>>
      tpu.enqueue_dma source(%dma_start3A_154 : memref<640xf32, #tpu.memory_space<vmem_shared>>) target(%arg8 : memref<640xf32, #tpu.memory_space<vmem>>) target_semaphore(%run_scoped3A_151 : memref<!tpu.dma_semaphore, #tpu.memory_space<semaphore_mem>>)
      %dma_wait3A = tpu.memref_slice %arg9[%run_scoped3A_66, %mul3A_65] : memref<16x10240xf32, #tpu.memory_space<vmem_shared>> -> memref<1x640xf32, #tpu.memory_space<vmem_shared>>
      %dma_wait3A_155 = tpu.memref_squeeze %dma_wait3A : memref<1x640xf32, #tpu.memory_space<vmem_shared>> -> memref<640xf32, #tpu.memory_space<vmem_shared>>
      %dma_wait3A_156 = tpu.memref_slice %arg9[%run_scoped3A_66, %mul3A_65] : memref<16x10240xf32, #tpu.memory_space<vmem_shared>> -> memref<1x640xf32, #tpu.memory_space<vmem_shared>>
      %dma_wait3A_157 = tpu.memref_squeeze %dma_wait3A_156 : memref<1x640xf32, #tpu.memory_space<vmem_shared>> -> memref<640xf32, #tpu.memory_space<vmem_shared>>
      tpu.wait_dma2 semaphore(%run_scoped3A_151 : memref<!tpu.dma_semaphore, #tpu.memory_space<semaphore_mem>>) src(%dma_wait3A_157 : memref<640xf32, #tpu.memory_space<vmem_shared>>) dst(%arg8 : memref<640xf32, #tpu.memory_space<vmem>>)
      tpu.yield
    }) : () -> ()
    %scan3A_67 = arith.constant 0 : i32
    %scan3A_68 = arith.constant 40 : i32
    %scan3A_69 = arith.addi %scan3A_67, %scan3A_68 : i32
    %scan3A_70 = arith.constant 1 : i32
    scf.for %scan3A_151 = %scan3A_67 to %scan3A_69 step %scan3A_70  : i32 {
      %mul3A_152 = arith.constant 1 : i32
      %mul3A_153 = arith.muli %scan3A_151, %mul3A_152 : i32
      %add3A_154 = arith.constant 0 : i32
      %add3A_155 = arith.addi %add3A_154, %mul3A_153 : i32
      %mul3A_156 = arith.constant 16 : i32
      %mul3A_157 = arith.muli %add3A_155, %mul3A_156 : i32
      %get3A = arith.index_cast %mul3A_157 : i32 to index
      %get3A_158 = tpu.vector_load %arg7[%get3A] {strides = array<i32>} : memref<640xf32, #tpu.memory_space<vmem>>, vector<16xf32>,
      %mul3A_159 = arith.constant 16 : i32
      %mul3A_160 = arith.muli %add3A_155, %mul3A_159 : i32
      %get3A_161 = arith.index_cast %mul3A_160 : i32 to index
      %get3A_162 = tpu.vector_load %arg8[%get3A_161] {strides = array<i32>} : memref<640xf32, #tpu.memory_space<vmem>>, vector<16xf32>,
      %add3A_163 = arith.addf %get3A_158, %get3A_162 : vector<16xf32>
      %swap3A = arith.index_cast %mul3A_157 : i32 to index
      %swap3A_164 = tpu.vector_load %arg7[%swap3A] {strides = array<i32>} : memref<640xf32, #tpu.memory_space<vmem>>, vector<16xf32>,
      tpu.vector_store %arg7[%swap3A], %add3A_163 {strides = array<i32>} : memref<640xf32, #tpu.memory_space<vmem>>, vector<16xf32>,
    }
    %scan3A_71 = arith.constant 40 : i32
    %mul3A_72 = arith.constant 640 : i32
    %mul3A_73 = arith.muli %arg1, %mul3A_72 : i32
    %run_scoped3A_74 = arith.constant 7 : i32
    "tpu.region"() ({
      %run_scoped3A_151 = tpu.sem_alloc : memref<!tpu.dma_semaphore, #tpu.memory_space<semaphore_mem>>
      %dma_start3A = tpu.memref_slice %arg9[%run_scoped3A_74, %mul3A_73] : memref<16x10240xf32, #tpu.memory_space<vmem_shared>> -> memref<1x640xf32, #tpu.memory_space<vmem_shared>>
      %dma_start3A_152 = tpu.memref_squeeze %dma_start3A : memref<1x640xf32, #tpu.memory_space<vmem_shared>> -> memref<640xf32, #tpu.memory_space<vmem_shared>>
      %dma_start3A_153 = tpu.memref_slice %arg9[%run_scoped3A_74, %mul3A_73] : memref<16x10240xf32, #tpu.memory_space<vmem_shared>> -> memref<1x640xf32, #tpu.memory_space<vmem_shared>>
      %dma_start3A_154 = tpu.memref_squeeze %dma_start3A_153 : memref<1x640xf32, #tpu.memory_space<vmem_shared>> -> memref<640xf32, #tpu.memory_space<vmem_shared>>
      tpu.enqueue_dma source(%dma_start3A_154 : memref<640xf32, #tpu.memory_space<vmem_shared>>) target(%arg8 : memref<640xf32, #tpu.memory_space<vmem>>) target_semaphore(%run_scoped3A_151 : memref<!tpu.dma_semaphore, #tpu.memory_space<semaphore_mem>>)
      %dma_wait3A = tpu.memref_slice %arg9[%run_scoped3A_74, %mul3A_73] : memref<16x10240xf32, #tpu.memory_space<vmem_shared>> -> memref<1x640xf32, #tpu.memory_space<vmem_shared>>
      %dma_wait3A_155 = tpu.memref_squeeze %dma_wait3A : memref<1x640xf32, #tpu.memory_space<vmem_shared>> -> memref<640xf32, #tpu.memory_space<vmem_shared>>
      %dma_wait3A_156 = tpu.memref_slice %arg9[%run_scoped3A_74, %mul3A_73] : memref<16x10240xf32, #tpu.memory_space<vmem_shared>> -> memref<1x640xf32, #tpu.memory_space<vmem_shared>>
      %dma_wait3A_157 = tpu.memref_squeeze %dma_wait3A_156 : memref<1x640xf32, #tpu.memory_space<vmem_shared>> -> memref<640xf32, #tpu.memory_space<vmem_shared>>
      tpu.wait_dma2 semaphore(%run_scoped3A_151 : memref<!tpu.dma_semaphore, #tpu.memory_space<semaphore_mem>>) src(%dma_wait3A_157 : memref<640xf32, #tpu.memory_space<vmem_shared>>) dst(%arg8 : memref<640xf32, #tpu.memory_space<vmem>>)
      tpu.yield
    }) : () -> ()
    %scan3A_75 = arith.constant 0 : i32
    %scan3A_76 = arith.constant 40 : i32
    %scan3A_77 = arith.addi %scan3A_75, %scan3A_76 : i32
    %scan3A_78 = arith.constant 1 : i32
    scf.for %scan3A_151 = %scan3A_75 to %scan3A_77 step %scan3A_78  : i32 {
      %mul3A_152 = arith.constant 1 : i32
      %mul3A_153 = arith.muli %scan3A_151, %mul3A_152 : i32
      %add3A_154 = arith.constant 0 : i32
      %add3A_155 = arith.addi %add3A_154, %mul3A_153 : i32
      %mul3A_156 = arith.constant 16 : i32
      %mul3A_157 = arith.muli %add3A_155, %mul3A_156 : i32
      %get3A = arith.index_cast %mul3A_157 : i32 to index
      %get3A_158 = tpu.vector_load %arg7[%get3A] {strides = array<i32>} : memref<640xf32, #tpu.memory_space<vmem>>, vector<16xf32>,
      %mul3A_159 = arith.constant 16 : i32
      %mul3A_160 = arith.muli %add3A_155, %mul3A_159 : i32
      %get3A_161 = arith.index_cast %mul3A_160 : i32 to index
      %get3A_162 = tpu.vector_load %arg8[%get3A_161] {strides = array<i32>} : memref<640xf32, #tpu.memory_space<vmem>>, vector<16xf32>,
      %add3A_163 = arith.addf %get3A_158, %get3A_162 : vector<16xf32>
      %swap3A = arith.index_cast %mul3A_157 : i32 to index
      %swap3A_164 = tpu.vector_load %arg7[%swap3A] {strides = array<i32>} : memref<640xf32, #tpu.memory_space<vmem>>, vector<16xf32>,
      tpu.vector_store %arg7[%swap3A], %add3A_163 {strides = array<i32>} : memref<640xf32, #tpu.memory_space<vmem>>, vector<16xf32>,
    }
    %scan3A_79 = arith.constant 40 : i32
    %mul3A_80 = arith.constant 640 : i32
    %mul3A_81 = arith.muli %arg1, %mul3A_80 : i32
    %run_scoped3A_82 = arith.constant 8 : i32
    "tpu.region"() ({
      %run_scoped3A_151 = tpu.sem_alloc : memref<!tpu.dma_semaphore, #tpu.memory_space<semaphore_mem>>
      %dma_start3A = tpu.memref_slice %arg9[%run_scoped3A_82, %mul3A_81] : memref<16x10240xf32, #tpu.memory_space<vmem_shared>> -> memref<1x640xf32, #tpu.memory_space<vmem_shared>>
      %dma_start3A_152 = tpu.memref_squeeze %dma_start3A : memref<1x640xf32, #tpu.memory_space<vmem_shared>> -> memref<640xf32, #tpu.memory_space<vmem_shared>>
      %dma_start3A_153 = tpu.memref_slice %arg9[%run_scoped3A_82, %mul3A_81] : memref<16x10240xf32, #tpu.memory_space<vmem_shared>> -> memref<1x640xf32, #tpu.memory_space<vmem_shared>>
      %dma_start3A_154 = tpu.memref_squeeze %dma_start3A_153 : memref<1x640xf32, #tpu.memory_space<vmem_shared>> -> memref<640xf32, #tpu.memory_space<vmem_shared>>
      tpu.enqueue_dma source(%dma_start3A_154 : memref<640xf32, #tpu.memory_space<vmem_shared>>) target(%arg8 : memref<640xf32, #tpu.memory_space<vmem>>) target_semaphore(%run_scoped3A_151 : memref<!tpu.dma_semaphore, #tpu.memory_space<semaphore_mem>>)
      %dma_wait3A = tpu.memref_slice %arg9[%run_scoped3A_82, %mul3A_81] : memref<16x10240xf32, #tpu.memory_space<vmem_shared>> -> memref<1x640xf32, #tpu.memory_space<vmem_shared>>
      %dma_wait3A_155 = tpu.memref_squeeze %dma_wait3A : memref<1x640xf32, #tpu.memory_space<vmem_shared>> -> memref<640xf32, #tpu.memory_space<vmem_shared>>
      %dma_wait3A_156 = tpu.memref_slice %arg9[%run_scoped3A_82, %mul3A_81] : memref<16x10240xf32, #tpu.memory_space<vmem_shared>> -> memref<1x640xf32, #tpu.memory_space<vmem_shared>>
      %dma_wait3A_157 = tpu.memref_squeeze %dma_wait3A_156 : memref<1x640xf32, #tpu.memory_space<vmem_shared>> -> memref<640xf32, #tpu.memory_space<vmem_shared>>
      tpu.wait_dma2 semaphore(%run_scoped3A_151 : memref<!tpu.dma_semaphore, #tpu.memory_space<semaphore_mem>>) src(%dma_wait3A_157 : memref<640xf32, #tpu.memory_space<vmem_shared>>) dst(%arg8 : memref<640xf32, #tpu.memory_space<vmem>>)
      tpu.yield
    }) : () -> ()
    %scan3A_83 = arith.constant 0 : i32
    %scan3A_84 = arith.constant 40 : i32
    %scan3A_85 = arith.addi %scan3A_83, %scan3A_84 : i32
    %scan3A_86 = arith.constant 1 : i32
    scf.for %scan3A_151 = %scan3A_83 to %scan3A_85 step %scan3A_86  : i32 {
      %mul3A_152 = arith.constant 1 : i32
      %mul3A_153 = arith.muli %scan3A_151, %mul3A_152 : i32
      %add3A_154 = arith.constant 0 : i32
      %add3A_155 = arith.addi %add3A_154, %mul3A_153 : i32
      %mul3A_156 = arith.constant 16 : i32
      %mul3A_157 = arith.muli %add3A_155, %mul3A_156 : i32
      %get3A = arith.index_cast %mul3A_157 : i32 to index
      %get3A_158 = tpu.vector_load %arg7[%get3A] {strides = array<i32>} : memref<640xf32, #tpu.memory_space<vmem>>, vector<16xf32>,
      %mul3A_159 = arith.constant 16 : i32
      %mul3A_160 = arith.muli %add3A_155, %mul3A_159 : i32
      %get3A_161 = arith.index_cast %mul3A_160 : i32 to index
      %get3A_162 = tpu.vector_load %arg8[%get3A_161] {strides = array<i32>} : memref<640xf32, #tpu.memory_space<vmem>>, vector<16xf32>,
      %add3A_163 = arith.addf %get3A_158, %get3A_162 : vector<16xf32>
      %swap3A = arith.index_cast %mul3A_157 : i32 to index
      %swap3A_164 = tpu.vector_load %arg7[%swap3A] {strides = array<i32>} : memref<640xf32, #tpu.memory_space<vmem>>, vector<16xf32>,
      tpu.vector_store %arg7[%swap3A], %add3A_163 {strides = array<i32>} : memref<640xf32, #tpu.memory_space<vmem>>, vector<16xf32>,
    }
    %scan3A_87 = arith.constant 40 : i32
    %mul3A_88 = arith.constant 640 : i32
    %mul3A_89 = arith.muli %arg1, %mul3A_88 : i32
    %run_scoped3A_90 = arith.constant 9 : i32
    "tpu.region"() ({
      %run_scoped3A_151 = tpu.sem_alloc : memref<!tpu.dma_semaphore, #tpu.memory_space<semaphore_mem>>
      %dma_start3A = tpu.memref_slice %arg9[%run_scoped3A_90, %mul3A_89] : memref<16x10240xf32, #tpu.memory_space<vmem_shared>> -> memref<1x640xf32, #tpu.memory_space<vmem_shared>>
      %dma_start3A_152 = tpu.memref_squeeze %dma_start3A : memref<1x640xf32, #tpu.memory_space<vmem_shared>> -> memref<640xf32, #tpu.memory_space<vmem_shared>>
      %dma_start3A_153 = tpu.memref_slice %arg9[%run_scoped3A_90, %mul3A_89] : memref<16x10240xf32, #tpu.memory_space<vmem_shared>> -> memref<1x640xf32, #tpu.memory_space<vmem_shared>>
      %dma_start3A_154 = tpu.memref_squeeze %dma_start3A_153 : memref<1x640xf32, #tpu.memory_space<vmem_shared>> -> memref<640xf32, #tpu.memory_space<vmem_shared>>
      tpu.enqueue_dma source(%dma_start3A_154 : memref<640xf32, #tpu.memory_space<vmem_shared>>) target(%arg8 : memref<640xf32, #tpu.memory_space<vmem>>) target_semaphore(%run_scoped3A_151 : memref<!tpu.dma_semaphore, #tpu.memory_space<semaphore_mem>>)
      %dma_wait3A = tpu.memref_slice %arg9[%run_scoped3A_90, %mul3A_89] : memref<16x10240xf32, #tpu.memory_space<vmem_shared>> -> memref<1x640xf32, #tpu.memory_space<vmem_shared>>
      %dma_wait3A_155 = tpu.memref_squeeze %dma_wait3A : memref<1x640xf32, #tpu.memory_space<vmem_shared>> -> memref<640xf32, #tpu.memory_space<vmem_shared>>
      %dma_wait3A_156 = tpu.memref_slice %arg9[%run_scoped3A_90, %mul3A_89] : memref<16x10240xf32, #tpu.memory_space<vmem_shared>> -> memref<1x640xf32, #tpu.memory_space<vmem_shared>>
      %dma_wait3A_157 = tpu.memref_squeeze %dma_wait3A_156 : memref<1x640xf32, #tpu.memory_space<vmem_shared>> -> memref<640xf32, #tpu.memory_space<vmem_shared>>
      tpu.wait_dma2 semaphore(%run_scoped3A_151 : memref<!tpu.dma_semaphore, #tpu.memory_space<semaphore_mem>>) src(%dma_wait3A_157 : memref<640xf32, #tpu.memory_space<vmem_shared>>) dst(%arg8 : memref<640xf32, #tpu.memory_space<vmem>>)
      tpu.yield
    }) : () -> ()
    %scan3A_91 = arith.constant 0 : i32
    %scan3A_92 = arith.constant 40 : i32
    %scan3A_93 = arith.addi %scan3A_91, %scan3A_92 : i32
    %scan3A_94 = arith.constant 1 : i32
    scf.for %scan3A_151 = %scan3A_91 to %scan3A_93 step %scan3A_94  : i32 {
      %mul3A_152 = arith.constant 1 : i32
      %mul3A_153 = arith.muli %scan3A_151, %mul3A_152 : i32
      %add3A_154 = arith.constant 0 : i32
      %add3A_155 = arith.addi %add3A_154, %mul3A_153 : i32
      %mul3A_156 = arith.constant 16 : i32
      %mul3A_157 = arith.muli %add3A_155, %mul3A_156 : i32
      %get3A = arith.index_cast %mul3A_157 : i32 to index
      %get3A_158 = tpu.vector_load %arg7[%get3A] {strides = array<i32>} : memref<640xf32, #tpu.memory_space<vmem>>, vector<16xf32>,
      %mul3A_159 = arith.constant 16 : i32
      %mul3A_160 = arith.muli %add3A_155, %mul3A_159 : i32
      %get3A_161 = arith.index_cast %mul3A_160 : i32 to index
      %get3A_162 = tpu.vector_load %arg8[%get3A_161] {strides = array<i32>} : memref<640xf32, #tpu.memory_space<vmem>>, vector<16xf32>,
      %add3A_163 = arith.addf %get3A_158, %get3A_162 : vector<16xf32>
      %swap3A = arith.index_cast %mul3A_157 : i32 to index
      %swap3A_164 = tpu.vector_load %arg7[%swap3A] {strides = array<i32>} : memref<640xf32, #tpu.memory_space<vmem>>, vector<16xf32>,
      tpu.vector_store %arg7[%swap3A], %add3A_163 {strides = array<i32>} : memref<640xf32, #tpu.memory_space<vmem>>, vector<16xf32>,
    }
    %scan3A_95 = arith.constant 40 : i32
    %mul3A_96 = arith.constant 640 : i32
    %mul3A_97 = arith.muli %arg1, %mul3A_96 : i32
    %run_scoped3A_98 = arith.constant 10 : i32
    "tpu.region"() ({
      %run_scoped3A_151 = tpu.sem_alloc : memref<!tpu.dma_semaphore, #tpu.memory_space<semaphore_mem>>
      %dma_start3A = tpu.memref_slice %arg9[%run_scoped3A_98, %mul3A_97] : memref<16x10240xf32, #tpu.memory_space<vmem_shared>> -> memref<1x640xf32, #tpu.memory_space<vmem_shared>>
      %dma_start3A_152 = tpu.memref_squeeze %dma_start3A : memref<1x640xf32, #tpu.memory_space<vmem_shared>> -> memref<640xf32, #tpu.memory_space<vmem_shared>>
      %dma_start3A_153 = tpu.memref_slice %arg9[%run_scoped3A_98, %mul3A_97] : memref<16x10240xf32, #tpu.memory_space<vmem_shared>> -> memref<1x640xf32, #tpu.memory_space<vmem_shared>>
      %dma_start3A_154 = tpu.memref_squeeze %dma_start3A_153 : memref<1x640xf32, #tpu.memory_space<vmem_shared>> -> memref<640xf32, #tpu.memory_space<vmem_shared>>
      tpu.enqueue_dma source(%dma_start3A_154 : memref<640xf32, #tpu.memory_space<vmem_shared>>) target(%arg8 : memref<640xf32, #tpu.memory_space<vmem>>) target_semaphore(%run_scoped3A_151 : memref<!tpu.dma_semaphore, #tpu.memory_space<semaphore_mem>>)
      %dma_wait3A = tpu.memref_slice %arg9[%run_scoped3A_98, %mul3A_97] : memref<16x10240xf32, #tpu.memory_space<vmem_shared>> -> memref<1x640xf32, #tpu.memory_space<vmem_shared>>
      %dma_wait3A_155 = tpu.memref_squeeze %dma_wait3A : memref<1x640xf32, #tpu.memory_space<vmem_shared>> -> memref<640xf32, #tpu.memory_space<vmem_shared>>
      %dma_wait3A_156 = tpu.memref_slice %arg9[%run_scoped3A_98, %mul3A_97] : memref<16x10240xf32, #tpu.memory_space<vmem_shared>> -> memref<1x640xf32, #tpu.memory_space<vmem_shared>>
      %dma_wait3A_157 = tpu.memref_squeeze %dma_wait3A_156 : memref<1x640xf32, #tpu.memory_space<vmem_shared>> -> memref<640xf32, #tpu.memory_space<vmem_shared>>
      tpu.wait_dma2 semaphore(%run_scoped3A_151 : memref<!tpu.dma_semaphore, #tpu.memory_space<semaphore_mem>>) src(%dma_wait3A_157 : memref<640xf32, #tpu.memory_space<vmem_shared>>) dst(%arg8 : memref<640xf32, #tpu.memory_space<vmem>>)
      tpu.yield
    }) : () -> ()
    %scan3A_99 = arith.constant 0 : i32
    %scan3A_100 = arith.constant 40 : i32
    %scan3A_101 = arith.addi %scan3A_99, %scan3A_100 : i32
    %scan3A_102 = arith.constant 1 : i32
    scf.for %scan3A_151 = %scan3A_99 to %scan3A_101 step %scan3A_102  : i32 {
      %mul3A_152 = arith.constant 1 : i32
      %mul3A_153 = arith.muli %scan3A_151, %mul3A_152 : i32
      %add3A_154 = arith.constant 0 : i32
      %add3A_155 = arith.addi %add3A_154, %mul3A_153 : i32
      %mul3A_156 = arith.constant 16 : i32
      %mul3A_157 = arith.muli %add3A_155, %mul3A_156 : i32
      %get3A = arith.index_cast %mul3A_157 : i32 to index
      %get3A_158 = tpu.vector_load %arg7[%get3A] {strides = array<i32>} : memref<640xf32, #tpu.memory_space<vmem>>, vector<16xf32>,
      %mul3A_159 = arith.constant 16 : i32
      %mul3A_160 = arith.muli %add3A_155, %mul3A_159 : i32
      %get3A_161 = arith.index_cast %mul3A_160 : i32 to index
      %get3A_162 = tpu.vector_load %arg8[%get3A_161] {strides = array<i32>} : memref<640xf32, #tpu.memory_space<vmem>>, vector<16xf32>,
      %add3A_163 = arith.addf %get3A_158, %get3A_162 : vector<16xf32>
      %swap3A = arith.index_cast %mul3A_157 : i32 to index
      %swap3A_164 = tpu.vector_load %arg7[%swap3A] {strides = array<i32>} : memref<640xf32, #tpu.memory_space<vmem>>, vector<16xf32>,
      tpu.vector_store %arg7[%swap3A], %add3A_163 {strides = array<i32>} : memref<640xf32, #tpu.memory_space<vmem>>, vector<16xf32>,
    }
    %scan3A_103 = arith.constant 40 : i32
    %mul3A_104 = arith.constant 640 : i32
    %mul3A_105 = arith.muli %arg1, %mul3A_104 : i32
    %run_scoped3A_106 = arith.constant 11 : i32
    "tpu.region"() ({
      %run_scoped3A_151 = tpu.sem_alloc : memref<!tpu.dma_semaphore, #tpu.memory_space<semaphore_mem>>
      %dma_start3A = tpu.memref_slice %arg9[%run_scoped3A_106, %mul3A_105] : memref<16x10240xf32, #tpu.memory_space<vmem_shared>> -> memref<1x640xf32, #tpu.memory_space<vmem_shared>>
      %dma_start3A_152 = tpu.memref_squeeze %dma_start3A : memref<1x640xf32, #tpu.memory_space<vmem_shared>> -> memref<640xf32, #tpu.memory_space<vmem_shared>>
      %dma_start3A_153 = tpu.memref_slice %arg9[%run_scoped3A_106, %mul3A_105] : memref<16x10240xf32, #tpu.memory_space<vmem_shared>> -> memref<1x640xf32, #tpu.memory_space<vmem_shared>>
      %dma_start3A_154 = tpu.memref_squeeze %dma_start3A_153 : memref<1x640xf32, #tpu.memory_space<vmem_shared>> -> memref<640xf32, #tpu.memory_space<vmem_shared>>
      tpu.enqueue_dma source(%dma_start3A_154 : memref<640xf32, #tpu.memory_space<vmem_shared>>) target(%arg8 : memref<640xf32, #tpu.memory_space<vmem>>) target_semaphore(%run_scoped3A_151 : memref<!tpu.dma_semaphore, #tpu.memory_space<semaphore_mem>>)
      %dma_wait3A = tpu.memref_slice %arg9[%run_scoped3A_106, %mul3A_105] : memref<16x10240xf32, #tpu.memory_space<vmem_shared>> -> memref<1x640xf32, #tpu.memory_space<vmem_shared>>
      %dma_wait3A_155 = tpu.memref_squeeze %dma_wait3A : memref<1x640xf32, #tpu.memory_space<vmem_shared>> -> memref<640xf32, #tpu.memory_space<vmem_shared>>
      %dma_wait3A_156 = tpu.memref_slice %arg9[%run_scoped3A_106, %mul3A_105] : memref<16x10240xf32, #tpu.memory_space<vmem_shared>> -> memref<1x640xf32, #tpu.memory_space<vmem_shared>>
      %dma_wait3A_157 = tpu.memref_squeeze %dma_wait3A_156 : memref<1x640xf32, #tpu.memory_space<vmem_shared>> -> memref<640xf32, #tpu.memory_space<vmem_shared>>
      tpu.wait_dma2 semaphore(%run_scoped3A_151 : memref<!tpu.dma_semaphore, #tpu.memory_space<semaphore_mem>>) src(%dma_wait3A_157 : memref<640xf32, #tpu.memory_space<vmem_shared>>) dst(%arg8 : memref<640xf32, #tpu.memory_space<vmem>>)
      tpu.yield
    }) : () -> ()
    %scan3A_107 = arith.constant 0 : i32
    %scan3A_108 = arith.constant 40 : i32
    %scan3A_109 = arith.addi %scan3A_107, %scan3A_108 : i32
    %scan3A_110 = arith.constant 1 : i32
    scf.for %scan3A_151 = %scan3A_107 to %scan3A_109 step %scan3A_110  : i32 {
      %mul3A_152 = arith.constant 1 : i32
      %mul3A_153 = arith.muli %scan3A_151, %mul3A_152 : i32
      %add3A_154 = arith.constant 0 : i32
      %add3A_155 = arith.addi %add3A_154, %mul3A_153 : i32
      %mul3A_156 = arith.constant 16 : i32
      %mul3A_157 = arith.muli %add3A_155, %mul3A_156 : i32
      %get3A = arith.index_cast %mul3A_157 : i32 to index
      %get3A_158 = tpu.vector_load %arg7[%get3A] {strides = array<i32>} : memref<640xf32, #tpu.memory_space<vmem>>, vector<16xf32>,
      %mul3A_159 = arith.constant 16 : i32
      %mul3A_160 = arith.muli %add3A_155, %mul3A_159 : i32
      %get3A_161 = arith.index_cast %mul3A_160 : i32 to index
      %get3A_162 = tpu.vector_load %arg8[%get3A_161] {strides = array<i32>} : memref<640xf32, #tpu.memory_space<vmem>>, vector<16xf32>,
      %add3A_163 = arith.addf %get3A_158, %get3A_162 : vector<16xf32>
      %swap3A = arith.index_cast %mul3A_157 : i32 to index
      %swap3A_164 = tpu.vector_load %arg7[%swap3A] {strides = array<i32>} : memref<640xf32, #tpu.memory_space<vmem>>, vector<16xf32>,
      tpu.vector_store %arg7[%swap3A], %add3A_163 {strides = array<i32>} : memref<640xf32, #tpu.memory_space<vmem>>, vector<16xf32>,
    }
    %scan3A_111 = arith.constant 40 : i32
    %mul3A_112 = arith.constant 640 : i32
    %mul3A_113 = arith.muli %arg1, %mul3A_112 : i32
    %run_scoped3A_114 = arith.constant 12 : i32
    "tpu.region"() ({
      %run_scoped3A_151 = tpu.sem_alloc : memref<!tpu.dma_semaphore, #tpu.memory_space<semaphore_mem>>
      %dma_start3A = tpu.memref_slice %arg9[%run_scoped3A_114, %mul3A_113] : memref<16x10240xf32, #tpu.memory_space<vmem_shared>> -> memref<1x640xf32, #tpu.memory_space<vmem_shared>>
      %dma_start3A_152 = tpu.memref_squeeze %dma_start3A : memref<1x640xf32, #tpu.memory_space<vmem_shared>> -> memref<640xf32, #tpu.memory_space<vmem_shared>>
      %dma_start3A_153 = tpu.memref_slice %arg9[%run_scoped3A_114, %mul3A_113] : memref<16x10240xf32, #tpu.memory_space<vmem_shared>> -> memref<1x640xf32, #tpu.memory_space<vmem_shared>>
      %dma_start3A_154 = tpu.memref_squeeze %dma_start3A_153 : memref<1x640xf32, #tpu.memory_space<vmem_shared>> -> memref<640xf32, #tpu.memory_space<vmem_shared>>
      tpu.enqueue_dma source(%dma_start3A_154 : memref<640xf32, #tpu.memory_space<vmem_shared>>) target(%arg8 : memref<640xf32, #tpu.memory_space<vmem>>) target_semaphore(%run_scoped3A_151 : memref<!tpu.dma_semaphore, #tpu.memory_space<semaphore_mem>>)
      %dma_wait3A = tpu.memref_slice %arg9[%run_scoped3A_114, %mul3A_113] : memref<16x10240xf32, #tpu.memory_space<vmem_shared>> -> memref<1x640xf32, #tpu.memory_space<vmem_shared>>
      %dma_wait3A_155 = tpu.memref_squeeze %dma_wait3A : memref<1x640xf32, #tpu.memory_space<vmem_shared>> -> memref<640xf32, #tpu.memory_space<vmem_shared>>
      %dma_wait3A_156 = tpu.memref_slice %arg9[%run_scoped3A_114, %mul3A_113] : memref<16x10240xf32, #tpu.memory_space<vmem_shared>> -> memref<1x640xf32, #tpu.memory_space<vmem_shared>>
      %dma_wait3A_157 = tpu.memref_squeeze %dma_wait3A_156 : memref<1x640xf32, #tpu.memory_space<vmem_shared>> -> memref<640xf32, #tpu.memory_space<vmem_shared>>
      tpu.wait_dma2 semaphore(%run_scoped3A_151 : memref<!tpu.dma_semaphore, #tpu.memory_space<semaphore_mem>>) src(%dma_wait3A_157 : memref<640xf32, #tpu.memory_space<vmem_shared>>) dst(%arg8 : memref<640xf32, #tpu.memory_space<vmem>>)
      tpu.yield
    }) : () -> ()
    %scan3A_115 = arith.constant 0 : i32
    %scan3A_116 = arith.constant 40 : i32
    %scan3A_117 = arith.addi %scan3A_115, %scan3A_116 : i32
    %scan3A_118 = arith.constant 1 : i32
    scf.for %scan3A_151 = %scan3A_115 to %scan3A_117 step %scan3A_118  : i32 {
      %mul3A_152 = arith.constant 1 : i32
      %mul3A_153 = arith.muli %scan3A_151, %mul3A_152 : i32
      %add3A_154 = arith.constant 0 : i32
      %add3A_155 = arith.addi %add3A_154, %mul3A_153 : i32
      %mul3A_156 = arith.constant 16 : i32
      %mul3A_157 = arith.muli %add3A_155, %mul3A_156 : i32
      %get3A = arith.index_cast %mul3A_157 : i32 to index
      %get3A_158 = tpu.vector_load %arg7[%get3A] {strides = array<i32>} : memref<640xf32, #tpu.memory_space<vmem>>, vector<16xf32>,
      %mul3A_159 = arith.constant 16 : i32
      %mul3A_160 = arith.muli %add3A_155, %mul3A_159 : i32
      %get3A_161 = arith.index_cast %mul3A_160 : i32 to index
      %get3A_162 = tpu.vector_load %arg8[%get3A_161] {strides = array<i32>} : memref<640xf32, #tpu.memory_space<vmem>>, vector<16xf32>,
      %add3A_163 = arith.addf %get3A_158, %get3A_162 : vector<16xf32>
      %swap3A = arith.index_cast %mul3A_157 : i32 to index
      %swap3A_164 = tpu.vector_load %arg7[%swap3A] {strides = array<i32>} : memref<640xf32, #tpu.memory_space<vmem>>, vector<16xf32>,
      tpu.vector_store %arg7[%swap3A], %add3A_163 {strides = array<i32>} : memref<640xf32, #tpu.memory_space<vmem>>, vector<16xf32>,
    }
    %scan3A_119 = arith.constant 40 : i32
    %mul3A_120 = arith.constant 640 : i32
    %mul3A_121 = arith.muli %arg1, %mul3A_120 : i32
    %run_scoped3A_122 = arith.constant 13 : i32
    "tpu.region"() ({
      %run_scoped3A_151 = tpu.sem_alloc : memref<!tpu.dma_semaphore, #tpu.memory_space<semaphore_mem>>
      %dma_start3A = tpu.memref_slice %arg9[%run_scoped3A_122, %mul3A_121] : memref<16x10240xf32, #tpu.memory_space<vmem_shared>> -> memref<1x640xf32, #tpu.memory_space<vmem_shared>>
      %dma_start3A_152 = tpu.memref_squeeze %dma_start3A : memref<1x640xf32, #tpu.memory_space<vmem_shared>> -> memref<640xf32, #tpu.memory_space<vmem_shared>>
      %dma_start3A_153 = tpu.memref_slice %arg9[%run_scoped3A_122, %mul3A_121] : memref<16x10240xf32, #tpu.memory_space<vmem_shared>> -> memref<1x640xf32, #tpu.memory_space<vmem_shared>>
      %dma_start3A_154 = tpu.memref_squeeze %dma_start3A_153 : memref<1x640xf32, #tpu.memory_space<vmem_shared>> -> memref<640xf32, #tpu.memory_space<vmem_shared>>
      tpu.enqueue_dma source(%dma_start3A_154 : memref<640xf32, #tpu.memory_space<vmem_shared>>) target(%arg8 : memref<640xf32, #tpu.memory_space<vmem>>) target_semaphore(%run_scoped3A_151 : memref<!tpu.dma_semaphore, #tpu.memory_space<semaphore_mem>>)
      %dma_wait3A = tpu.memref_slice %arg9[%run_scoped3A_122, %mul3A_121] : memref<16x10240xf32, #tpu.memory_space<vmem_shared>> -> memref<1x640xf32, #tpu.memory_space<vmem_shared>>
      %dma_wait3A_155 = tpu.memref_squeeze %dma_wait3A : memref<1x640xf32, #tpu.memory_space<vmem_shared>> -> memref<640xf32, #tpu.memory_space<vmem_shared>>
      %dma_wait3A_156 = tpu.memref_slice %arg9[%run_scoped3A_122, %mul3A_121] : memref<16x10240xf32, #tpu.memory_space<vmem_shared>> -> memref<1x640xf32, #tpu.memory_space<vmem_shared>>
      %dma_wait3A_157 = tpu.memref_squeeze %dma_wait3A_156 : memref<1x640xf32, #tpu.memory_space<vmem_shared>> -> memref<640xf32, #tpu.memory_space<vmem_shared>>
      tpu.wait_dma2 semaphore(%run_scoped3A_151 : memref<!tpu.dma_semaphore, #tpu.memory_space<semaphore_mem>>) src(%dma_wait3A_157 : memref<640xf32, #tpu.memory_space<vmem_shared>>) dst(%arg8 : memref<640xf32, #tpu.memory_space<vmem>>)
      tpu.yield
    }) : () -> ()
    %scan3A_123 = arith.constant 0 : i32
    %scan3A_124 = arith.constant 40 : i32
    %scan3A_125 = arith.addi %scan3A_123, %scan3A_124 : i32
    %scan3A_126 = arith.constant 1 : i32
    scf.for %scan3A_151 = %scan3A_123 to %scan3A_125 step %scan3A_126  : i32 {
      %mul3A_152 = arith.constant 1 : i32
      %mul3A_153 = arith.muli %scan3A_151, %mul3A_152 : i32
      %add3A_154 = arith.constant 0 : i32
      %add3A_155 = arith.addi %add3A_154, %mul3A_153 : i32
      %mul3A_156 = arith.constant 16 : i32
      %mul3A_157 = arith.muli %add3A_155, %mul3A_156 : i32
      %get3A = arith.index_cast %mul3A_157 : i32 to index
      %get3A_158 = tpu.vector_load %arg7[%get3A] {strides = array<i32>} : memref<640xf32, #tpu.memory_space<vmem>>, vector<16xf32>,
      %mul3A_159 = arith.constant 16 : i32
      %mul3A_160 = arith.muli %add3A_155, %mul3A_159 : i32
      %get3A_161 = arith.index_cast %mul3A_160 : i32 to index
      %get3A_162 = tpu.vector_load %arg8[%get3A_161] {strides = array<i32>} : memref<640xf32, #tpu.memory_space<vmem>>, vector<16xf32>,
      %add3A_163 = arith.addf %get3A_158, %get3A_162 : vector<16xf32>
      %swap3A = arith.index_cast %mul3A_157 : i32 to index
      %swap3A_164 = tpu.vector_load %arg7[%swap3A] {strides = array<i32>} : memref<640xf32, #tpu.memory_space<vmem>>, vector<16xf32>,
      tpu.vector_store %arg7[%swap3A], %add3A_163 {strides = array<i32>} : memref<640xf32, #tpu.memory_space<vmem>>, vector<16xf32>,
    }
    %scan3A_127 = arith.constant 40 : i32
    %mul3A_128 = arith.constant 640 : i32
    %mul3A_129 = arith.muli %arg1, %mul3A_128 : i32
    %run_scoped3A_130 = arith.constant 14 : i32
    "tpu.region"() ({
      %run_scoped3A_151 = tpu.sem_alloc : memref<!tpu.dma_semaphore, #tpu.memory_space<semaphore_mem>>
      %dma_start3A = tpu.memref_slice %arg9[%run_scoped3A_130, %mul3A_129] : memref<16x10240xf32, #tpu.memory_space<vmem_shared>> -> memref<1x640xf32, #tpu.memory_space<vmem_shared>>
      %dma_start3A_152 = tpu.memref_squeeze %dma_start3A : memref<1x640xf32, #tpu.memory_space<vmem_shared>> -> memref<640xf32, #tpu.memory_space<vmem_shared>>
      %dma_start3A_153 = tpu.memref_slice %arg9[%run_scoped3A_130, %mul3A_129] : memref<16x10240xf32, #tpu.memory_space<vmem_shared>> -> memref<1x640xf32, #tpu.memory_space<vmem_shared>>
      %dma_start3A_154 = tpu.memref_squeeze %dma_start3A_153 : memref<1x640xf32, #tpu.memory_space<vmem_shared>> -> memref<640xf32, #tpu.memory_space<vmem_shared>>
      tpu.enqueue_dma source(%dma_start3A_154 : memref<640xf32, #tpu.memory_space<vmem_shared>>) target(%arg8 : memref<640xf32, #tpu.memory_space<vmem>>) target_semaphore(%run_scoped3A_151 : memref<!tpu.dma_semaphore, #tpu.memory_space<semaphore_mem>>)
      %dma_wait3A = tpu.memref_slice %arg9[%run_scoped3A_130, %mul3A_129] : memref<16x10240xf32, #tpu.memory_space<vmem_shared>> -> memref<1x640xf32, #tpu.memory_space<vmem_shared>>
      %dma_wait3A_155 = tpu.memref_squeeze %dma_wait3A : memref<1x640xf32, #tpu.memory_space<vmem_shared>> -> memref<640xf32, #tpu.memory_space<vmem_shared>>
      %dma_wait3A_156 = tpu.memref_slice %arg9[%run_scoped3A_130, %mul3A_129] : memref<16x10240xf32, #tpu.memory_space<vmem_shared>> -> memref<1x640xf32, #tpu.memory_space<vmem_shared>>
      %dma_wait3A_157 = tpu.memref_squeeze %dma_wait3A_156 : memref<1x640xf32, #tpu.memory_space<vmem_shared>> -> memref<640xf32, #tpu.memory_space<vmem_shared>>
      tpu.wait_dma2 semaphore(%run_scoped3A_151 : memref<!tpu.dma_semaphore, #tpu.memory_space<semaphore_mem>>) src(%dma_wait3A_157 : memref<640xf32, #tpu.memory_space<vmem_shared>>) dst(%arg8 : memref<640xf32, #tpu.memory_space<vmem>>)
      tpu.yield
    }) : () -> ()
    %scan3A_131 = arith.constant 0 : i32
    %scan3A_132 = arith.constant 40 : i32
    %scan3A_133 = arith.addi %scan3A_131, %scan3A_132 : i32
    %scan3A_134 = arith.constant 1 : i32
    scf.for %scan3A_151 = %scan3A_131 to %scan3A_133 step %scan3A_134  : i32 {
      %mul3A_152 = arith.constant 1 : i32
      %mul3A_153 = arith.muli %scan3A_151, %mul3A_152 : i32
      %add3A_154 = arith.constant 0 : i32
      %add3A_155 = arith.addi %add3A_154, %mul3A_153 : i32
      %mul3A_156 = arith.constant 16 : i32
      %mul3A_157 = arith.muli %add3A_155, %mul3A_156 : i32
      %get3A = arith.index_cast %mul3A_157 : i32 to index
      %get3A_158 = tpu.vector_load %arg7[%get3A] {strides = array<i32>} : memref<640xf32, #tpu.memory_space<vmem>>, vector<16xf32>,
      %mul3A_159 = arith.constant 16 : i32
      %mul3A_160 = arith.muli %add3A_155, %mul3A_159 : i32
      %get3A_161 = arith.index_cast %mul3A_160 : i32 to index
      %get3A_162 = tpu.vector_load %arg8[%get3A_161] {strides = array<i32>} : memref<640xf32, #tpu.memory_space<vmem>>, vector<16xf32>,
      %add3A_163 = arith.addf %get3A_158, %get3A_162 : vector<16xf32>
      %swap3A = arith.index_cast %mul3A_157 : i32 to index
      %swap3A_164 = tpu.vector_load %arg7[%swap3A] {strides = array<i32>} : memref<640xf32, #tpu.memory_space<vmem>>, vector<16xf32>,
      tpu.vector_store %arg7[%swap3A], %add3A_163 {strides = array<i32>} : memref<640xf32, #tpu.memory_space<vmem>>, vector<16xf32>,
    }
    %scan3A_135 = arith.constant 40 : i32
    %mul3A_136 = arith.constant 640 : i32
    %mul3A_137 = arith.muli %arg1, %mul3A_136 : i32
    %run_scoped3A_138 = arith.constant 15 : i32
    "tpu.region"() ({
      %run_scoped3A_151 = tpu.sem_alloc : memref<!tpu.dma_semaphore, #tpu.memory_space<semaphore_mem>>
      %dma_start3A = tpu.memref_slice %arg9[%run_scoped3A_138, %mul3A_137] : memref<16x10240xf32, #tpu.memory_space<vmem_shared>> -> memref<1x640xf32, #tpu.memory_space<vmem_shared>>
      %dma_start3A_152 = tpu.memref_squeeze %dma_start3A : memref<1x640xf32, #tpu.memory_space<vmem_shared>> -> memref<640xf32, #tpu.memory_space<vmem_shared>>
      %dma_start3A_153 = tpu.memref_slice %arg9[%run_scoped3A_138, %mul3A_137] : memref<16x10240xf32, #tpu.memory_space<vmem_shared>> -> memref<1x640xf32, #tpu.memory_space<vmem_shared>>
      %dma_start3A_154 = tpu.memref_squeeze %dma_start3A_153 : memref<1x640xf32, #tpu.memory_space<vmem_shared>> -> memref<640xf32, #tpu.memory_space<vmem_shared>>
      tpu.enqueue_dma source(%dma_start3A_154 : memref<640xf32, #tpu.memory_space<vmem_shared>>) target(%arg8 : memref<640xf32, #tpu.memory_space<vmem>>) target_semaphore(%run_scoped3A_151 : memref<!tpu.dma_semaphore, #tpu.memory_space<semaphore_mem>>)
      %dma_wait3A = tpu.memref_slice %arg9[%run_scoped3A_138, %mul3A_137] : memref<16x10240xf32, #tpu.memory_space<vmem_shared>> -> memref<1x640xf32, #tpu.memory_space<vmem_shared>>
      %dma_wait3A_155 = tpu.memref_squeeze %dma_wait3A : memref<1x640xf32, #tpu.memory_space<vmem_shared>> -> memref<640xf32, #tpu.memory_space<vmem_shared>>
      %dma_wait3A_156 = tpu.memref_slice %arg9[%run_scoped3A_138, %mul3A_137] : memref<16x10240xf32, #tpu.memory_space<vmem_shared>> -> memref<1x640xf32, #tpu.memory_space<vmem_shared>>
      %dma_wait3A_157 = tpu.memref_squeeze %dma_wait3A_156 : memref<1x640xf32, #tpu.memory_space<vmem_shared>> -> memref<640xf32, #tpu.memory_space<vmem_shared>>
      tpu.wait_dma2 semaphore(%run_scoped3A_151 : memref<!tpu.dma_semaphore, #tpu.memory_space<semaphore_mem>>) src(%dma_wait3A_157 : memref<640xf32, #tpu.memory_space<vmem_shared>>) dst(%arg8 : memref<640xf32, #tpu.memory_space<vmem>>)
      tpu.yield
    }) : () -> ()
    %scan3A_139 = arith.constant 0 : i32
    %scan3A_140 = arith.constant 40 : i32
    %scan3A_141 = arith.addi %scan3A_139, %scan3A_140 : i32
    %scan3A_142 = arith.constant 1 : i32
    scf.for %scan3A_151 = %scan3A_139 to %scan3A_141 step %scan3A_142  : i32 {
      %mul3A_152 = arith.constant 1 : i32
      %mul3A_153 = arith.muli %scan3A_151, %mul3A_152 : i32
      %add3A_154 = arith.constant 0 : i32
      %add3A_155 = arith.addi %add3A_154, %mul3A_153 : i32
      %mul3A_156 = arith.constant 16 : i32
      %mul3A_157 = arith.muli %add3A_155, %mul3A_156 : i32
      %get3A = arith.index_cast %mul3A_157 : i32 to index
      %get3A_158 = tpu.vector_load %arg7[%get3A] {strides = array<i32>} : memref<640xf32, #tpu.memory_space<vmem>>, vector<16xf32>,
      %mul3A_159 = arith.constant 16 : i32
      %mul3A_160 = arith.muli %add3A_155, %mul3A_159 : i32
      %get3A_161 = arith.index_cast %mul3A_160 : i32 to index
      %get3A_162 = tpu.vector_load %arg8[%get3A_161] {strides = array<i32>} : memref<640xf32, #tpu.memory_space<vmem>>, vector<16xf32>,
      %add3A_163 = arith.addf %get3A_158, %get3A_162 : vector<16xf32>
      %swap3A = arith.index_cast %mul3A_157 : i32 to index
      %swap3A_164 = tpu.vector_load %arg7[%swap3A] {strides = array<i32>} : memref<640xf32, #tpu.memory_space<vmem>>, vector<16xf32>,
      tpu.vector_store %arg7[%swap3A], %add3A_163 {strides = array<i32>} : memref<640xf32, #tpu.memory_space<vmem>>, vector<16xf32>,
    }
    %scan3A_143 = arith.constant 40 : i32
    %eq3A = arith.constant 0 : i32
    %eq3A_144 = arith.cmpi eq, %arg0, %eq3A : i32
    %convert_element_type3A = arith.extui %eq3A_144 : i1 to i32
    %cond3A = arith.constant 0 : i32
    %cond3A_145 = arith.cmpi ne, %convert_element_type3A, %cond3A : i32
    scf.if %cond3A_145 {
      %mul3A_151 = arith.constant 640 : i32
      %mul3A_152 = arith.muli %arg1, %mul3A_151 : i32
      "tpu.region"() ({
        %run_scoped3A_153 = tpu.sem_alloc : memref<!tpu.dma_semaphore, #tpu.memory_space<semaphore_mem>>
        %dma_start3A = tpu.memref_slice %arg3[%mul3A_152] : memref<10240xf32, #tpu.memory_space<hbm>> -> memref<640xf32, #tpu.memory_space<hbm>>
        %dma_start3A_154 = tpu.memref_slice %arg3[%mul3A_152] : memref<10240xf32, #tpu.memory_space<hbm>> -> memref<640xf32, #tpu.memory_space<hbm>>
        tpu.enqueue_dma source(%arg7 : memref<640xf32, #tpu.memory_space<vmem>>) target(%dma_start3A_154 : memref<640xf32, #tpu.memory_space<hbm>>) target_semaphore(%run_scoped3A_153 : memref<!tpu.dma_semaphore, #tpu.memory_space<semaphore_mem>>)
        %dma_wait3A = tpu.memref_slice %arg3[%mul3A_152] : memref<10240xf32, #tpu.memory_space<hbm>> -> memref<640xf32, #tpu.memory_space<hbm>>
        %dma_wait3A_155 = tpu.memref_slice %arg3[%mul3A_152] : memref<10240xf32, #tpu.memory_space<hbm>> -> memref<640xf32, #tpu.memory_space<hbm>>
        tpu.wait_dma2 semaphore(%run_scoped3A_153 : memref<!tpu.dma_semaphore, #tpu.memory_space<semaphore_mem>>) src(%arg7 : memref<640xf32, #tpu.memory_space<vmem>>) dst(%dma_wait3A_155 : memref<640xf32, #tpu.memory_space<hbm>>)
        tpu.yield
      }) : () -> ()
    } else {
    }
    %eq3A_146 = arith.constant 1 : i32
    %eq3A_147 = arith.cmpi eq, %arg0, %eq3A_146 : i32
    %convert_element_type3A_148 = arith.extui %eq3A_147 : i1 to i32
    %cond3A_149 = arith.constant 0 : i32
    %cond3A_150 = arith.cmpi ne, %convert_element_type3A_148, %cond3A_149 : i32
    scf.if %cond3A_150 {
      %mul3A_151 = arith.constant 640 : i32
      %mul3A_152 = arith.muli %arg1, %mul3A_151 : i32
      "tpu.region"() ({
        %run_scoped3A_153 = tpu.sem_alloc : memref<!tpu.dma_semaphore, #tpu.memory_space<semaphore_mem>>
        %dma_start3A = tpu.memref_slice %arg4[%mul3A_152] : memref<10240xf32, #tpu.memory_space<hbm>> -> memref<640xf32, #tpu.memory_space<hbm>>
        %dma_start3A_154 = tpu.memref_slice %arg4[%mul3A_152] : memref<10240xf32, #tpu.memory_space<hbm>> -> memref<640xf32, #tpu.memory_space<hbm>>
        tpu.enqueue_dma source(%arg7 : memref<640xf32, #tpu.memory_space<vmem>>) target(%dma_start3A_154 : memref<640xf32, #tpu.memory_space<hbm>>) target_semaphore(%run_scoped3A_153 : memref<!tpu.dma_semaphore, #tpu.memory_space<semaphore_mem>>)
        %dma_wait3A = tpu.memref_slice %arg4[%mul3A_152] : memref<10240xf32, #tpu.memory_space<hbm>> -> memref<640xf32, #tpu.memory_space<hbm>>
        %dma_wait3A_155 = tpu.memref_slice %arg4[%mul3A_152] : memref<10240xf32, #tpu.memory_space<hbm>> -> memref<640xf32, #tpu.memory_space<hbm>>
        tpu.wait_dma2 semaphore(%run_scoped3A_153 : memref<!tpu.dma_semaphore, #tpu.memory_space<semaphore_mem>>) src(%arg7 : memref<640xf32, #tpu.memory_space<vmem>>) dst(%dma_wait3A_155 : memref<640xf32, #tpu.memory_space<hbm>>)
        tpu.yield
      }) : () -> ()
    } else {
    }
    return
  }
}

module attributes {stable_mosaic.version = 14 : i64} {
  func.func @_mm0_body(%arg0: i32, %arg1: memref<2000x128xf32, #tpu.memory_space<vmem>>, %arg2: memref<128x128xf32, #tpu.memory_space<vmem>>, %arg3: memref<2000x128xf32, #tpu.memory_space<vmem>>) attributes {dimension_semantics = [#tpu.dimension_semantics<parallel>], iteration_bounds = array<i64: 5>, scalar_prefetch = 0 : i64, scratch_operands = 0 : i64, tpu.core_type = #tpu.core_type<tc>, window_params = [{transform_indices = @transform_0, window_bounds = array<i64: 2000, 128>}, {pipeline_mode = #tpu.pipeline_mode<synchronous>, transform_indices = @transform_1, window_bounds = array<i64: 128, 128>}, {transform_indices = @transform_2, window_bounds = array<i64: 2000, 128>}]} {
    %get3A = arith.constant 0 : index
    %get3A_0 = arith.constant 0 : index
    %get3A_1 = vector.load %arg1[%get3A, %get3A_0] : memref<2000x128xf32, #tpu.memory_space<vmem>>, vector<2000x128xf32>
    %get3A_2 = arith.constant 0 : index
    %get3A_3 = arith.constant 0 : index
    %get3A_4 = vector.load %arg2[%get3A_2, %get3A_3] : memref<128x128xf32, #tpu.memory_space<vmem>>, vector<128x128xf32>
    %dot_general3A = arith.constant dense<0.000000e+00> : vector<2000x128xf32>
    %dot_general3A_5 = tpu.matmul %get3A_1, %get3A_4, %dot_general3A {dimension_numbers = #tpu.dot_dimension_numbers<[1], [0], [0], [1], [0, 0, 1, 1], [], []>, transpose_lhs_hint = false} : vector<2000x128xf32>, vector<128x128xf32>, vector<2000x128xf32> -> vector<2000x128xf32>
    %swap3A = arith.constant 0 : index
    %swap3A_6 = arith.constant 0 : index
    %swap3A_7 = vector.load %arg3[%swap3A, %swap3A_6] : memref<2000x128xf32, #tpu.memory_space<vmem>>, vector<2000x128xf32>
    tpu.vector_store %arg3[%swap3A, %swap3A_6], %dot_general3A_5 {strides = array<i32>} : memref<2000x128xf32, #tpu.memory_space<vmem>>, vector<2000x128xf32>,
    return
  }
  func.func @transform_0(%arg0: i32) -> (i32, i32) {
    %c0_i32 = arith.constant 0 : i32
    %c0_i32_0 = arith.constant 0 : i32
    return %arg0, %c0_i32 : i32, i32
  }
  func.func @transform_1(%arg0: i32) -> (i32, i32) {
    %c0_i32 = arith.constant 0 : i32
    %c0_i32_0 = arith.constant 0 : i32
    %c0_i32_1 = arith.constant 0 : i32
    return %c0_i32, %c0_i32_0 : i32, i32
  }
  func.func @transform_2(%arg0: i32) -> (i32, i32) {
    %c0_i32 = arith.constant 0 : i32
    %c0_i32_0 = arith.constant 0 : i32
    return %arg0, %c0_i32 : i32, i32
  }
}

module attributes {stable_mosaic.version = 14 : i64} {
  func.func @_scale_body(%arg0: i32, %arg1: memref<2000x128xf32, #tpu.memory_space<vmem>>, %arg2: memref<2000x1xf32, #tpu.memory_space<vmem>>, %arg3: memref<2000x1xf32, #tpu.memory_space<vmem>>, %arg4: memref<2000x128xf32, #tpu.memory_space<vmem>>, %arg5: memref<2000x1xf32, #tpu.memory_space<vmem>>) attributes {dimension_semantics = [#tpu.dimension_semantics<parallel>], iteration_bounds = array<i64: 5>, scalar_prefetch = 0 : i64, scratch_operands = 0 : i64, tpu.core_type = #tpu.core_type<tc>, window_params = [{transform_indices = @transform_0, window_bounds = array<i64: 2000, 128>}, {transform_indices = @transform_1, window_bounds = array<i64: 2000, 1>}, {transform_indices = @transform_2, window_bounds = array<i64: 2000, 1>}, {transform_indices = @transform_3, window_bounds = array<i64: 2000, 128>}, {transform_indices = @transform_4, window_bounds = array<i64: 2000, 1>}]} {
    %get3A = arith.constant 0 : index
    %get3A_0 = arith.constant 0 : index
    %get3A_1 = vector.load %arg2[%get3A, %get3A_0] : memref<2000x1xf32, #tpu.memory_space<vmem>>, vector<2000x1xf32>
    %get3A_2 = arith.constant 0 : index
    %get3A_3 = arith.constant 0 : index
    %get3A_4 = vector.load %arg3[%get3A_2, %get3A_3] : memref<2000x1xf32, #tpu.memory_space<vmem>>, vector<2000x1xf32>
    %add3A = arith.addf %get3A_1, %get3A_4 : vector<2000x1xf32>
    %add3A_5 = arith.constant 1.000000e+00 : f32
    %add3A_6 = vector.broadcast %add3A_5 : f32 to vector<2000x1xf32>
    %add3A_7 = arith.addf %add3A, %add3A_6 : vector<2000x1xf32>
    %rsqrt3A = math.rsqrt %add3A_7 : vector<2000x1xf32>
    %swap3A = arith.constant 0 : index
    %swap3A_8 = arith.constant 0 : index
    %swap3A_9 = vector.load %arg5[%swap3A, %swap3A_8] : memref<2000x1xf32, #tpu.memory_space<vmem>>, vector<2000x1xf32>
    tpu.vector_store %arg5[%swap3A, %swap3A_8], %rsqrt3A {strides = array<i32>} : memref<2000x1xf32, #tpu.memory_space<vmem>>, vector<2000x1xf32>,
    %get3A_10 = arith.constant 0 : index
    %get3A_11 = arith.constant 0 : index
    %get3A_12 = vector.load %arg1[%get3A_10, %get3A_11] : memref<2000x128xf32, #tpu.memory_space<vmem>>, vector<2000x128xf32>
    %mul3A = vector.broadcast %rsqrt3A : vector<2000x1xf32> to vector<2000x128xf32>
    %mul3A_13 = arith.mulf %get3A_12, %mul3A : vector<2000x128xf32>
    %swap3A_14 = arith.constant 0 : index
    %swap3A_15 = arith.constant 0 : index
    %swap3A_16 = vector.load %arg4[%swap3A_14, %swap3A_15] : memref<2000x128xf32, #tpu.memory_space<vmem>>, vector<2000x128xf32>
    tpu.vector_store %arg4[%swap3A_14, %swap3A_15], %mul3A_13 {strides = array<i32>} : memref<2000x128xf32, #tpu.memory_space<vmem>>, vector<2000x128xf32>,
    return
  }
  func.func @transform_0(%arg0: i32) -> (i32, i32) {
    %c0_i32 = arith.constant 0 : i32
    %c0_i32_0 = arith.constant 0 : i32
    return %arg0, %c0_i32 : i32, i32
  }
  func.func @transform_1(%arg0: i32) -> (i32, i32) {
    %c0_i32 = arith.constant 0 : i32
    %c0_i32_0 = arith.constant 0 : i32
    return %arg0, %c0_i32 : i32, i32
  }
  func.func @transform_2(%arg0: i32) -> (i32, i32) {
    %c0_i32 = arith.constant 0 : i32
    %c0_i32_0 = arith.constant 0 : i32
    return %arg0, %c0_i32 : i32, i32
  }
  func.func @transform_3(%arg0: i32) -> (i32, i32) {
    %c0_i32 = arith.constant 0 : i32
    %c0_i32_0 = arith.constant 0 : i32
    return %arg0, %c0_i32 : i32, i32
  }
  func.func @transform_4(%arg0: i32) -> (i32, i32) {
    %c0_i32 = arith.constant 0 : i32
    %c0_i32_0 = arith.constant 0 : i32
    return %arg0, %c0_i32 : i32, i32
  }
}

module attributes {stable_mosaic.version = 14 : i64} {
  func.func @_fuse_body(%arg0: i32, %arg1: memref<2000x128xf32, #tpu.memory_space<vmem>>, %arg2: memref<2000x128xf32, #tpu.memory_space<vmem>>, %arg3: memref<2000x128xf32, #tpu.memory_space<vmem>>, %arg4: memref<2000x1xf32, #tpu.memory_space<vmem>>, %arg5: memref<1x128xf32, #tpu.memory_space<vmem>>, %arg6: memref<2000x128xf32, #tpu.memory_space<vmem>>) attributes {dimension_semantics = [#tpu.dimension_semantics<parallel>], iteration_bounds = array<i64: 5>, scalar_prefetch = 0 : i64, scratch_operands = 0 : i64, tpu.core_type = #tpu.core_type<tc>, window_params = [{transform_indices = @transform_0, window_bounds = array<i64: 2000, 128>}, {transform_indices = @transform_1, window_bounds = array<i64: 2000, 128>}, {transform_indices = @transform_2, window_bounds = array<i64: 2000, 128>}, {transform_indices = @transform_3, window_bounds = array<i64: 2000, 1>}, {pipeline_mode = #tpu.pipeline_mode<synchronous>, transform_indices = @transform_4, window_bounds = array<i64: 1, 128>}, {transform_indices = @transform_5, window_bounds = array<i64: 2000, 128>}]} {
    %get3A = arith.constant 0 : index
    %get3A_0 = arith.constant 0 : index
    %get3A_1 = vector.load %arg4[%get3A, %get3A_0] : memref<2000x1xf32, #tpu.memory_space<vmem>>, vector<2000x1xf32>
    %get3A_2 = arith.constant 0 : index
    %get3A_3 = arith.constant 0 : index
    %get3A_4 = vector.load %arg1[%get3A_2, %get3A_3] : memref<2000x128xf32, #tpu.memory_space<vmem>>, vector<2000x128xf32>
    %get3A_5 = arith.constant 0 : index
    %get3A_6 = arith.constant 0 : index
    %get3A_7 = vector.load %arg2[%get3A_5, %get3A_6] : memref<2000x128xf32, #tpu.memory_space<vmem>>, vector<2000x128xf32>
    %add3A = arith.addf %get3A_4, %get3A_7 : vector<2000x128xf32>
    %get3A_8 = arith.constant 0 : index
    %get3A_9 = arith.constant 0 : index
    %get3A_10 = vector.load %arg3[%get3A_8, %get3A_9] : memref<2000x128xf32, #tpu.memory_space<vmem>>, vector<2000x128xf32>
    %add3A_11 = arith.addf %add3A, %get3A_10 : vector<2000x128xf32>
    %mul3A = vector.broadcast %get3A_1 : vector<2000x1xf32> to vector<2000x128xf32>
    %mul3A_12 = arith.mulf %mul3A, %add3A_11 : vector<2000x128xf32>
    %get3A_13 = arith.constant 0 : index
    %get3A_14 = arith.constant 0 : index
    %get3A_15 = vector.load %arg5[%get3A_13, %get3A_14] : memref<1x128xf32, #tpu.memory_space<vmem>>, vector<1x128xf32>
    %add3A_16 = vector.broadcast %get3A_15 : vector<1x128xf32> to vector<2000x128xf32>
    %add3A_17 = arith.addf %mul3A_12, %add3A_16 : vector<2000x128xf32>
    %max3A = arith.constant 0.000000e+00 : f32
    %max3A_18 = vector.broadcast %max3A : f32 to vector<2000x128xf32>
    %max3A_19 = arith.maximumf %add3A_17, %max3A_18 : vector<2000x128xf32>
    %mul3A_20 = vector.broadcast %get3A_1 : vector<2000x1xf32> to vector<2000x128xf32>
    %mul3A_21 = arith.mulf %mul3A_20, %max3A_19 : vector<2000x128xf32>
    %swap3A = arith.constant 0 : index
    %swap3A_22 = arith.constant 0 : index
    %swap3A_23 = vector.load %arg6[%swap3A, %swap3A_22] : memref<2000x128xf32, #tpu.memory_space<vmem>>, vector<2000x128xf32>
    tpu.vector_store %arg6[%swap3A, %swap3A_22], %mul3A_21 {strides = array<i32>} : memref<2000x128xf32, #tpu.memory_space<vmem>>, vector<2000x128xf32>,
    return
  }
  func.func @transform_0(%arg0: i32) -> (i32, i32) {
    %c0_i32 = arith.constant 0 : i32
    %c0_i32_0 = arith.constant 0 : i32
    return %arg0, %c0_i32 : i32, i32
  }
  func.func @transform_1(%arg0: i32) -> (i32, i32) {
    %c0_i32 = arith.constant 0 : i32
    %c0_i32_0 = arith.constant 0 : i32
    return %arg0, %c0_i32 : i32, i32
  }
  func.func @transform_2(%arg0: i32) -> (i32, i32) {
    %c0_i32 = arith.constant 0 : i32
    %c0_i32_0 = arith.constant 0 : i32
    return %arg0, %c0_i32 : i32, i32
  }
  func.func @transform_3(%arg0: i32) -> (i32, i32) {
    %c0_i32 = arith.constant 0 : i32
    %c0_i32_0 = arith.constant 0 : i32
    return %arg0, %c0_i32 : i32, i32
  }
  func.func @transform_4(%arg0: i32) -> (i32, i32) {
    %c0_i32 = arith.constant 0 : i32
    %c0_i32_0 = arith.constant 0 : i32
    %c0_i32_1 = arith.constant 0 : i32
    return %c0_i32, %c0_i32_0 : i32, i32
  }
  func.func @transform_5(%arg0: i32) -> (i32, i32) {
    %c0_i32 = arith.constant 0 : i32
    %c0_i32_0 = arith.constant 0 : i32
    return %arg0, %c0_i32 : i32, i32
  }
}

module attributes {stable_mosaic.version = 14 : i64} {
  func.func @_mm2_body(%arg0: i32, %arg1: memref<2000x128xf32, #tpu.memory_space<vmem>>, %arg2: memref<2000x128xf32, #tpu.memory_space<vmem>>, %arg3: memref<2000x128xf32, #tpu.memory_space<vmem>>, %arg4: memref<2000x1xf32, #tpu.memory_space<vmem>>, %arg5: memref<128x128xf32, #tpu.memory_space<vmem>>, %arg6: memref<1x128xf32, #tpu.memory_space<vmem>>, %arg7: memref<2000x64xf32, #tpu.memory_space<vmem>>, %arg8: memref<2000x64xf32, #tpu.memory_space<vmem>>) attributes {dimension_semantics = [#tpu.dimension_semantics<parallel>], iteration_bounds = array<i64: 5>, scalar_prefetch = 0 : i64, scratch_operands = 0 : i64, tpu.core_type = #tpu.core_type<tc>, window_params = [{transform_indices = @transform_0, window_bounds = array<i64: 2000, 128>}, {transform_indices = @transform_1, window_bounds = array<i64: 2000, 128>}, {transform_indices = @transform_2, window_bounds = array<i64: 2000, 128>}, {transform_indices = @transform_3, window_bounds = array<i64: 2000, 1>}, {pipeline_mode = #tpu.pipeline_mode<synchronous>, transform_indices = @transform_4, window_bounds = array<i64: 128, 128>}, {pipeline_mode = #tpu.pipeline_mode<synchronous>, transform_indices = @transform_5, window_bounds = array<i64: 1, 128>}, {transform_indices = @transform_6, window_bounds = array<i64: 2000, 64>}, {transform_indices = @transform_7, window_bounds = array<i64: 2000, 64>}]} {
    %get3A = arith.constant 0 : index
    %get3A_0 = arith.constant 0 : index
    %get3A_1 = vector.load %arg4[%get3A, %get3A_0] : memref<2000x1xf32, #tpu.memory_space<vmem>>, vector<2000x1xf32>
    %get3A_2 = arith.constant 0 : index
    %get3A_3 = arith.constant 0 : index
    %get3A_4 = vector.load %arg1[%get3A_2, %get3A_3] : memref<2000x128xf32, #tpu.memory_space<vmem>>, vector<2000x128xf32>
    %get3A_5 = arith.constant 0 : index
    %get3A_6 = arith.constant 0 : index
    %get3A_7 = vector.load %arg2[%get3A_5, %get3A_6] : memref<2000x128xf32, #tpu.memory_space<vmem>>, vector<2000x128xf32>
    %add3A = arith.addf %get3A_4, %get3A_7 : vector<2000x128xf32>
    %get3A_8 = arith.constant 0 : index
    %get3A_9 = arith.constant 0 : index
    %get3A_10 = vector.load %arg3[%get3A_8, %get3A_9] : memref<2000x128xf32, #tpu.memory_space<vmem>>, vector<2000x128xf32>
    %add3A_11 = arith.addf %add3A, %get3A_10 : vector<2000x128xf32>
    %mul3A = vector.broadcast %get3A_1 : vector<2000x1xf32> to vector<2000x128xf32>
    %mul3A_12 = arith.mulf %mul3A, %add3A_11 : vector<2000x128xf32>
    %get3A_13 = arith.constant 0 : index
    %get3A_14 = arith.constant 0 : index
    %get3A_15 = vector.load %arg5[%get3A_13, %get3A_14] : memref<128x128xf32, #tpu.memory_space<vmem>>, vector<128x128xf32>
    %dot_general3A = arith.constant dense<0.000000e+00> : vector<2000x128xf32>
    %dot_general3A_16 = tpu.matmul %mul3A_12, %get3A_15, %dot_general3A {dimension_numbers = #tpu.dot_dimension_numbers<[1], [0], [0], [1], [0, 0, 1, 1], [], []>, transpose_lhs_hint = false} : vector<2000x128xf32>, vector<128x128xf32>, vector<2000x128xf32> -> vector<2000x128xf32>
    %get3A_17 = arith.constant 0 : index
    %get3A_18 = arith.constant 0 : index
    %get3A_19 = vector.load %arg6[%get3A_17, %get3A_18] : memref<1x128xf32, #tpu.memory_space<vmem>>, vector<1x128xf32>
    %add3A_20 = vector.broadcast %get3A_19 : vector<1x128xf32> to vector<2000x128xf32>
    %add3A_21 = arith.addf %dot_general3A_16, %add3A_20 : vector<2000x128xf32>
    %slice3A = vector.extract_strided_slice %add3A_21 {offsets = [0, 0], sizes = [2000, 64], strides = [1, 1]} : vector<2000x128xf32> to vector<2000x64xf32>
    %swap3A = arith.constant 0 : index
    %swap3A_22 = arith.constant 0 : index
    %swap3A_23 = vector.load %arg7[%swap3A, %swap3A_22] : memref<2000x64xf32, #tpu.memory_space<vmem>>, vector<2000x64xf32>
    tpu.vector_store %arg7[%swap3A, %swap3A_22], %slice3A {strides = array<i32>} : memref<2000x64xf32, #tpu.memory_space<vmem>>, vector<2000x64xf32>,
    %slice3A_24 = vector.extract_strided_slice %add3A_21 {offsets = [0, 64], sizes = [2000, 64], strides = [1, 1]} : vector<2000x128xf32> to vector<2000x64xf32>
    %swap3A_25 = arith.constant 0 : index
    %swap3A_26 = arith.constant 0 : index
    %swap3A_27 = vector.load %arg8[%swap3A_25, %swap3A_26] : memref<2000x64xf32, #tpu.memory_space<vmem>>, vector<2000x64xf32>
    tpu.vector_store %arg8[%swap3A_25, %swap3A_26], %slice3A_24 {strides = array<i32>} : memref<2000x64xf32, #tpu.memory_space<vmem>>, vector<2000x64xf32>,
    return
  }
  func.func @transform_0(%arg0: i32) -> (i32, i32) {
    %c0_i32 = arith.constant 0 : i32
    %c0_i32_0 = arith.constant 0 : i32
    return %arg0, %c0_i32 : i32, i32
  }
  func.func @transform_1(%arg0: i32) -> (i32, i32) {
    %c0_i32 = arith.constant 0 : i32
    %c0_i32_0 = arith.constant 0 : i32
    return %arg0, %c0_i32 : i32, i32
  }
  func.func @transform_2(%arg0: i32) -> (i32, i32) {
    %c0_i32 = arith.constant 0 : i32
    %c0_i32_0 = arith.constant 0 : i32
    return %arg0, %c0_i32 : i32, i32
  }
  func.func @transform_3(%arg0: i32) -> (i32, i32) {
    %c0_i32 = arith.constant 0 : i32
    %c0_i32_0 = arith.constant 0 : i32
    return %arg0, %c0_i32 : i32, i32
  }
  func.func @transform_4(%arg0: i32) -> (i32, i32) {
    %c0_i32 = arith.constant 0 : i32
    %c0_i32_0 = arith.constant 0 : i32
    %c0_i32_1 = arith.constant 0 : i32
    return %c0_i32, %c0_i32_0 : i32, i32
  }
  func.func @transform_5(%arg0: i32) -> (i32, i32) {
    %c0_i32 = arith.constant 0 : i32
    %c0_i32_0 = arith.constant 0 : i32
    %c0_i32_1 = arith.constant 0 : i32
    return %c0_i32, %c0_i32_0 : i32, i32
  }
  func.func @transform_6(%arg0: i32) -> (i32, i32) {
    %c0_i32 = arith.constant 0 : i32
    %c0_i32_0 = arith.constant 0 : i32
    return %arg0, %c0_i32 : i32, i32
  }
  func.func @transform_7(%arg0: i32) -> (i32, i32) {
    %c0_i32 = arith.constant 0 : i32
    %c0_i32_0 = arith.constant 0 : i32
    return %arg0, %c0_i32 : i32, i32
  }
}

</mosaic_0001>

<sc_bundles>
// kernel: _run.12.cloned.1.call-start
scs
__scs_entry_jumppad:
0x0: {  	(pc) =	sbr.rel $0x88, $3  }
0x1: {  	(tag) =	ssettag $0x0;
	lr =	simm.s32 $0x1  }
0x2: {  	[smem:$0x3F99] =	sst lr;
	_ =	strace $0xD0000000  }
0x3: {  	_ = 	snop  }
0x4: {  	_ = 	snop  }
0x5: {  	_ = 	snop  }
0x6: {  	_ = 	snop  }
0x7: {  	_ = 	snop  }
__scs_overlays_trampoline_lowered:
0x8: {  	[smem:$0x3FA8] =	sst s0  }
0x9: {  	[smem:$0x3FA9] =	sst s1  }
0xa: {  	[smem:$0x3FAA] =	sst s2  }
0xb: {  	[smem:$0x3FAB] =	sst s3  }
0xc: {  	[smem:$0x3FAC] =	sst s4  }
0xd: {  	[smem:$0x3FAD] =	sst s5  }
0xe: {  	[smem:$0x3FAE] =	sst s6  }
0xf: {  	[smem:$0x3FAF] =	sst s7  }
0x10: {  	[smem:$0x3FB0] =	sst s8  }
0x11: {  	[smem:$0x3FB1] =	sst s9;
	s0 =	simm.s32 @!p0 $0x0  }
0x12: {  	s1 =	sld [smem:$0x3F97];
	s0 =	simm.s32 @p0 $0x1  }
0x13: {  	[smem:$0x3FB2] =	sst s0;
	s0 =	simm.s32 @!p1 $0x0  }
0x14: {  	s2 =	sld [smem:$0x3F96];
	s0 =	simm.s32 @p1 $0x1  }
0x15: {  	[smem:$0x3FB3] =	sst s0;
	s0 =	simm.s32 @!p2 $0x0  }
0x16: {  	s3 =	sld [smem:$0x3FDB];
	s0 =	simm.s32 @p2 $0x1  }
0x17: {  	s4 =	simm.s32 $0x1BF5;
	[smem:$0x3FB5] =	sst s0  }
0x18: {  	s0 =	sld [smem:$0x3F98];
	_ =	swait.ge [sflag:s4], $0x0  }
0x19: {  	s7 =	sld [smem:$0x3F99]  }
0x1a: {  	s8 =	sadd.s32 $0xFFFFE003, lr  }
0x1b: {  	s9 =	sadd.s32 $0xFFFFFEF7, lr;
	s5 =	simm.s32 $0xFFFFFFFF;
	p2 =	slt.u32 s8, $0xFFFFF086  }
0x1c: {  	p1 =	slt.u32 s9, $0xF7A;
	s5 =	simm.s32 @!p2 $0x0  }
0x1d: {  	s5 =	simm.s32 @p1 $0x1;
	p0 =	seq.s32 s7, s2  }
0x1e: {  	s7 =	smul.u32 @!p0 $0xF7A, s2;
	p2 =	seq.s32 @!p0 s5, $0x0  }
0x1f: {  	s9 =	smul.u32 $0xF7A, s1;
	s8 =	simm.s32 @!p0 $0x1BF5;
	p2 =	por !p2, p0  }
0x20: {  	[sflag:s8] =	ssyncset.s32 @!p0 $0xFFFFF086;
	s6 =	sadd.s32 @!p0 s3, s7;
	s7 =	simm.s32 @!p0 $0x108  }
0x21: {  	s3 =	sadd.s32 s3, s9;
	s6 =	sadd.s32 @!p0 $0x88, s6;
	s7 =	simm.s32 @p2 $0x1082  }
0x22: {  	[simem:s7], [sflag:s8] =	dma.local @!p0 [hbm:s6], $0xF7A  }
0x23: {  	s9 =	sor.u32 $0xD0000000, s2;
	s6 =	simm.s32 $0x108;
	_ =	swait.ge @!p0 [sflag:s8], $0x0  }
0x24: {  	s3 =	sadd.s32 $0x88, s3;
	s6 =	simm.s32 @!p1 $0x1082;
	[sflag:s4] =	ssyncset.s32 $0xFFFFF086  }
0x25: {  	[simem:s6], [sflag:s4] =	dma.local [hbm:s3], $0xF7A  }
0x26: {  	[smem:$0x3F99] =	sst s1;
	(tag) =	ssettag s2;
	_ =	strace s9  }
0x27: {  	s1 =	sld [smem:$0x3FA9]  }
0x28: {  	s2 =	sld [smem:$0x3FAA]  }
0x29: {  	s4 =	sld [smem:$0x3FAC]  }
0x2a: {  	p0 =	seq.s32 s5, $0x0;
	s5 =	sld [smem:$0x3FAD]  }
0x2b: {  	s6 =	sld [smem:$0x3FAE]  }
0x2c: {  	s7 =	sld [smem:$0x3FAF]  }
0x2d: {  	s3 =	simm.s32 $0x108;
	s8 =	sld [smem:$0x3FB0]  }
0x2e: {  	s3 =	simm.s32 @!p0 $0x1082;
	s9 =	sld [smem:$0x3FB1]  }
0x2f: {  	lr =	sadd.s32 s0, s3;
	s0 =	sld [smem:$0x3FA8]  }
0x30: {  	s3 =	sld [smem:$0x3FAB]  }
0x31: {  	[smem:$0x3FB4] =	sst s10  }
0x32: {  	s10 =	sld [smem:$0x3FB2];
	_ =	sdelay $0x3  }
0x33: {  	p0 =	seq.s32 s10, $0x1;
	s10 =	sld [smem:$0x3FB4];
	_ =	sdelay $0x3  }
0x34: {  	[smem:$0x3FB4] =	sst s10  }
0x35: {  	s10 =	sld [smem:$0x3FB3];
	_ =	sdelay $0x3  }
0x36: {  	p1 =	seq.s32 s10, $0x1;
	s10 =	sld [smem:$0x3FB4];
	_ =	sdelay $0x3  }
0x37: {  	[smem:$0x3FB4] =	sst s10  }
0x38: {  	s10 =	sld [smem:$0x3FB5]  }
0x39: {  	_ = 	snop;
	(pc) =	sbr.ind lr, $3  }
0x3a: {  	_ = 	snop  }
0x3b: {  	_ = 	snop  }
0x3c: {  	p2 =	seq.s32 s10, $0x1;
	s10 =	sld [smem:$0x3FB4]  }
0x3d: {  	_ =	shalt  }
0x3e: {  	_ =	shalt  }
0x3f: {  	_ =	shalt  }
0x40: {  	_ =	shalt  }
0x41: {  	_ =	shalt  }
0x42: {  	_ =	shalt  }
0x43: {  	_ =	shalt  }
0x44: {  	_ =	shalt  }
0x45: {  	_ =	shalt  }
0x46: {  	_ =	shalt  }
0x47: {  	_ =	shalt  }
0x48: {  	_ =	shalt  }
0x49: {  	_ =	shalt  }
0x4a: {  	_ =	shalt  }
0x4b: {  	_ =	shalt  }
0x4c: {  	_ =	shalt  }
0x4d: {  	_ =	shalt  }
0x4e: {  	_ =	shalt  }
0x4f: {  	_ =	shalt  }
0x50: {  	_ =	shalt  }
0x51: {  	_ =	shalt  }
0x52: {  	_ =	shalt  }
0x53: {  	_ =	shalt  }
0x54: {  	_ =	shalt  }
0x55: {  	_ =	shalt  }
0x56: {  	_ =	shalt  }
0x57: {  	_ =	shalt  }
0x58: {  	_ =	shalt  }
0x59: {  	_ =	shalt  }
0x5a: {  	_ =	shalt  }
0x5b: {  	_ =	shalt  }
0x5c: {  	_ =	shalt  }
0x5d: {  	_ =	shalt  }
0x5e: {  	_ =	shalt  }
0x5f: {  	_ =	shalt  }
0x60: {  	_ =	shalt  }
0x61: {  	_ =	shalt  }
0x62: {  	_ =	shalt  }
0x63: {  	_ =	shalt  }
0x64: {  	_ =	shalt  }
0x65: {  	_ =	shalt  }
0x66: {  	_ =	shalt  }
0x67: {  	_ =	shalt  }
0x68: {  	_ =	shalt  }
0x69: {  	_ =	shalt  }
0x6a: {  	_ =	shalt  }
0x6b: {  	_ =	shalt  }
0x6c: {  	_ =	shalt  }
0x6d: {  	_ =	shalt  }
0x6e: {  	_ =	shalt  }
0x6f: {  	_ =	shalt  }
0x70: {  	_ =	shalt  }
0x71: {  	_ =	shalt  }
0x72: {  	_ =	shalt  }
0x73: {  	_ =	shalt  }
0x74: {  	_ =	shalt  }
0x75: {  	_ =	shalt  }
0x76: {  	_ =	shalt  }
0x77: {  	_ =	shalt  }
0x78: {  	_ =	shalt  }
0x79: {  	_ =	shalt  }
0x7a: {  	_ =	shalt  }
0x7b: {  	_ =	shalt  }
0x7c: {  	_ =	shalt  }
0x7d: {  	_ =	shalt  }
0x7e: {  	_ =	shalt  }
0x7f: {  	_ =	shalt  }
0x80: {  	_ =	shalt  }
0x81: {  	_ =	shalt  }
0x82: {  	_ =	shalt  }
0x83: {  	_ =	shalt  }
0x84: {  	_ =	shalt  }
0x85: {  	_ =	shalt  }
0x86: {  	_ =	shalt  }
0x87: {  	_ =	shalt  }
.Lfunc_end0:
.L_simem_size_0:
called_computation.1_lowered:
.L_overlay_start_0:
0x88: {  	s2 =	sld [smem:$0x3FD9]  }
0x89: {  	s3 =	sld [smem:$0x3FFE];
	_ =	sdelay $0x1  }
0x8a: {  	s1 =	srdreg.scid  }
0x8b: {  	s0 =	sand.u32 $0x1, s1  }
0x8c: {  	s16 =	sshll.u32 s0, $0xA;
	s2 =	sadd.s32 s3, s2  }
0x8d: {  	s2 =	sadd.s32 s2, s16  }
0x8e: {  	[smem:$0x3FC0] =	sst s2  }
0x8f: {  	_ = 	snop  }
0x90: {  	(tm) =	ssettm $0x1  }
0x91: {  	s17 =	sld [smem:$0x3FFB];
	_ =	sdelay $0x3  }
0x92: {  	_ =	strace s17  }
0x93: {  	s2 =	sld [smem:$0x3FFC];
	_ =	sdelay $0x3  }
0x94: {  	_ =	strace s2  }
0x95: {  	s2 =	sld [smem:$0x3FFD];
	_ =	sdelay $0x3  }
0x96: {  	_ =	strace s2  }
0x97: {  	_ =	strace $0x8FFFFFFF  }
0x98: {  	s18 =	sld [smem:$0x3FDB];
	_ =	sdelay $0x1  }
0x99: {  	s19 =	simm.s32 $_scs_section_size  }
0x9a: {  	s4 =	simm.s32 $_size__tile_overlayer_lowered;
	s5 =	simm.s32 $_tile_overlayer_lowered  }
0x9b: {  	s22 =	simm.s32 $0x1BFF;
	s21 =	sshll.u32 s5, $0x1;
	s2 =	sadd.s32 s19, s18  }
0x9c: {  	s6 =	simm.s32 $0x0;
	s20 =	sshll.u32 s4, $0x1;
	s4 =	sadd.s32 s21, s2  }
0x9d: {  	[timem:s6], [sflag:s22] =	dma.local [hbm:s4], s20  }
0x9e: {  	_ =	swait.ge [sflag:s22], s20  }
0x9f: {  	s3 =	ssub.s32 $0x0, s20;
	[sflag:s22] =	ssyncset.done $0x0  }
0xa0: {  	[sflag:s22] =	ssyncadd.s32 s3;
	_ =	sdelay $0x1  }
0xa1: {  	s23 =	simm.s32 $0x1B8B  }
0xa2: {  	_ =	swait.ge [sflag:s23], $0x1  }
0xa3: {  	[sflag:s23] =	ssyncset.done $0x0  }
0xa4: {  	s25 =	simm.s32 $0x1B8E;
	s24 =	sld [smem:$0x3FFE];
	[sflag:s23] =	ssyncadd.s32 $0xFFFFFFFF  }
0xa5: {  	s26 =	simm.s32 $execute0_lowered;
	[smem:$0x3FD2] =	sst s25  }
0xa6: {  	s4 =	sshll.u32 s26, $0x1;
	_ =	strace $0x80000049;
	[dreg:$0x1] =	wrdreg $0xFFFFFFFF  }
0xa7: {  	s28 =	simm.s32 $_size_execute0_lowered;
	s2 =	sadd.s32 s2, s4;
	[dreg:$0x0] =	wrdreg $0x0  }
0xa8: {  	s4 =	sshll.u32 s28, $0x1;
	[dreg:$0x2] =	wrdreg s2  }
0xa9: {  	[dreg:$0x3] =	wrdreg s4  }
0xaa: {  	[dreg:$0x4] =	wrdreg $0xC0  }
0xab: {  	_ =	task [dreg:s6], $0x5FFFF  }
0xac: {  	[dreg:$0x1] =	wrdreg $0xFFFFFFFF  }
0xad: {  	[dreg:$0x0] =	wrdreg $0x60  }
0xae: {  	[dreg:$0x2] =	wrdreg s24  }
0xaf: {  	[dreg:$0x3] =	wrdreg $0xB8000  }
0xb0: {  	[dreg:$0x4] =	wrdreg $0x9  }
0xb1: {  	_ =	task.clear_ibuf [dreg:s6], $0x5FFFF;
	_ =	strace $0x90000049  }
0xb2: {  	s29 =	simm.s32 $0x9;
	_ =	strace $0x8000004B  }
0xb3: {  	_ =	swait.ge [sflag:s29], $0x1  }
0xb4: {  	[sflag:s29] =	ssyncadd.s32 $0xFFFFFFFF  }
0xb5: {  	_ =	strace $0x9000004B  }
0xb6: {  	_ =	sfence  }
0xb7: {  	s30 =	sld [smem:$0x0];
	_ =	sdelay $0x2  }
0xb8: {  	s31 =	sshll.u32 s1, $0xD;
	s1 =	sshrl.u32 s1, $0x2  }
0xb9: {  	s3 =	sand.u32 $0x4000, s31;
	s1 =	sadd.s32 s1, s30  }
0xba: {  	s0 =	sor.u32 s3, s0;
	s1 =	sshll.u32 s1, $0x11  }
0xbb: {  	s0 =	sor.u32 s1, s0  }
0xbc: {  	s0 =	sadd.s32 $0x8F2B, s0  }
0xbd: {  	[sflag:s0] =	ssyncadd.remote.s32 $0x1  }
0xbe: {  	_ =	sfence.sel $0xFFFF  }
0xbf: {  	[dreg:$0x0] =	wrdreg $0xFFFFFFFF;
	(pc) =	sbr.abs _section_cstart, $3  }
0xc0: {  	[dreg:$0x1] =	wrdreg $0xFFFFFFFF  }
0xc1: {  	_ =	task.clear_ibuf [dreg:s6], $0x2FFFF;
	_ =	strace $0x9FFFFFFF  }
0xc2: {  	(tm) =	ssettm $0x7FFFFFFF  }
0xc3: {  	_ =	shalt  }
tec
execute0_lowered:
.L_overlay_start_1:
0x0: {  	(tag) =	ssettag $0x1  }
0x1: {  	s0 =	rddreg [dreg:$0x0];
	s1 =	srdreg.scid  }
0x2: {  	s11 =	stileid.u32;
	s2 =	rddreg [dreg:$0x1];
	s3 =	simm.s32 $0x0  }
0x3: {  	s12 =	simm.s32 $0x1;
	s13 =	simm.s32 $0x2;
	s1 =	sand.u32 $0x1, s1  }
0x4: {  	s4 =	sshll.u32 s11, $0x1;
	[smem:$0x7FF] =	sst s3;
	s5 =	sadd.s32 $0x4400, s0  }
0x5: {  	s9 =	smul.u32 $0x50000, s11;
	s6 =	sadd.s32 $0x18400, s0;
	s7 =	ssub.s32 $0x2, s1  }
0x6: {  	s15 =	smul.u32 $0x2800, s11;
	s11 =	simm.s32 $0x2800;
	s10 =	sshrl.u32 s7, $0x1  }
0x7: {  	s4 =	sor.u32 s1, s4;
	s14 =	sshrl.u32 s9, $0x2;
	s7 =	ssub.s32 s7, s10  }
0x8: {  	_ =	strace $0x8000004A;
	s9 =	sadd.s32 s14, s2;
	s7 =	smax.u32 s7, $0x1  }
0x9: {  	p0 =	seq.s32 s1, $0x1;
	s16 =	sadd.s32 $0x1000, s9;
	[dreg:$0x5] =	wrdreg s7  }
0xa: {  	s1 =	simm.s32 $0x5;
	s17 =	sadd.s32 $0x2000, s9;
	[dreg:$0x6] =	wrdreg s16  }
0xb: {  	s4 =	smul.u32 $0x2800, s4;
	s18 =	sadd.s32 $0x3000, s9;
	[dreg:$0x7] =	wrdreg s17  }
0xc: {  	s10 =	simm.s32 $0x7D;
	s19 =	sadd.s32 $0x4000, s9;
	[dreg:$0x8] =	wrdreg s18  }
0xd: {  	s14 =	simm.s32 $0x3;
	s20 =	sadd.s32 $0x5000, s9;
	[dreg:$0x9] =	wrdreg s19  }
0xe: {  	s8 =	sshrl.u32 s4, $0x3;
	s21 =	sadd.s32 $0x6000, s9;
	[dreg:$0xa] =	wrdreg s20  }
0xf: {  	s22 =	sadd.s32 $0x7000, s9;
	s23 =	sadd.s32 $0x9000, s9;
	[dreg:$0xb] =	wrdreg s21  }
0x10: {  	s24 =	sadd.s32 $0xA000, s9;
	s25 =	sadd.s32 $0xB000, s9;
	[dreg:$0xc] =	wrdreg s22  }
0x11: {  	s26 =	sadd.s32 $0xC000, s9;
	s28 =	sadd.s32 $0x10000, s9;
	[dreg:$0xe] =	wrdreg s23  }
0x12: {  	s29 =	sadd.s32 $0x11000, s9;
	s30 =	sadd.s32 $0x12000, s9;
	[dreg:$0xf] =	wrdreg s24  }
0x13: {  	s31 =	sadd.s32 $0x13000, s9;
	s8 =	sadd.s32 s5, s8;
	[dreg:$0x10] =	wrdreg s25  }
0x14: {  	s7 =	simm.s32 $0x67600;
	[dreg:$0x11] =	wrdreg s26;
	s23 =	sadd.s32 $0xD000, s9  }
0x15: {  	s25 =	sadd.s32 $0xE000, s9;
	s26 =	sadd.s32 $0xF000, s9;
	s16 =	simm.s32 $0x0  }
0x16: {  	[dreg:$0x3] =	wrdreg s8;
	s8 =	sadd.s32 $0xA000, s8;
	s7 =	simm.s32 @!p0 $0x3F600  }
0x17: {  	[dreg:$0x4] =	wrdreg s8;
	s8 =	sadd.s32 $0x8000, s9;
	s0 =	sadd.s32 s7, s0  }
0x18: {  	s7 =	simm.s32 $0x6800;
	[dreg:$0xd] =	wrdreg s8;
	s24 =	sadd.s32 s0, s15  }
0x19: {  	v0 =	vimm.f32 $0.0e+00;
	s0 =	simm.s32 $0x1400;
	s8 =	simm.s32 $0xA800;
	s15 =	simm.s32 $0x4  }
.LBB2_1:
0x1a: {  	s17 =	rddreg [dreg:$0x3]  }
0x1b: {  	[tilespmem:s3], [sflag:$0x5] =	stream.linear.gather [hbm4b:s17+s3], $0x1400, $0x38;
	[tilespmem:$0x1F800] =	vst v63  }
0x1c: {  	_ =	swait.ge [sflag:s1], $0x1400  }
0x1d: {  	[sflag:s1] =	ssyncset.done $0x0  }
0x1e: {  	s22 =	rddreg [dreg:$0x4];
	[sflag:s1] =	ssyncadd.s32 $0xFFFFEC00  }
0x1f: {  	[tilespmem:s0], [sflag:$0x5] =	stream.linear.gather [hbm4b:s22+s3], $0x1400, $0x38;
	[tilespmem:$0x1F800] =	vst v63  }
0x20: {  	_ =	swait.ge [sflag:s1], $0x1400  }
0x21: {  	[sflag:s1] =	ssyncset.done $0x0  }
0x22: {  	s18 =	simm.s32 $0x200;
	s17 =	simm.s32 $0x0;
	[sflag:s1] =	ssyncadd.s32 $0xFFFFEC00  }
.LBB2_2:
0x23: {  	p0 =	sne.s32 s18, $0x3E00;
	[tilespmem:s17+$0xA870] =	vst v0  }
0x24: {  	[tilespmem:s17+$0xA800] =	vst v0  }
0x25: {  	[tilespmem:s17+$0xA810] =	vst v0  }
.Ltmp0:
0x26: {  	[tilespmem:s17+$0xA820] =	vst v0;
	(pc) =	sbr.rel @p0 .LBB2_2-.Ltmp0, $4  }
0x27: {  	[tilespmem:s17+$0xA830] =	vst v0  }
0x28: {  	[tilespmem:s17+$0xA840] =	vst v0  }
0x29: {  	[tilespmem:s17+$0xA850] =	vst v0  }
0x2a: {  	[tilespmem:s17+$0xA860] =	vst v0;
	s17 =	sshra.s32 s18, $0x2;
	s18 =	sadd.s32 $0x200, s18  }
0x2b: {  	[tilespmem:s17+$0xA870] =	vst v0  }
0x2c: {  	[tilespmem:s17+$0xA800] =	vst v0  }
0x2d: {  	[tilespmem:s17+$0xA810] =	vst v0  }
0x2e: {  	[tilespmem:s17+$0xA820] =	vst v0  }
0x2f: {  	[tilespmem:s17+$0xA830] =	vst v0  }
0x30: {  	[tilespmem:s17+$0xA840] =	vst v0  }
0x31: {  	[tilespmem:s17+$0xA850] =	vst v0  }
0x32: {  	[tilespmem:s17+$0xA860] =	vst v0  }
0x33: {  	[spmem:s9] =	stream.linear.scatter [tilespmem:s8], [sflag:$0x5], $0x1000, $0x38;
	[tilespmem:$0x1F800] =	vst v63  }
0x34: {  	_ =	swait.ge [sflag:s1], $0x1000  }
0x35: {  	[sflag:s1] =	ssyncset.done $0x0  }
0x36: {  	s20 =	rddreg [dreg:$0x6];
	[sflag:s1] =	ssyncadd.s32 $0xFFFFF000  }
0x37: {  	[spmem:s20] =	stream.linear.scatter [tilespmem:s8], [sflag:$0x5], $0x1000, $0x38;
	[tilespmem:$0x1F800] =	vst v63  }
0x38: {  	_ =	swait.ge [sflag:s1], $0x1000  }
0x39: {  	[sflag:s1] =	ssyncset.done $0x0  }
0x3a: {  	s21 =	rddreg [dreg:$0x7];
	[sflag:s1] =	ssyncadd.s32 $0xFFFFF000  }
0x3b: {  	[spmem:s21] =	stream.linear.scatter [tilespmem:s8], [sflag:$0x5], $0x1000, $0x38;
	[tilespmem:$0x1F800] =	vst v63  }
0x3c: {  	_ =	swait.ge [sflag:s1], $0x1000  }
0x3d: {  	[sflag:s1] =	ssyncset.done $0x0  }
0x3e: {  	s22 =	rddreg [dreg:$0x8];
	[sflag:s1] =	ssyncadd.s32 $0xFFFFF000  }
0x3f: {  	[spmem:s22] =	stream.linear.scatter [tilespmem:s8], [sflag:$0x5], $0x1000, $0x38;
	[tilespmem:$0x1F800] =	vst v63  }
0x40: {  	_ =	swait.ge [sflag:s1], $0x1000  }
0x41: {  	[sflag:s1] =	ssyncset.done $0x0  }
0x42: {  	s18 =	rddreg [dreg:$0x9];
	[sflag:s1] =	ssyncadd.s32 $0xFFFFF000  }
0x43: {  	[spmem:s18] =	stream.linear.scatter [tilespmem:s8], [sflag:$0x5], $0x1000, $0x38;
	[tilespmem:$0x1F800] =	vst v63  }
0x44: {  	_ =	swait.ge [sflag:s1], $0x1000  }
0x45: {  	[sflag:s1] =	ssyncset.done $0x0  }
0x46: {  	s19 =	rddreg [dreg:$0xa];
	[sflag:s1] =	ssyncadd.s32 $0xFFFFF000  }
0x47: {  	[spmem:s19] =	stream.linear.scatter [tilespmem:s8], [sflag:$0x5], $0x1000, $0x38;
	[tilespmem:$0x1F800] =	vst v63  }
0x48: {  	_ =	swait.ge [sflag:s1], $0x1000  }
0x49: {  	[sflag:s1] =	ssyncset.done $0x0  }
0x4a: {  	s20 =	rddreg [dreg:$0xb];
	[sflag:s1] =	ssyncadd.s32 $0xFFFFF000  }
0x4b: {  	[spmem:s20] =	stream.linear.scatter [tilespmem:s8], [sflag:$0x5], $0x1000, $0x38;
	[tilespmem:$0x1F800] =	vst v63  }
0x4c: {  	_ =	swait.ge [sflag:s1], $0x1000  }
0x4d: {  	[sflag:s1] =	ssyncset.done $0x0  }
0x4e: {  	s21 =	rddreg [dreg:$0xc];
	[sflag:s1] =	ssyncadd.s32 $0xFFFFF000  }
0x4f: {  	[spmem:s21] =	stream.linear.scatter [tilespmem:s8], [sflag:$0x5], $0x1000, $0x38;
	[tilespmem:$0x1F800] =	vst v63  }
0x50: {  	_ =	swait.ge [sflag:s1], $0x1000  }
0x51: {  	[sflag:s1] =	ssyncset.done $0x0  }
0x52: {  	s22 =	rddreg [dreg:$0xd];
	[sflag:s1] =	ssyncadd.s32 $0xFFFFF000  }
0x53: {  	[spmem:s22] =	stream.linear.scatter [tilespmem:s8], [sflag:$0x5], $0x1000, $0x38;
	[tilespmem:$0x1F800] =	vst v63  }
0x54: {  	_ =	swait.ge [sflag:s1], $0x1000  }
0x55: {  	[sflag:s1] =	ssyncset.done $0x0  }
0x56: {  	s18 =	rddreg [dreg:$0xe];
	[sflag:s1] =	ssyncadd.s32 $0xFFFFF000  }
0x57: {  	[spmem:s18] =	stream.linear.scatter [tilespmem:s8], [sflag:$0x5], $0x1000, $0x38;
	[tilespmem:$0x1F800] =	vst v63  }
0x58: {  	_ =	swait.ge [sflag:s1], $0x1000  }
0x59: {  	[sflag:s1] =	ssyncset.done $0x0  }
0x5a: {  	s19 =	rddreg [dreg:$0xf];
	[sflag:s1] =	ssyncadd.s32 $0xFFFFF000  }
0x5b: {  	[spmem:s19] =	stream.linear.scatter [tilespmem:s8], [sflag:$0x5], $0x1000, $0x38;
	[tilespmem:$0x1F800] =	vst v63  }
0x5c: {  	_ =	swait.ge [sflag:s1], $0x1000  }
0x5d: {  	[sflag:s1] =	ssyncset.done $0x0  }
0x5e: {  	s20 =	rddreg [dreg:$0x10];
	[sflag:s1] =	ssyncadd.s32 $0xFFFFF000  }
0x5f: {  	[spmem:s20] =	stream.linear.scatter [tilespmem:s8], [sflag:$0x5], $0x1000, $0x38;
	[tilespmem:$0x1F800] =	vst v63  }
0x60: {  	_ =	swait.ge [sflag:s1], $0x1000  }
0x61: {  	[sflag:s1] =	ssyncset.done $0x0  }
0x62: {  	s21 =	rddreg [dreg:$0x11];
	[sflag:s1] =	ssyncadd.s32 $0xFFFFF000  }
0x63: {  	[spmem:s21] =	stream.linear.scatter [tilespmem:s8], [sflag:$0x5], $0x1000, $0x38;
	[tilespmem:$0x1F800] =	vst v63  }
0x64: {  	_ =	swait.ge [sflag:s1], $0x1000  }
0x65: {  	[sflag:s1] =	ssyncset.done $0x0  }
0x66: {  	[sflag:s1] =	ssyncadd.s32 $0xFFFFF000  }
0x67: {  	[spmem:s23] =	stream.linear.scatter [tilespmem:s8], [sflag:$0x5], $0x1000, $0x38;
	[tilespmem:$0x1F800] =	vst v63  }
0x68: {  	_ =	swait.ge [sflag:s1], $0x1000  }
0x69: {  	[sflag:s1] =	ssyncset.done $0x0  }
0x6a: {  	[sflag:s1] =	ssyncadd.s32 $0xFFFFF000  }
0x6b: {  	[spmem:s25] =	stream.linear.scatter [tilespmem:s8], [sflag:$0x5], $0x1000, $0x38;
	[tilespmem:$0x1F800] =	vst v63  }
0x6c: {  	_ =	swait.ge [sflag:s1], $0x1000  }
0x6d: {  	[sflag:s1] =	ssyncset.done $0x0  }
0x6e: {  	[sflag:s1] =	ssyncadd.s32 $0xFFFFF000  }
0x6f: {  	[spmem:s26] =	stream.linear.scatter [tilespmem:s8], [sflag:$0x5], $0x1000, $0x38;
	[tilespmem:$0x1F800] =	vst v63  }
0x70: {  	_ =	swait.ge [sflag:s1], $0x1000  }
0x71: {  	[sflag:s1] =	ssyncset.done $0x0  }
0x72: {  	[sflag:s1] =	ssyncadd.s32 $0xFFFFF000  }
0x73: {  	[spmem:s28] =	stream.linear.scatter [tilespmem:s8], [sflag:$0x5], $0x1000, $0x38;
	[tilespmem:$0x1F800] =	vst v63  }
0x74: {  	_ =	swait.ge [sflag:s1], $0x1000  }
0x75: {  	[sflag:s1] =	ssyncset.done $0x0  }
0x76: {  	[sflag:s1] =	ssyncadd.s32 $0xFFFFF000  }
0x77: {  	[spmem:s29] =	stream.linear.scatter [tilespmem:s8], [sflag:$0x5], $0x1000, $0x38;
	[tilespmem:$0x1F800] =	vst v63  }
0x78: {  	_ =	swait.ge [sflag:s1], $0x1000  }
0x79: {  	[sflag:s1] =	ssyncset.done $0x0  }
0x7a: {  	[sflag:s1] =	ssyncadd.s32 $0xFFFFF000  }
0x7b: {  	[spmem:s30] =	stream.linear.scatter [tilespmem:s8], [sflag:$0x5], $0x1000, $0x38;
	[tilespmem:$0x1F800] =	vst v63  }
0x7c: {  	_ =	swait.ge [sflag:s1], $0x1000  }
0x7d: {  	[sflag:s1] =	ssyncset.done $0x0  }
0x7e: {  	[sflag:s1] =	ssyncadd.s32 $0xFFFFF000  }
0x7f: {  	[spmem:s31] =	stream.linear.scatter [tilespmem:s8], [sflag:$0x5], $0x1000, $0x38;
	[tilespmem:$0x1F800] =	vst v63  }
0x80: {  	_ =	swait.ge [sflag:s1], $0x1000  }
0x81: {  	[sflag:s1] =	ssyncset.done $0x0  }
.Ltmp1:
0x82: {  	[sflag:s1] =	ssyncadd.s32 $0xFFFFF000;
	(pc) =	sbr.rel .LBB2_4-.Ltmp1, $4  }
0x83: {  	s18 =	simm.s32 $0x0;
	[bflag:$0x0] =	sbarrier.arrive $0xFFFF  }
0x84: {  	[tilespmem:s11], [sflag:$0x1] =	stream.indirect.gather [hbm4b:s6+s10], $0x80, s18, s10, $0xb8;
	[tilespmem:$0x1F800] =	vst v63  }
0x85: {  	s22 =	simm.s32 $0x80;
	s19 =	simm.s32 $0x0;
	s21 =	simm.s32 $0xFFFFB000  }
0x86: {  	[tilespmem:s7], [sflag:$0x2] =	stream.indirect.gather [hbm4b:s6+s10], $0x80, s22, s10, $0xb8;
	[tilespmem:$0x1F800] =	vst v63  }
.LBB2_5:
0x87: {  	s17 =	sadd.s32 $0x1, s19  }
0x88: {  	s17 =	sand.u32 $0xFF, s17  }
0x89: {  	s17 =	smul.u32 $0xCD, s17;
	_ =	sdelay $0x1  }
0x8a: {  	s17 =	sshrl.u32 s17, $0xC  }
0x8b: {  	s17 =	smul.u32 $0x1400, s17;
	_ =	sdelay $0x1  }
0x8c: {  	s17 =	sadd.s32 s4, s17  }
0x8d: {  	s17 =	sshrl.u32 s17, $0x3  }
0x8e: {  	s17 =	sadd.s32 s5, s17  }
0x8f: {  	[tilespmem:s3], [sflag:$0x5] =	stream.linear.gather [hbm4b:s17+s3], $0x1400, $0x38;
	[tilespmem:$0x1F800] =	vst v63  }
0x90: {  	_ =	swait.ge [sflag:s1], $0x1400  }
0x91: {  	[sflag:s1] =	ssyncset.done $0x0  }
0x92: {  	s17 =	sadd.s32 $0xA000, s17;
	[sflag:s1] =	ssyncadd.s32 $0xFFFFEC00  }
0x93: {  	[tilespmem:s0], [sflag:$0x5] =	stream.linear.gather [hbm4b:s17+s3], $0x1400, $0x38;
	[tilespmem:$0x1F800] =	vst v63  }
0x94: {  	_ =	swait.ge [sflag:s1], $0x1400  }
0x95: {  	[sflag:s1] =	ssyncset.done $0x0  }
0x96: {  	[sflag:s1] =	ssyncadd.s32 $0xFFFFEC00  }
.LBB2_7:
0x97: {  	s17 =	sadd.s32 $0x2, s18  }
0x98: {  	s18 =	sadd.s32 $0x3, s18;
	s19 =	sand.u32 $0xFF, s17  }
0x99: {  	s22 =	sand.u32 $0xFF, s18;
	s19 =	smul.u32 $0xCD, s19  }
0x9a: {  	s22 =	smul.u32 $0xCD, s22  }
0x9b: {  	s19 =	sshrl.u32 s19, $0xD  }
0x9c: {  	s22 =	sshrl.u32 s22, $0xD;
	s19 =	smul.u32 $0x28, s19  }
0x9d: {  	s22 =	smul.u32 $0x28, s22  }
0x9e: {  	s19 =	ssub.s32 s17, s19  }
0x9f: {  	s18 =	ssub.s32 s18, s22;
	s19 =	sand.u32 $0xFF, s19  }
0xa0: {  	s18 =	sand.u32 $0xFF, s18;
	s19 =	sshll.u32 s19, $0x7  }
0xa1: {  	[tilespmem:s11], [sflag:$0x1] =	stream.indirect.gather [hbm4b:s6+s10], $0x80, s19, s10, $0xb8;
	[tilespmem:$0x1F800] =	vst v63  }
0xa2: {  	s18 =	sshll.u32 s18, $0x7  }
0xa3: {  	[tilespmem:s7], [sflag:$0x2] =	stream.indirect.gather [hbm4b:s6+s10], $0x80, s18, s10, $0xb8;
	[tilespmem:$0x1F800] =	vst v63  }
0xa4: {  	s21 =	sadd.s32 $0x400, s21;
	s19 =	smov.u32 s20;
	s18 =	smov.u32 s17  }
.LBB2_4:
0xa5: {  	p0 =	slt.u32 s19, $0x14;
	s20 =	sadd.s32 $0x5000, s21;
	s17 =	smov.u32 s21  }
0xa6: {  	_ =	swait.ge [sflag:s12], $0x3E80;
	s17 =	smov.u32 @p0 s20  }
0xa7: {  	[sflag:s12] =	ssyncset.done $0x0;
	s17 =	sshra.s32 s17, $0x2  }
0xa8: {  	[sflag:s12] =	ssyncadd.s32 $0xFFFFC180;
	s17 =	sadd.s32 $0x1400, s17  }
0xa9: {  	[spmem:s2] =	stream.indirect.scatter.add.f32 [tilespmem:s11], [sflag:$0x3], $0x80, s17, s10, $0xb8;
	[tilespmem:$0x1F800] =	vst v63  }
0xaa: {  	s20 =	sadd.s32 $0xFFFFFFD9, s18;
	s17 =	sadd.s32 $0x1, s18  }
0xab: {  	s20 =	smov.u32 @p0 s17  }
0xac: {  	_ =	swait.ge [sflag:s13], $0x3E80;
	s17 =	sshll.u32 s20, $0x7  }
0xad: {  	[sflag:s13] =	ssyncset.done $0x0;
	s17 =	sand.u32 $0x3FFFFF80, s17  }
0xae: {  	s22 =	sadd.s32 $0xFFFFFFEC, s19;
	[sflag:s13] =	ssyncadd.s32 $0xFFFFC180;
	s17 =	sadd.s32 $0x1400, s17  }
0xaf: {  	[spmem:s2] =	stream.indirect.scatter.add.f32 [tilespmem:s7], [sflag:$0x4], $0x80, s17, s10, $0xb8;
	[tilespmem:$0x1F800] =	vst v63  }
0xb0: {  	p0 =	seq.s32 s19, $0x27;
	s17 =	smin.u32 s19, s22  }
0xb1: {  	p1 =	sne.s32 @!p0 s17, $0x13  }
0xb2: {  	_ =	swait.ge [sflag:s14], $0x3E80;
	p1 =	por p0, p1  }
.Ltmp2:
0xb3: {  	[sflag:s14] =	ssyncset.done $0x0;
	(pc) =	sbr.rel @!p1 .LBB2_5-.Ltmp2, $4  }
0xb4: {  	[sflag:s14] =	ssyncadd.s32 $0xFFFFC180  }
0xb5: {  	_ =	swait.ge [sflag:s15], $0x3E80  }
0xb6: {  	[sflag:s15] =	ssyncset.done $0x0  }
0xb7: {  	s20 =	sadd.s32 $0x1, s19;
	[sflag:s15] =	ssyncadd.s32 $0xFFFFC180  }
.Ltmp3:
0xb8: {  	(pc) =	sbr.rel @!p0 .LBB2_7-.Ltmp3, $1  }
0xb9: {  	_ =	sdelay $0x3  }
0xba: {  	s17 =	stileid.u32  }
0xbb: {  	s17 =	sshll.u32 s17, $0x6  }
0xbc: {  	[bflag:$0x0] =	sbarrier.arrive $0xFFFF;
	s18 =	sshrl.u32 s9, $0x3;
	s17 =	sor.u32 $0x1C05, s17  }
0xbd: {  	[hbm:s24], [sflag:s17] =	dma.local [spmem:s18], $0x2800  }
0xbe: {  	_ =	swait.ge [sflag:s1], $0x2800  }
0xbf: {  	s16 =	sadd.s32 $0x1, s16;
	s22 =	rddreg [dreg:$0x5]  }
0xc0: {  	p0 =	sne.s32 s16, s22  }
.Ltmp4:
0xc1: {  	_ = 	snop;
	(pc) =	sbr.rel @p0 .LBB2_1-.Ltmp4, $3  }
0xc2: {  	_ =	sdelay $0x1  }
0xc3: {  	[sflag:s1] =	ssyncset.done $0x0  }
0xc4: {  	[sflag:s1] =	ssyncadd.s32 $0xFFFFD800  }
0xc5: {  	_ =	sfence.sel $0x180000  }
0xc6: {  	[bflag:$0x0] =	sbarrier.arrive $0xFFFF  }
0xc7: {  	_ =	strace $0x9000004A  }
0xc8: {  	s0 =	stileid.u32;
	[bflag:$0x2] =	sbarrier.arrive $0xFFFF  }
0xc9: {  	p0 =	sne.s32 s0, $0x0;
	s0 =	rddreg [dreg:$0x2]  }
0xca: {  	s0 =	sadd.s32 @!p0 $0x100000, s0  }
0xcb: {  	[sflag:s0] =	ssyncadd.tile.s32 @!p0 $0x1;
	_ =	shalt  }
.Lfunc_end2:
_tile_overlayer_lowered:
.L_overlay_start_2:
0xcc: {  	(tag) =	ssettag $0x2  }
0xcd: {  	s0 =	rddreg [dreg:$0x0];
	s2 =	stileid.u32  }
0xce: {  	s1 =	rddreg [dreg:$0x1];
	p0 =	sne.s32 s2, $0x0  }
0xcf: {  	s3 =	rddreg [dreg:$0x2];
	[bflag:$0x3] =	sbarrier.arrive $0xFFFF;
	s2 =	simm.s32 @!p0 $0x1C05  }
0xd0: {  	[timem:s3], [sflag:s2] =	dma.local @!p0 [hbm:s0], s1  }
0xd1: {  	s0 =	simm.s32 @!p0 $0x5  }
0xd2: {  	_ =	swait.ge @!p0 [sflag:s0], s1  }
0xd3: {  	s1 =	ssub.s32 @!p0 $0x0, s1;
	[sflag:s0] =	ssyncset.done @!p0 $0x0  }
0xd4: {  	[sflag:s0] =	ssyncadd.s32 @!p0 s1  }
0xd5: {  	[bflag:$0x3] =	sbarrier.arrive $0xFFFF  }
0xd6: {  	_ =	shalt  }

// kernel: _run.15.cloned.1.call-start
scs
__scs_entry_jumppad:
0x0: {  	(pc) =	sbr.rel $0x88, $3  }
0x1: {  	(tag) =	ssettag $0x0;
	lr =	simm.s32 $0x1  }
0x2: {  	[smem:$0x3F99] =	sst lr;
	_ =	strace $0xD0000000  }
0x3: {  	_ = 	snop  }
0x4: {  	_ = 	snop  }
0x5: {  	_ = 	snop  }
0x6: {  	_ = 	snop  }
0x7: {  	_ = 	snop  }
__scs_overlays_trampoline_lowered:
0x8: {  	[smem:$0x3FA8] =	sst s0  }
0x9: {  	[smem:$0x3FA9] =	sst s1  }
0xa: {  	[smem:$0x3FAA] =	sst s2  }
0xb: {  	[smem:$0x3FAB] =	sst s3  }
0xc: {  	[smem:$0x3FAC] =	sst s4  }
0xd: {  	[smem:$0x3FAD] =	sst s5  }
0xe: {  	[smem:$0x3FAE] =	sst s6  }
0xf: {  	[smem:$0x3FAF] =	sst s7  }
0x10: {  	[smem:$0x3FB0] =	sst s8  }
0x11: {  	[smem:$0x3FB1] =	sst s9;
	s0 =	simm.s32 @!p0 $0x0  }
0x12: {  	s1 =	sld [smem:$0x3F97];
	s0 =	simm.s32 @p0 $0x1  }
0x13: {  	[smem:$0x3FB2] =	sst s0;
	s0 =	simm.s32 @!p1 $0x0  }
0x14: {  	s2 =	sld [smem:$0x3F96];
	s0 =	simm.s32 @p1 $0x1  }
0x15: {  	[smem:$0x3FB3] =	sst s0;
	s0 =	simm.s32 @!p2 $0x0  }
0x16: {  	s3 =	sld [smem:$0x3FDB];
	s0 =	simm.s32 @p2 $0x1  }
0x17: {  	s4 =	simm.s32 $0x1BF5;
	[smem:$0x3FB5] =	sst s0  }
0x18: {  	s0 =	sld [smem:$0x3F98];
	_ =	swait.ge [sflag:s4], $0x0  }
0x19: {  	s7 =	sld [smem:$0x3F99]  }
0x1a: {  	s8 =	sadd.s32 $0xFFFFE003, lr  }
0x1b: {  	s9 =	sadd.s32 $0xFFFFFEF7, lr;
	s5 =	simm.s32 $0xFFFFFFFF;
	p2 =	slt.u32 s8, $0xFFFFF086  }
0x1c: {  	p1 =	slt.u32 s9, $0xF7A;
	s5 =	simm.s32 @!p2 $0x0  }
0x1d: {  	s5 =	simm.s32 @p1 $0x1;
	p0 =	seq.s32 s7, s2  }
0x1e: {  	s7 =	smul.u32 @!p0 $0xF7A, s2;
	p2 =	seq.s32 @!p0 s5, $0x0  }
0x1f: {  	s9 =	smul.u32 $0xF7A, s1;
	s8 =	simm.s32 @!p0 $0x1BF5;
	p2 =	por !p2, p0  }
0x20: {  	[sflag:s8] =	ssyncset.s32 @!p0 $0xFFFFF086;
	s6 =	sadd.s32 @!p0 s3, s7;
	s7 =	simm.s32 @!p0 $0x108  }
0x21: {  	s3 =	sadd.s32 s3, s9;
	s6 =	sadd.s32 @!p0 $0x88, s6;
	s7 =	simm.s32 @p2 $0x1082  }
0x22: {  	[simem:s7], [sflag:s8] =	dma.local @!p0 [hbm:s6], $0xF7A  }
0x23: {  	s9 =	sor.u32 $0xD0000000, s2;
	s6 =	simm.s32 $0x108;
	_ =	swait.ge @!p0 [sflag:s8], $0x0  }
0x24: {  	s3 =	sadd.s32 $0x88, s3;
	s6 =	simm.s32 @!p1 $0x1082;
	[sflag:s4] =	ssyncset.s32 $0xFFFFF086  }
0x25: {  	[simem:s6], [sflag:s4] =	dma.local [hbm:s3], $0xF7A  }
0x26: {  	[smem:$0x3F99] =	sst s1;
	(tag) =	ssettag s2;
	_ =	strace s9  }
0x27: {  	s1 =	sld [smem:$0x3FA9]  }
0x28: {  	s2 =	sld [smem:$0x3FAA]  }
0x29: {  	s4 =	sld [smem:$0x3FAC]  }
0x2a: {  	p0 =	seq.s32 s5, $0x0;
	s5 =	sld [smem:$0x3FAD]  }
0x2b: {  	s6 =	sld [smem:$0x3FAE]  }
0x2c: {  	s7 =	sld [smem:$0x3FAF]  }
0x2d: {  	s3 =	simm.s32 $0x108;
	s8 =	sld [smem:$0x3FB0]  }
0x2e: {  	s3 =	simm.s32 @!p0 $0x1082;
	s9 =	sld [smem:$0x3FB1]  }
0x2f: {  	lr =	sadd.s32 s0, s3;
	s0 =	sld [smem:$0x3FA8]  }
0x30: {  	s3 =	sld [smem:$0x3FAB]  }
0x31: {  	[smem:$0x3FB4] =	sst s10  }
0x32: {  	s10 =	sld [smem:$0x3FB2];
	_ =	sdelay $0x3  }
0x33: {  	p0 =	seq.s32 s10, $0x1;
	s10 =	sld [smem:$0x3FB4];
	_ =	sdelay $0x3  }
0x34: {  	[smem:$0x3FB4] =	sst s10  }
0x35: {  	s10 =	sld [smem:$0x3FB3];
	_ =	sdelay $0x3  }
0x36: {  	p1 =	seq.s32 s10, $0x1;
	s10 =	sld [smem:$0x3FB4];
	_ =	sdelay $0x3  }
0x37: {  	[smem:$0x3FB4] =	sst s10  }
0x38: {  	s10 =	sld [smem:$0x3FB5]  }
0x39: {  	_ = 	snop;
	(pc) =	sbr.ind lr, $3  }
0x3a: {  	_ = 	snop  }
0x3b: {  	_ = 	snop  }
0x3c: {  	p2 =	seq.s32 s10, $0x1;
	s10 =	sld [smem:$0x3FB4]  }
0x3d: {  	_ =	shalt  }
0x3e: {  	_ =	shalt  }
0x3f: {  	_ =	shalt  }
0x40: {  	_ =	shalt  }
0x41: {  	_ =	shalt  }
0x42: {  	_ =	shalt  }
0x43: {  	_ =	shalt  }
0x44: {  	_ =	shalt  }
0x45: {  	_ =	shalt  }
0x46: {  	_ =	shalt  }
0x47: {  	_ =	shalt  }
0x48: {  	_ =	shalt  }
0x49: {  	_ =	shalt  }
0x4a: {  	_ =	shalt  }
0x4b: {  	_ =	shalt  }
0x4c: {  	_ =	shalt  }
0x4d: {  	_ =	shalt  }
0x4e: {  	_ =	shalt  }
0x4f: {  	_ =	shalt  }
0x50: {  	_ =	shalt  }
0x51: {  	_ =	shalt  }
0x52: {  	_ =	shalt  }
0x53: {  	_ =	shalt  }
0x54: {  	_ =	shalt  }
0x55: {  	_ =	shalt  }
0x56: {  	_ =	shalt  }
0x57: {  	_ =	shalt  }
0x58: {  	_ =	shalt  }
0x59: {  	_ =	shalt  }
0x5a: {  	_ =	shalt  }
0x5b: {  	_ =	shalt  }
0x5c: {  	_ =	shalt  }
0x5d: {  	_ =	shalt  }
0x5e: {  	_ =	shalt  }
0x5f: {  	_ =	shalt  }
0x60: {  	_ =	shalt  }
0x61: {  	_ =	shalt  }
0x62: {  	_ =	shalt  }
0x63: {  	_ =	shalt  }
0x64: {  	_ =	shalt  }
0x65: {  	_ =	shalt  }
0x66: {  	_ =	shalt  }
0x67: {  	_ =	shalt  }
0x68: {  	_ =	shalt  }
0x69: {  	_ =	shalt  }
0x6a: {  	_ =	shalt  }
0x6b: {  	_ =	shalt  }
0x6c: {  	_ =	shalt  }
0x6d: {  	_ =	shalt  }
0x6e: {  	_ =	shalt  }
0x6f: {  	_ =	shalt  }
0x70: {  	_ =	shalt  }
0x71: {  	_ =	shalt  }
0x72: {  	_ =	shalt  }
0x73: {  	_ =	shalt  }
0x74: {  	_ =	shalt  }
0x75: {  	_ =	shalt  }
0x76: {  	_ =	shalt  }
0x77: {  	_ =	shalt  }
0x78: {  	_ =	shalt  }
0x79: {  	_ =	shalt  }
0x7a: {  	_ =	shalt  }
0x7b: {  	_ =	shalt  }
0x7c: {  	_ =	shalt  }
0x7d: {  	_ =	shalt  }
0x7e: {  	_ =	shalt  }
0x7f: {  	_ =	shalt  }
0x80: {  	_ =	shalt  }
0x81: {  	_ =	shalt  }
0x82: {  	_ =	shalt  }
0x83: {  	_ =	shalt  }
0x84: {  	_ =	shalt  }
0x85: {  	_ =	shalt  }
0x86: {  	_ =	shalt  }
0x87: {  	_ =	shalt  }
.Lfunc_end0:
.L_simem_size_0:
called_computation.2_lowered:
.L_overlay_start_0:
0x88: {  	s2 =	sld [smem:$0x3FD9]  }
0x89: {  	s3 =	sld [smem:$0x3FFE];
	_ =	sdelay $0x1  }
0x8a: {  	s1 =	srdreg.scid  }
0x8b: {  	s0 =	sand.u32 $0x1, s1  }
0x8c: {  	s16 =	sshll.u32 s0, $0xA;
	s2 =	sadd.s32 s3, s2  }
0x8d: {  	s2 =	sadd.s32 s2, s16  }
0x8e: {  	[smem:$0x3FC0] =	sst s2  }
0x8f: {  	_ = 	snop  }
0x90: {  	(tm) =	ssettm $0x1  }
0x91: {  	s17 =	sld [smem:$0x3FFB];
	_ =	sdelay $0x3  }
0x92: {  	_ =	strace s17  }
0x93: {  	s2 =	sld [smem:$0x3FFC];
	_ =	sdelay $0x3  }
0x94: {  	_ =	strace s2  }
0x95: {  	s2 =	sld [smem:$0x3FFD];
	_ =	sdelay $0x3  }
0x96: {  	_ =	strace s2  }
0x97: {  	_ =	strace $0x8FFFFFFF  }
0x98: {  	s18 =	sld [smem:$0x3FDB];
	_ =	sdelay $0x1  }
0x99: {  	s19 =	simm.s32 $_scs_section_size  }
0x9a: {  	s4 =	simm.s32 $_size__tile_overlayer_lowered;
	s5 =	simm.s32 $_tile_overlayer_lowered  }
0x9b: {  	s22 =	simm.s32 $0x1BFF;
	s21 =	sshll.u32 s5, $0x1;
	s2 =	sadd.s32 s19, s18  }
0x9c: {  	s6 =	simm.s32 $0x0;
	s20 =	sshll.u32 s4, $0x1;
	s4 =	sadd.s32 s21, s2  }
0x9d: {  	[timem:s6], [sflag:s22] =	dma.local [hbm:s4], s20  }
0x9e: {  	_ =	swait.ge [sflag:s22], s20  }
0x9f: {  	s3 =	ssub.s32 $0x0, s20;
	[sflag:s22] =	ssyncset.done $0x0  }
0xa0: {  	[sflag:s22] =	ssyncadd.s32 s3;
	_ =	sdelay $0x1  }
0xa1: {  	s23 =	simm.s32 $0x1B8B  }
0xa2: {  	_ =	swait.ge [sflag:s23], $0x1  }
0xa3: {  	[sflag:s23] =	ssyncset.done $0x0  }
0xa4: {  	s25 =	simm.s32 $0x1B8E;
	s24 =	sld [smem:$0x3FFE];
	[sflag:s23] =	ssyncadd.s32 $0xFFFFFFFF  }
0xa5: {  	s26 =	simm.s32 $execute0_lowered;
	[smem:$0x3FD2] =	sst s25  }
0xa6: {  	s4 =	sshll.u32 s26, $0x1;
	_ =	strace $0x8000004C;
	[dreg:$0x1] =	wrdreg $0xFFFFFFFF  }
0xa7: {  	s28 =	simm.s32 $_size_execute0_lowered;
	s2 =	sadd.s32 s2, s4;
	[dreg:$0x0] =	wrdreg $0x0  }
0xa8: {  	s4 =	sshll.u32 s28, $0x1;
	[dreg:$0x2] =	wrdreg s2  }
0xa9: {  	[dreg:$0x3] =	wrdreg s4  }
0xaa: {  	[dreg:$0x4] =	wrdreg $0xC0  }
0xab: {  	_ =	task [dreg:s6], $0x5FFFF  }
0xac: {  	[dreg:$0x1] =	wrdreg $0xFFFFFFFF  }
0xad: {  	[dreg:$0x0] =	wrdreg $0x60  }
0xae: {  	[dreg:$0x2] =	wrdreg s24  }
0xaf: {  	[dreg:$0x3] =	wrdreg $0xB8000  }
0xb0: {  	[dreg:$0x4] =	wrdreg $0x9  }
0xb1: {  	_ =	task.clear_ibuf [dreg:s6], $0x5FFFF;
	_ =	strace $0x9000004C  }
0xb2: {  	s29 =	simm.s32 $0x9;
	_ =	strace $0x8000004E  }
0xb3: {  	_ =	swait.ge [sflag:s29], $0x1  }
0xb4: {  	[sflag:s29] =	ssyncadd.s32 $0xFFFFFFFF  }
0xb5: {  	_ =	strace $0x9000004E  }
0xb6: {  	_ =	sfence  }
0xb7: {  	s30 =	sld [smem:$0x0];
	_ =	sdelay $0x2  }
0xb8: {  	s31 =	sshll.u32 s1, $0xD;
	s1 =	sshrl.u32 s1, $0x2  }
0xb9: {  	s3 =	sand.u32 $0x4000, s31;
	s1 =	sadd.s32 s1, s30  }
0xba: {  	s0 =	sor.u32 s3, s0;
	s1 =	sshll.u32 s1, $0x11  }
0xbb: {  	s0 =	sor.u32 s1, s0  }
0xbc: {  	s0 =	sadd.s32 $0x8F2B, s0  }
0xbd: {  	[sflag:s0] =	ssyncadd.remote.s32 $0x1  }
0xbe: {  	_ =	sfence.sel $0xFFFF  }
0xbf: {  	[dreg:$0x0] =	wrdreg $0xFFFFFFFF;
	(pc) =	sbr.abs _section_cstart, $3  }
0xc0: {  	[dreg:$0x1] =	wrdreg $0xFFFFFFFF  }
0xc1: {  	_ =	task.clear_ibuf [dreg:s6], $0x2FFFF;
	_ =	strace $0x9FFFFFFF  }
0xc2: {  	(tm) =	ssettm $0x7FFFFFFF  }
0xc3: {  	_ =	shalt  }
tec
execute0_lowered:
.L_overlay_start_1:
0x0: {  	(tag) =	ssettag $0x1  }
0x1: {  	s0 =	rddreg [dreg:$0x0];
	s1 =	srdreg.scid  }
0x2: {  	s11 =	stileid.u32;
	s2 =	rddreg [dreg:$0x1];
	s3 =	simm.s32 $0x0  }
0x3: {  	s12 =	simm.s32 $0x1;
	s13 =	simm.s32 $0x2;
	s1 =	sand.u32 $0x1, s1  }
0x4: {  	s4 =	sshll.u32 s11, $0x1;
	[smem:$0x7FF] =	sst s3;
	s5 =	sadd.s32 $0x4400, s0  }
0x5: {  	s9 =	smul.u32 $0x50000, s11;
	s6 =	sadd.s32 $0x18400, s0;
	s7 =	ssub.s32 $0x2, s1  }
0x6: {  	s15 =	smul.u32 $0x2800, s11;
	s11 =	simm.s32 $0x2800;
	s10 =	sshrl.u32 s7, $0x1  }
0x7: {  	s4 =	sor.u32 s1, s4;
	s14 =	sshrl.u32 s9, $0x2;
	s7 =	ssub.s32 s7, s10  }
0x8: {  	_ =	strace $0x8000004D;
	s9 =	sadd.s32 s14, s2;
	s7 =	smax.u32 s7, $0x1  }
0x9: {  	p0 =	seq.s32 s1, $0x1;
	s16 =	sadd.s32 $0x1000, s9;
	[dreg:$0x5] =	wrdreg s7  }
0xa: {  	s1 =	simm.s32 $0x5;
	s17 =	sadd.s32 $0x2000, s9;
	[dreg:$0x6] =	wrdreg s16  }
0xb: {  	s4 =	smul.u32 $0x2800, s4;
	s18 =	sadd.s32 $0x3000, s9;
	[dreg:$0x7] =	wrdreg s17  }
0xc: {  	s10 =	simm.s32 $0x7D;
	s19 =	sadd.s32 $0x4000, s9;
	[dreg:$0x8] =	wrdreg s18  }
0xd: {  	s14 =	simm.s32 $0x3;
	s20 =	sadd.s32 $0x5000, s9;
	[dreg:$0x9] =	wrdreg s19  }
0xe: {  	s8 =	sshrl.u32 s4, $0x3;
	s21 =	sadd.s32 $0x6000, s9;
	[dreg:$0xa] =	wrdreg s20  }
0xf: {  	s22 =	sadd.s32 $0x7000, s9;
	s23 =	sadd.s32 $0x9000, s9;
	[dreg:$0xb] =	wrdreg s21  }
0x10: {  	s24 =	sadd.s32 $0xA000, s9;
	s25 =	sadd.s32 $0xB000, s9;
	[dreg:$0xc] =	wrdreg s22  }
0x11: {  	s26 =	sadd.s32 $0xC000, s9;
	s28 =	sadd.s32 $0x10000, s9;
	[dreg:$0xe] =	wrdreg s23  }
0x12: {  	s29 =	sadd.s32 $0x11000, s9;
	s30 =	sadd.s32 $0x12000, s9;
	[dreg:$0xf] =	wrdreg s24  }
0x13: {  	s31 =	sadd.s32 $0x13000, s9;
	s8 =	sadd.s32 s5, s8;
	[dreg:$0x10] =	wrdreg s25  }
0x14: {  	s7 =	simm.s32 $0x67600;
	[dreg:$0x11] =	wrdreg s26;
	s23 =	sadd.s32 $0xD000, s9  }
0x15: {  	s25 =	sadd.s32 $0xE000, s9;
	s26 =	sadd.s32 $0xF000, s9;
	s16 =	simm.s32 $0x0  }
0x16: {  	[dreg:$0x3] =	wrdreg s8;
	s8 =	sadd.s32 $0xA000, s8;
	s7 =	simm.s32 @!p0 $0x3F600  }
0x17: {  	[dreg:$0x4] =	wrdreg s8;
	s8 =	sadd.s32 $0x8000, s9;
	s0 =	sadd.s32 s7, s0  }
0x18: {  	s7 =	simm.s32 $0x6800;
	[dreg:$0xd] =	wrdreg s8;
	s24 =	sadd.s32 s0, s15  }
0x19: {  	v0 =	vimm.f32 $0.0e+00;
	s0 =	simm.s32 $0x1400;
	s8 =	simm.s32 $0xA800;
	s15 =	simm.s32 $0x4  }
.LBB2_1:
0x1a: {  	s17 =	rddreg [dreg:$0x3]  }
0x1b: {  	[tilespmem:s3], [sflag:$0x5] =	stream.linear.gather [hbm4b:s17+s3], $0x1400, $0x38;
	[tilespmem:$0x1F800] =	vst v63  }
0x1c: {  	_ =	swait.ge [sflag:s1], $0x1400  }
0x1d: {  	[sflag:s1] =	ssyncset.done $0x0  }
0x1e: {  	s22 =	rddreg [dreg:$0x4];
	[sflag:s1] =	ssyncadd.s32 $0xFFFFEC00  }
0x1f: {  	[tilespmem:s0], [sflag:$0x5] =	stream.linear.gather [hbm4b:s22+s3], $0x1400, $0x38;
	[tilespmem:$0x1F800] =	vst v63  }
0x20: {  	_ =	swait.ge [sflag:s1], $0x1400  }
0x21: {  	[sflag:s1] =	ssyncset.done $0x0  }
0x22: {  	s18 =	simm.s32 $0x200;
	s17 =	simm.s32 $0x0;
	[sflag:s1] =	ssyncadd.s32 $0xFFFFEC00  }
.LBB2_2:
0x23: {  	p0 =	sne.s32 s18, $0x3E00;
	[tilespmem:s17+$0xA870] =	vst v0  }
0x24: {  	[tilespmem:s17+$0xA800] =	vst v0  }
0x25: {  	[tilespmem:s17+$0xA810] =	vst v0  }
.Ltmp0:
0x26: {  	[tilespmem:s17+$0xA820] =	vst v0;
	(pc) =	sbr.rel @p0 .LBB2_2-.Ltmp0, $4  }
0x27: {  	[tilespmem:s17+$0xA830] =	vst v0  }
0x28: {  	[tilespmem:s17+$0xA840] =	vst v0  }
0x29: {  	[tilespmem:s17+$0xA850] =	vst v0  }
0x2a: {  	[tilespmem:s17+$0xA860] =	vst v0;
	s17 =	sshra.s32 s18, $0x2;
	s18 =	sadd.s32 $0x200, s18  }
0x2b: {  	[tilespmem:s17+$0xA870] =	vst v0  }
0x2c: {  	[tilespmem:s17+$0xA800] =	vst v0  }
0x2d: {  	[tilespmem:s17+$0xA810] =	vst v0  }
0x2e: {  	[tilespmem:s17+$0xA820] =	vst v0  }
0x2f: {  	[tilespmem:s17+$0xA830] =	vst v0  }
0x30: {  	[tilespmem:s17+$0xA840] =	vst v0  }
0x31: {  	[tilespmem:s17+$0xA850] =	vst v0  }
0x32: {  	[tilespmem:s17+$0xA860] =	vst v0  }
0x33: {  	[spmem:s9] =	stream.linear.scatter [tilespmem:s8], [sflag:$0x5], $0x1000, $0x38;
	[tilespmem:$0x1F800] =	vst v63  }
0x34: {  	_ =	swait.ge [sflag:s1], $0x1000  }
0x35: {  	[sflag:s1] =	ssyncset.done $0x0  }
0x36: {  	s20 =	rddreg [dreg:$0x6];
	[sflag:s1] =	ssyncadd.s32 $0xFFFFF000  }
0x37: {  	[spmem:s20] =	stream.linear.scatter [tilespmem:s8], [sflag:$0x5], $0x1000, $0x38;
	[tilespmem:$0x1F800] =	vst v63  }
0x38: {  	_ =	swait.ge [sflag:s1], $0x1000  }
0x39: {  	[sflag:s1] =	ssyncset.done $0x0  }
0x3a: {  	s21 =	rddreg [dreg:$0x7];
	[sflag:s1] =	ssyncadd.s32 $0xFFFFF000  }
0x3b: {  	[spmem:s21] =	stream.linear.scatter [tilespmem:s8], [sflag:$0x5], $0x1000, $0x38;
	[tilespmem:$0x1F800] =	vst v63  }
0x3c: {  	_ =	swait.ge [sflag:s1], $0x1000  }
0x3d: {  	[sflag:s1] =	ssyncset.done $0x0  }
0x3e: {  	s22 =	rddreg [dreg:$0x8];
	[sflag:s1] =	ssyncadd.s32 $0xFFFFF000  }
0x3f: {  	[spmem:s22] =	stream.linear.scatter [tilespmem:s8], [sflag:$0x5], $0x1000, $0x38;
	[tilespmem:$0x1F800] =	vst v63  }
0x40: {  	_ =	swait.ge [sflag:s1], $0x1000  }
0x41: {  	[sflag:s1] =	ssyncset.done $0x0  }
0x42: {  	s18 =	rddreg [dreg:$0x9];
	[sflag:s1] =	ssyncadd.s32 $0xFFFFF000  }
0x43: {  	[spmem:s18] =	stream.linear.scatter [tilespmem:s8], [sflag:$0x5], $0x1000, $0x38;
	[tilespmem:$0x1F800] =	vst v63  }
0x44: {  	_ =	swait.ge [sflag:s1], $0x1000  }
0x45: {  	[sflag:s1] =	ssyncset.done $0x0  }
0x46: {  	s19 =	rddreg [dreg:$0xa];
	[sflag:s1] =	ssyncadd.s32 $0xFFFFF000  }
0x47: {  	[spmem:s19] =	stream.linear.scatter [tilespmem:s8], [sflag:$0x5], $0x1000, $0x38;
	[tilespmem:$0x1F800] =	vst v63  }
0x48: {  	_ =	swait.ge [sflag:s1], $0x1000  }
0x49: {  	[sflag:s1] =	ssyncset.done $0x0  }
0x4a: {  	s20 =	rddreg [dreg:$0xb];
	[sflag:s1] =	ssyncadd.s32 $0xFFFFF000  }
0x4b: {  	[spmem:s20] =	stream.linear.scatter [tilespmem:s8], [sflag:$0x5], $0x1000, $0x38;
	[tilespmem:$0x1F800] =	vst v63  }
0x4c: {  	_ =	swait.ge [sflag:s1], $0x1000  }
0x4d: {  	[sflag:s1] =	ssyncset.done $0x0  }
0x4e: {  	s21 =	rddreg [dreg:$0xc];
	[sflag:s1] =	ssyncadd.s32 $0xFFFFF000  }
0x4f: {  	[spmem:s21] =	stream.linear.scatter [tilespmem:s8], [sflag:$0x5], $0x1000, $0x38;
	[tilespmem:$0x1F800] =	vst v63  }
0x50: {  	_ =	swait.ge [sflag:s1], $0x1000  }
0x51: {  	[sflag:s1] =	ssyncset.done $0x0  }
0x52: {  	s22 =	rddreg [dreg:$0xd];
	[sflag:s1] =	ssyncadd.s32 $0xFFFFF000  }
0x53: {  	[spmem:s22] =	stream.linear.scatter [tilespmem:s8], [sflag:$0x5], $0x1000, $0x38;
	[tilespmem:$0x1F800] =	vst v63  }
0x54: {  	_ =	swait.ge [sflag:s1], $0x1000  }
0x55: {  	[sflag:s1] =	ssyncset.done $0x0  }
0x56: {  	s18 =	rddreg [dreg:$0xe];
	[sflag:s1] =	ssyncadd.s32 $0xFFFFF000  }
0x57: {  	[spmem:s18] =	stream.linear.scatter [tilespmem:s8], [sflag:$0x5], $0x1000, $0x38;
	[tilespmem:$0x1F800] =	vst v63  }
0x58: {  	_ =	swait.ge [sflag:s1], $0x1000  }
0x59: {  	[sflag:s1] =	ssyncset.done $0x0  }
0x5a: {  	s19 =	rddreg [dreg:$0xf];
	[sflag:s1] =	ssyncadd.s32 $0xFFFFF000  }
0x5b: {  	[spmem:s19] =	stream.linear.scatter [tilespmem:s8], [sflag:$0x5], $0x1000, $0x38;
	[tilespmem:$0x1F800] =	vst v63  }
0x5c: {  	_ =	swait.ge [sflag:s1], $0x1000  }
0x5d: {  	[sflag:s1] =	ssyncset.done $0x0  }
0x5e: {  	s20 =	rddreg [dreg:$0x10];
	[sflag:s1] =	ssyncadd.s32 $0xFFFFF000  }
0x5f: {  	[spmem:s20] =	stream.linear.scatter [tilespmem:s8], [sflag:$0x5], $0x1000, $0x38;
	[tilespmem:$0x1F800] =	vst v63  }
0x60: {  	_ =	swait.ge [sflag:s1], $0x1000  }
0x61: {  	[sflag:s1] =	ssyncset.done $0x0  }
0x62: {  	s21 =	rddreg [dreg:$0x11];
	[sflag:s1] =	ssyncadd.s32 $0xFFFFF000  }
0x63: {  	[spmem:s21] =	stream.linear.scatter [tilespmem:s8], [sflag:$0x5], $0x1000, $0x38;
	[tilespmem:$0x1F800] =	vst v63  }
0x64: {  	_ =	swait.ge [sflag:s1], $0x1000  }
0x65: {  	[sflag:s1] =	ssyncset.done $0x0  }
0x66: {  	[sflag:s1] =	ssyncadd.s32 $0xFFFFF000  }
0x67: {  	[spmem:s23] =	stream.linear.scatter [tilespmem:s8], [sflag:$0x5], $0x1000, $0x38;
	[tilespmem:$0x1F800] =	vst v63  }
0x68: {  	_ =	swait.ge [sflag:s1], $0x1000  }
0x69: {  	[sflag:s1] =	ssyncset.done $0x0  }
0x6a: {  	[sflag:s1] =	ssyncadd.s32 $0xFFFFF000  }
0x6b: {  	[spmem:s25] =	stream.linear.scatter [tilespmem:s8], [sflag:$0x5], $0x1000, $0x38;
	[tilespmem:$0x1F800] =	vst v63  }
0x6c: {  	_ =	swait.ge [sflag:s1], $0x1000  }
0x6d: {  	[sflag:s1] =	ssyncset.done $0x0  }
0x6e: {  	[sflag:s1] =	ssyncadd.s32 $0xFFFFF000  }
0x6f: {  	[spmem:s26] =	stream.linear.scatter [tilespmem:s8], [sflag:$0x5], $0x1000, $0x38;
	[tilespmem:$0x1F800] =	vst v63  }
0x70: {  	_ =	swait.ge [sflag:s1], $0x1000  }
0x71: {  	[sflag:s1] =	ssyncset.done $0x0  }
0x72: {  	[sflag:s1] =	ssyncadd.s32 $0xFFFFF000  }
0x73: {  	[spmem:s28] =	stream.linear.scatter [tilespmem:s8], [sflag:$0x5], $0x1000, $0x38;
	[tilespmem:$0x1F800] =	vst v63  }
0x74: {  	_ =	swait.ge [sflag:s1], $0x1000  }
0x75: {  	[sflag:s1] =	ssyncset.done $0x0  }
0x76: {  	[sflag:s1] =	ssyncadd.s32 $0xFFFFF000  }
0x77: {  	[spmem:s29] =	stream.linear.scatter [tilespmem:s8], [sflag:$0x5], $0x1000, $0x38;
	[tilespmem:$0x1F800] =	vst v63  }
0x78: {  	_ =	swait.ge [sflag:s1], $0x1000  }
0x79: {  	[sflag:s1] =	ssyncset.done $0x0  }
0x7a: {  	[sflag:s1] =	ssyncadd.s32 $0xFFFFF000  }
0x7b: {  	[spmem:s30] =	stream.linear.scatter [tilespmem:s8], [sflag:$0x5], $0x1000, $0x38;
	[tilespmem:$0x1F800] =	vst v63  }
0x7c: {  	_ =	swait.ge [sflag:s1], $0x1000  }
0x7d: {  	[sflag:s1] =	ssyncset.done $0x0  }
0x7e: {  	[sflag:s1] =	ssyncadd.s32 $0xFFFFF000  }
0x7f: {  	[spmem:s31] =	stream.linear.scatter [tilespmem:s8], [sflag:$0x5], $0x1000, $0x38;
	[tilespmem:$0x1F800] =	vst v63  }
0x80: {  	_ =	swait.ge [sflag:s1], $0x1000  }
0x81: {  	[sflag:s1] =	ssyncset.done $0x0  }
.Ltmp1:
0x82: {  	[sflag:s1] =	ssyncadd.s32 $0xFFFFF000;
	(pc) =	sbr.rel .LBB2_4-.Ltmp1, $4  }
0x83: {  	s18 =	simm.s32 $0x0;
	[bflag:$0x0] =	sbarrier.arrive $0xFFFF  }
0x84: {  	[tilespmem:s11], [sflag:$0x1] =	stream.indirect.gather [hbm4b:s6+s10], $0x80, s18, s10, $0xb8;
	[tilespmem:$0x1F800] =	vst v63  }
0x85: {  	s22 =	simm.s32 $0x80;
	s19 =	simm.s32 $0x0;
	s21 =	simm.s32 $0xFFFFB000  }
0x86: {  	[tilespmem:s7], [sflag:$0x2] =	stream.indirect.gather [hbm4b:s6+s10], $0x80, s22, s10, $0xb8;
	[tilespmem:$0x1F800] =	vst v63  }
.LBB2_5:
0x87: {  	s17 =	sadd.s32 $0x1, s19  }
0x88: {  	s17 =	sand.u32 $0xFF, s17  }
0x89: {  	s17 =	smul.u32 $0xCD, s17;
	_ =	sdelay $0x1  }
0x8a: {  	s17 =	sshrl.u32 s17, $0xC  }
0x8b: {  	s17 =	smul.u32 $0x1400, s17;
	_ =	sdelay $0x1  }
0x8c: {  	s17 =	sadd.s32 s4, s17  }
0x8d: {  	s17 =	sshrl.u32 s17, $0x3  }
0x8e: {  	s17 =	sadd.s32 s5, s17  }
0x8f: {  	[tilespmem:s3], [sflag:$0x5] =	stream.linear.gather [hbm4b:s17+s3], $0x1400, $0x38;
	[tilespmem:$0x1F800] =	vst v63  }
0x90: {  	_ =	swait.ge [sflag:s1], $0x1400  }
0x91: {  	[sflag:s1] =	ssyncset.done $0x0  }
0x92: {  	s17 =	sadd.s32 $0xA000, s17;
	[sflag:s1] =	ssyncadd.s32 $0xFFFFEC00  }
0x93: {  	[tilespmem:s0], [sflag:$0x5] =	stream.linear.gather [hbm4b:s17+s3], $0x1400, $0x38;
	[tilespmem:$0x1F800] =	vst v63  }
0x94: {  	_ =	swait.ge [sflag:s1], $0x1400  }
0x95: {  	[sflag:s1] =	ssyncset.done $0x0  }
0x96: {  	[sflag:s1] =	ssyncadd.s32 $0xFFFFEC00  }
.LBB2_7:
0x97: {  	s17 =	sadd.s32 $0x2, s18  }
0x98: {  	s18 =	sadd.s32 $0x3, s18;
	s19 =	sand.u32 $0xFF, s17  }
0x99: {  	s22 =	sand.u32 $0xFF, s18;
	s19 =	smul.u32 $0xCD, s19  }
0x9a: {  	s22 =	smul.u32 $0xCD, s22  }
0x9b: {  	s19 =	sshrl.u32 s19, $0xD  }
0x9c: {  	s22 =	sshrl.u32 s22, $0xD;
	s19 =	smul.u32 $0x28, s19  }
0x9d: {  	s22 =	smul.u32 $0x28, s22  }
0x9e: {  	s19 =	ssub.s32 s17, s19  }
0x9f: {  	s18 =	ssub.s32 s18, s22;
	s19 =	sand.u32 $0xFF, s19  }
0xa0: {  	s18 =	sand.u32 $0xFF, s18;
	s19 =	sshll.u32 s19, $0x7  }
0xa1: {  	[tilespmem:s11], [sflag:$0x1] =	stream.indirect.gather [hbm4b:s6+s10], $0x80, s19, s10, $0xb8;
	[tilespmem:$0x1F800] =	vst v63  }
0xa2: {  	s18 =	sshll.u32 s18, $0x7  }
0xa3: {  	[tilespmem:s7], [sflag:$0x2] =	stream.indirect.gather [hbm4b:s6+s10], $0x80, s18, s10, $0xb8;
	[tilespmem:$0x1F800] =	vst v63  }
0xa4: {  	s21 =	sadd.s32 $0x400, s21;
	s19 =	smov.u32 s20;
	s18 =	smov.u32 s17  }
.LBB2_4:
0xa5: {  	p0 =	slt.u32 s19, $0x14;
	s20 =	sadd.s32 $0x5000, s21;
	s17 =	smov.u32 s21  }
0xa6: {  	_ =	swait.ge [sflag:s12], $0x3E80;
	s17 =	smov.u32 @p0 s20  }
0xa7: {  	[sflag:s12] =	ssyncset.done $0x0;
	s17 =	sshra.s32 s17, $0x2  }
0xa8: {  	[sflag:s12] =	ssyncadd.s32 $0xFFFFC180;
	s17 =	sadd.s32 $0x1400, s17  }
0xa9: {  	[spmem:s2] =	stream.indirect.scatter.add.f32 [tilespmem:s11], [sflag:$0x3], $0x80, s17, s10, $0xb8;
	[tilespmem:$0x1F800] =	vst v63  }
0xaa: {  	s20 =	sadd.s32 $0xFFFFFFD9, s18;
	s17 =	sadd.s32 $0x1, s18  }
0xab: {  	s20 =	smov.u32 @p0 s17  }
0xac: {  	_ =	swait.ge [sflag:s13], $0x3E80;
	s17 =	sshll.u32 s20, $0x7  }
0xad: {  	[sflag:s13] =	ssyncset.done $0x0;
	s17 =	sand.u32 $0x3FFFFF80, s17  }
0xae: {  	s22 =	sadd.s32 $0xFFFFFFEC, s19;
	[sflag:s13] =	ssyncadd.s32 $0xFFFFC180;
	s17 =	sadd.s32 $0x1400, s17  }
0xaf: {  	[spmem:s2] =	stream.indirect.scatter.add.f32 [tilespmem:s7], [sflag:$0x4], $0x80, s17, s10, $0xb8;
	[tilespmem:$0x1F800] =	vst v63  }
0xb0: {  	p0 =	seq.s32 s19, $0x27;
	s17 =	smin.u32 s19, s22  }
0xb1: {  	p1 =	sne.s32 @!p0 s17, $0x13  }
0xb2: {  	_ =	swait.ge [sflag:s14], $0x3E80;
	p1 =	por p0, p1  }
.Ltmp2:
0xb3: {  	[sflag:s14] =	ssyncset.done $0x0;
	(pc) =	sbr.rel @!p1 .LBB2_5-.Ltmp2, $4  }
0xb4: {  	[sflag:s14] =	ssyncadd.s32 $0xFFFFC180  }
0xb5: {  	_ =	swait.ge [sflag:s15], $0x3E80  }
0xb6: {  	[sflag:s15] =	ssyncset.done $0x0  }
0xb7: {  	s20 =	sadd.s32 $0x1, s19;
	[sflag:s15] =	ssyncadd.s32 $0xFFFFC180  }
.Ltmp3:
0xb8: {  	(pc) =	sbr.rel @!p0 .LBB2_7-.Ltmp3, $1  }
0xb9: {  	_ =	sdelay $0x3  }
0xba: {  	s17 =	stileid.u32  }
0xbb: {  	s17 =	sshll.u32 s17, $0x6  }
0xbc: {  	[bflag:$0x0] =	sbarrier.arrive $0xFFFF;
	s18 =	sshrl.u32 s9, $0x3;
	s17 =	sor.u32 $0x1C05, s17  }
0xbd: {  	[hbm:s24], [sflag:s17] =	dma.local [spmem:s18], $0x2800  }
0xbe: {  	_ =	swait.ge [sflag:s1], $0x2800  }
0xbf: {  	s16 =	sadd.s32 $0x1, s16;
	s22 =	rddreg [dreg:$0x5]  }
0xc0: {  	p0 =	sne.s32 s16, s22  }
.Ltmp4:
0xc1: {  	_ = 	snop;
	(pc) =	sbr.rel @p0 .LBB2_1-.Ltmp4, $3  }
0xc2: {  	_ =	sdelay $0x1  }
0xc3: {  	[sflag:s1] =	ssyncset.done $0x0  }
0xc4: {  	[sflag:s1] =	ssyncadd.s32 $0xFFFFD800  }
0xc5: {  	_ =	sfence.sel $0x180000  }
0xc6: {  	[bflag:$0x0] =	sbarrier.arrive $0xFFFF  }
0xc7: {  	_ =	strace $0x9000004D  }
0xc8: {  	s0 =	stileid.u32;
	[bflag:$0x2] =	sbarrier.arrive $0xFFFF  }
0xc9: {  	p0 =	sne.s32 s0, $0x0;
	s0 =	rddreg [dreg:$0x2]  }
0xca: {  	s0 =	sadd.s32 @!p0 $0x100000, s0  }
0xcb: {  	[sflag:s0] =	ssyncadd.tile.s32 @!p0 $0x1;
	_ =	shalt  }
.Lfunc_end2:
_tile_overlayer_lowered:
.L_overlay_start_2:
0xcc: {  	(tag) =	ssettag $0x2  }
0xcd: {  	s0 =	rddreg [dreg:$0x0];
	s2 =	stileid.u32  }
0xce: {  	s1 =	rddreg [dreg:$0x1];
	p0 =	sne.s32 s2, $0x0  }
0xcf: {  	s3 =	rddreg [dreg:$0x2];
	[bflag:$0x3] =	sbarrier.arrive $0xFFFF;
	s2 =	simm.s32 @!p0 $0x1C05  }
0xd0: {  	[timem:s3], [sflag:s2] =	dma.local @!p0 [hbm:s0], s1  }
0xd1: {  	s0 =	simm.s32 @!p0 $0x5  }
0xd2: {  	_ =	swait.ge @!p0 [sflag:s0], s1  }
0xd3: {  	s1 =	ssub.s32 @!p0 $0x0, s1;
	[sflag:s0] =	ssyncset.done @!p0 $0x0  }
0xd4: {  	[sflag:s0] =	ssyncadd.s32 @!p0 s1  }
0xd5: {  	[bflag:$0x3] =	sbarrier.arrive $0xFFFF  }
0xd6: {  	_ =	shalt  }

// kernel: _run.9.cloned.1.call-start
scs
__scs_entry_jumppad:
0x0: {  	(pc) =	sbr.rel $0x88, $3  }
0x1: {  	(tag) =	ssettag $0x0;
	lr =	simm.s32 $0x1  }
0x2: {  	[smem:$0x3F99] =	sst lr;
	_ =	strace $0xD0000000  }
0x3: {  	_ = 	snop  }
0x4: {  	_ = 	snop  }
0x5: {  	_ = 	snop  }
0x6: {  	_ = 	snop  }
0x7: {  	_ = 	snop  }
__scs_overlays_trampoline_lowered:
0x8: {  	[smem:$0x3FA8] =	sst s0  }
0x9: {  	[smem:$0x3FA9] =	sst s1  }
0xa: {  	[smem:$0x3FAA] =	sst s2  }
0xb: {  	[smem:$0x3FAB] =	sst s3  }
0xc: {  	[smem:$0x3FAC] =	sst s4  }
0xd: {  	[smem:$0x3FAD] =	sst s5  }
0xe: {  	[smem:$0x3FAE] =	sst s6  }
0xf: {  	[smem:$0x3FAF] =	sst s7  }
0x10: {  	[smem:$0x3FB0] =	sst s8  }
0x11: {  	[smem:$0x3FB1] =	sst s9;
	s0 =	simm.s32 @!p0 $0x0  }
0x12: {  	s1 =	sld [smem:$0x3F97];
	s0 =	simm.s32 @p0 $0x1  }
0x13: {  	[smem:$0x3FB2] =	sst s0;
	s0 =	simm.s32 @!p1 $0x0  }
0x14: {  	s2 =	sld [smem:$0x3F96];
	s0 =	simm.s32 @p1 $0x1  }
0x15: {  	[smem:$0x3FB3] =	sst s0;
	s0 =	simm.s32 @!p2 $0x0  }
0x16: {  	s3 =	sld [smem:$0x3FDB];
	s0 =	simm.s32 @p2 $0x1  }
0x17: {  	s4 =	simm.s32 $0x1BF5;
	[smem:$0x3FB5] =	sst s0  }
0x18: {  	s0 =	sld [smem:$0x3F98];
	_ =	swait.ge [sflag:s4], $0x0  }
0x19: {  	s7 =	sld [smem:$0x3F99]  }
0x1a: {  	s8 =	sadd.s32 $0xFFFFE003, lr  }
0x1b: {  	s9 =	sadd.s32 $0xFFFFFEF7, lr;
	s5 =	simm.s32 $0xFFFFFFFF;
	p2 =	slt.u32 s8, $0xFFFFF086  }
0x1c: {  	p1 =	slt.u32 s9, $0xF7A;
	s5 =	simm.s32 @!p2 $0x0  }
0x1d: {  	s5 =	simm.s32 @p1 $0x1;
	p0 =	seq.s32 s7, s2  }
0x1e: {  	s7 =	smul.u32 @!p0 $0xF7A, s2;
	p2 =	seq.s32 @!p0 s5, $0x0  }
0x1f: {  	s9 =	smul.u32 $0xF7A, s1;
	s8 =	simm.s32 @!p0 $0x1BF5;
	p2 =	por !p2, p0  }
0x20: {  	[sflag:s8] =	ssyncset.s32 @!p0 $0xFFFFF086;
	s6 =	sadd.s32 @!p0 s3, s7;
	s7 =	simm.s32 @!p0 $0x108  }
0x21: {  	s3 =	sadd.s32 s3, s9;
	s6 =	sadd.s32 @!p0 $0x88, s6;
	s7 =	simm.s32 @p2 $0x1082  }
0x22: {  	[simem:s7], [sflag:s8] =	dma.local @!p0 [hbm:s6], $0xF7A  }
0x23: {  	s9 =	sor.u32 $0xD0000000, s2;
	s6 =	simm.s32 $0x108;
	_ =	swait.ge @!p0 [sflag:s8], $0x0  }
0x24: {  	s3 =	sadd.s32 $0x88, s3;
	s6 =	simm.s32 @!p1 $0x1082;
	[sflag:s4] =	ssyncset.s32 $0xFFFFF086  }
0x25: {  	[simem:s6], [sflag:s4] =	dma.local [hbm:s3], $0xF7A  }
0x26: {  	[smem:$0x3F99] =	sst s1;
	(tag) =	ssettag s2;
	_ =	strace s9  }
0x27: {  	s1 =	sld [smem:$0x3FA9]  }
0x28: {  	s2 =	sld [smem:$0x3FAA]  }
0x29: {  	s4 =	sld [smem:$0x3FAC]  }
0x2a: {  	p0 =	seq.s32 s5, $0x0;
	s5 =	sld [smem:$0x3FAD]  }
0x2b: {  	s6 =	sld [smem:$0x3FAE]  }
0x2c: {  	s7 =	sld [smem:$0x3FAF]  }
0x2d: {  	s3 =	simm.s32 $0x108;
	s8 =	sld [smem:$0x3FB0]  }
0x2e: {  	s3 =	simm.s32 @!p0 $0x1082;
	s9 =	sld [smem:$0x3FB1]  }
0x2f: {  	lr =	sadd.s32 s0, s3;
	s0 =	sld [smem:$0x3FA8]  }
0x30: {  	s3 =	sld [smem:$0x3FAB]  }
0x31: {  	[smem:$0x3FB4] =	sst s10  }
0x32: {  	s10 =	sld [smem:$0x3FB2];
	_ =	sdelay $0x3  }
0x33: {  	p0 =	seq.s32 s10, $0x1;
	s10 =	sld [smem:$0x3FB4];
	_ =	sdelay $0x3  }
0x34: {  	[smem:$0x3FB4] =	sst s10  }
0x35: {  	s10 =	sld [smem:$0x3FB3];
	_ =	sdelay $0x3  }
0x36: {  	p1 =	seq.s32 s10, $0x1;
	s10 =	sld [smem:$0x3FB4];
	_ =	sdelay $0x3  }
0x37: {  	[smem:$0x3FB4] =	sst s10  }
0x38: {  	s10 =	sld [smem:$0x3FB5]  }
0x39: {  	_ = 	snop;
	(pc) =	sbr.ind lr, $3  }
0x3a: {  	_ = 	snop  }
0x3b: {  	_ = 	snop  }
0x3c: {  	p2 =	seq.s32 s10, $0x1;
	s10 =	sld [smem:$0x3FB4]  }
0x3d: {  	_ =	shalt  }
0x3e: {  	_ =	shalt  }
0x3f: {  	_ =	shalt  }
0x40: {  	_ =	shalt  }
0x41: {  	_ =	shalt  }
0x42: {  	_ =	shalt  }
0x43: {  	_ =	shalt  }
0x44: {  	_ =	shalt  }
0x45: {  	_ =	shalt  }
0x46: {  	_ =	shalt  }
0x47: {  	_ =	shalt  }
0x48: {  	_ =	shalt  }
0x49: {  	_ =	shalt  }
0x4a: {  	_ =	shalt  }
0x4b: {  	_ =	shalt  }
0x4c: {  	_ =	shalt  }
0x4d: {  	_ =	shalt  }
0x4e: {  	_ =	shalt  }
0x4f: {  	_ =	shalt  }
0x50: {  	_ =	shalt  }
0x51: {  	_ =	shalt  }
0x52: {  	_ =	shalt  }
0x53: {  	_ =	shalt  }
0x54: {  	_ =	shalt  }
0x55: {  	_ =	shalt  }
0x56: {  	_ =	shalt  }
0x57: {  	_ =	shalt  }
0x58: {  	_ =	shalt  }
0x59: {  	_ =	shalt  }
0x5a: {  	_ =	shalt  }
0x5b: {  	_ =	shalt  }
0x5c: {  	_ =	shalt  }
0x5d: {  	_ =	shalt  }
0x5e: {  	_ =	shalt  }
0x5f: {  	_ =	shalt  }
0x60: {  	_ =	shalt  }
0x61: {  	_ =	shalt  }
0x62: {  	_ =	shalt  }
0x63: {  	_ =	shalt  }
0x64: {  	_ =	shalt  }
0x65: {  	_ =	shalt  }
0x66: {  	_ =	shalt  }
0x67: {  	_ =	shalt  }
0x68: {  	_ =	shalt  }
0x69: {  	_ =	shalt  }
0x6a: {  	_ =	shalt  }
0x6b: {  	_ =	shalt  }
0x6c: {  	_ =	shalt  }
0x6d: {  	_ =	shalt  }
0x6e: {  	_ =	shalt  }
0x6f: {  	_ =	shalt  }
0x70: {  	_ =	shalt  }
0x71: {  	_ =	shalt  }
0x72: {  	_ =	shalt  }
0x73: {  	_ =	shalt  }
0x74: {  	_ =	shalt  }
0x75: {  	_ =	shalt  }
0x76: {  	_ =	shalt  }
0x77: {  	_ =	shalt  }
0x78: {  	_ =	shalt  }
0x79: {  	_ =	shalt  }
0x7a: {  	_ =	shalt  }
0x7b: {  	_ =	shalt  }
0x7c: {  	_ =	shalt  }
0x7d: {  	_ =	shalt  }
0x7e: {  	_ =	shalt  }
0x7f: {  	_ =	shalt  }
0x80: {  	_ =	shalt  }
0x81: {  	_ =	shalt  }
0x82: {  	_ =	shalt  }
0x83: {  	_ =	shalt  }
0x84: {  	_ =	shalt  }
0x85: {  	_ =	shalt  }
0x86: {  	_ =	shalt  }
0x87: {  	_ =	shalt  }
.Lfunc_end0:
.L_simem_size_0:
called_computation_lowered:
.L_overlay_start_0:
0x88: {  	s2 =	sld [smem:$0x3FD9]  }
0x89: {  	s3 =	sld [smem:$0x3FFE];
	_ =	sdelay $0x1  }
0x8a: {  	s1 =	srdreg.scid  }
0x8b: {  	s0 =	sand.u32 $0x1, s1  }
0x8c: {  	s14 =	sshll.u32 s0, $0xA;
	s2 =	sadd.s32 s3, s2  }
0x8d: {  	s2 =	sadd.s32 s2, s14  }
0x8e: {  	[smem:$0x3FC0] =	sst s2  }
0x8f: {  	_ = 	snop  }
0x90: {  	s2 =	sld [smem:$0x3FD0];
	_ =	sdelay $0x2  }
0x91: {  	s15 =	simm.s32 $0xA;
	s4 =	simm.s32 $0x10  }
0x92: {  	[smem:s4], [sflag:s15] =	dma.local [hbm:s2], $0x1  }
0x93: {  	_ =	swait.eq [sflag:s15], $0x1  }
0x94: {  	[sflag:s15] =	ssyncset.done $0x0  }
0x95: {  	s16 =	sld [smem:$0x10];
	[sflag:s15] =	ssyncadd.s32 $0xFFFFFFFF  }
0x96: {  	s17 =	sld [smem:$0x11];
	(tm) =	ssettm $0x1  }
0x97: {  	s18 =	sld [smem:$0x3FFB];
	_ =	sdelay $0x3  }
0x98: {  	_ =	strace s18  }
0x99: {  	s4 =	sld [smem:$0x3FFC];
	_ =	sdelay $0x3  }
0x9a: {  	_ =	strace s4  }
0x9b: {  	s4 =	sld [smem:$0x3FFD];
	_ =	sdelay $0x3  }
0x9c: {  	_ =	strace s4  }
0x9d: {  	_ =	strace $0x8FFFFFFF  }
0x9e: {  	s19 =	sld [smem:$0x3FDB];
	_ =	sdelay $0x1  }
0x9f: {  	s5 =	simm.s32 $_scs_section_size  }
0xa0: {  	s6 =	simm.s32 $_size__tile_overlayer_lowered;
	s7 =	simm.s32 $_tile_overlayer_lowered  }
0xa1: {  	s22 =	simm.s32 $0x1BFF;
	s21 =	sshll.u32 s7, $0x1;
	s4 =	sadd.s32 s5, s19  }
0xa2: {  	s8 =	simm.s32 $0x0;
	s20 =	sshll.u32 s6, $0x1;
	s6 =	sadd.s32 s21, s4  }
0xa3: {  	[timem:s8], [sflag:s22] =	dma.local [hbm:s6], s20  }
0xa4: {  	_ =	swait.ge [sflag:s22], s20  }
0xa5: {  	s5 =	ssub.s32 $0x0, s20;
	[sflag:s22] =	ssyncset.done $0x0  }
0xa6: {  	[sflag:s22] =	ssyncadd.s32 s5;
	_ =	sdelay $0x1  }
0xa7: {  	s23 =	simm.s32 $0x1B8B  }
0xa8: {  	_ =	swait.ge [sflag:s23], $0x1  }
0xa9: {  	[sflag:s23] =	ssyncset.done $0x0  }
0xaa: {  	s25 =	simm.s32 $0x1B8E;
	s24 =	sld [smem:$0x3FFE];
	[sflag:s23] =	ssyncadd.s32 $0xFFFFFFFF  }
0xab: {  	s26 =	simm.s32 $execute0_lowered;
	[smem:$0x3FD2] =	sst s25  }
0xac: {  	s6 =	sshll.u32 s26, $0x1;
	_ =	strace $0x80000046;
	[dreg:$0x1] =	wrdreg $0xFFFFFFFF  }
0xad: {  	s28 =	simm.s32 $_size_execute0_lowered;
	s4 =	sadd.s32 s4, s6;
	[dreg:$0x0] =	wrdreg $0x0  }
0xae: {  	s6 =	sshll.u32 s28, $0x1;
	[dreg:$0x2] =	wrdreg s4  }
0xaf: {  	[dreg:$0x3] =	wrdreg s6  }
0xb0: {  	[dreg:$0x4] =	wrdreg $0xC0  }
0xb1: {  	_ =	task [dreg:s8], $0x5FFFF  }
0xb2: {  	[dreg:$0x1] =	wrdreg $0xFFFFFFFF  }
0xb3: {  	[dreg:$0x0] =	wrdreg $0x60  }
0xb4: {  	[dreg:$0x2] =	wrdreg s17  }
0xb5: {  	[dreg:$0x3] =	wrdreg s16  }
0xb6: {  	[dreg:$0x4] =	wrdreg s24  }
0xb7: {  	[dreg:$0x5] =	wrdreg $0x54800  }
0xb8: {  	[dreg:$0x6] =	wrdreg $0x9  }
0xb9: {  	_ =	task.clear_ibuf [dreg:s8], $0x7FFFF;
	_ =	strace $0x90000046  }
0xba: {  	s29 =	simm.s32 $0x9;
	_ =	strace $0x80000048  }
0xbb: {  	_ =	swait.ge [sflag:s29], $0x1  }
0xbc: {  	[sflag:s29] =	ssyncadd.s32 $0xFFFFFFFF  }
0xbd: {  	_ =	strace $0x90000048  }
0xbe: {  	_ =	sfence  }
0xbf: {  	s30 =	sld [smem:$0x0];
	_ =	sdelay $0x2  }
0xc0: {  	s31 =	sshll.u32 s1, $0xD;
	s1 =	sshrl.u32 s1, $0x2  }
0xc1: {  	s3 =	sand.u32 $0x4000, s31;
	s1 =	sadd.s32 s1, s30  }
0xc2: {  	s0 =	sor.u32 s3, s0;
	s1 =	sshll.u32 s1, $0x11  }
0xc3: {  	s0 =	sor.u32 s1, s0  }
0xc4: {  	s0 =	sadd.s32 $0x8F2B, s0  }
0xc5: {  	[sflag:s0] =	ssyncadd.remote.s32 $0x1  }
0xc6: {  	_ =	sfence.sel $0xFFFF  }
0xc7: {  	[dreg:$0x0] =	wrdreg $0xFFFFFFFF;
	(pc) =	sbr.abs _section_cstart, $3  }
0xc8: {  	[dreg:$0x1] =	wrdreg $0xFFFFFFFF  }
0xc9: {  	_ =	task.clear_ibuf [dreg:s8], $0x2FFFF;
	_ =	strace $0x9FFFFFFF  }
0xca: {  	(tm) =	ssettm $0x7FFFFFFF  }
0xcb: {  	_ =	shalt  }
tec
execute0_lowered:
.L_overlay_start_1:
0x0: {  	(tag) =	ssettag $0x1  }
0x1: {  	s0 =	rddreg [dreg:$0x0]  }
0x2: {  	s22 =	rddreg [dreg:$0x1]  }
0x3: {  	s2 =	rddreg [dreg:$0x2]  }
0x4: {  	s5 =	rddreg [dreg:$0x3]  }
0x5: {  	s1 =	simm.s32 $0x0;
	s3 =	srdreg.scid;
	s31 =	stileid.u32  }
0x6: {  	s28 =	simm.s32 $0x5200;
	s29 =	simm.s32 $0x4F80;
	s30 =	simm.s32 $0x0  }
0x7: {  	[smem:$0x7FF] =	sst s1;
	s21 =	sadd.s32 $0x3E00, s2;
	s19 =	sand.u32 $0x1, s3  }
0x8: {  	s20 =	sshrl.u32 s31, $0x2;
	s4 =	sshll.u32 s31, $0x8;
	s25 =	smul.u32 $0x5000, s31  }
0x9: {  	s23 =	sshrl.u32 s31, $0x3;
	s26 =	sshll.u32 s31, $0x7;
	s31 =	smul.u32 $0x50, s31  }
0xa: {  	_ =	strace $0x80000047;
	s3 =	smul.u32 $0x13C00, s20;
	s6 =	sshll.u32 s19, $0x7  }
0xb: {  	s4 =	sand.u32 $0x300, s4;
	s7 =	ssub.s32 $0x2, s19;
	s24 =	smul.u32 $0x50000, s23  }
0xc: {  	p0 =	seq.s32 s19, $0x1;
	s4 =	sor.u32 s6, s4;
	s8 =	sshrl.u32 s7, $0x1  }
0xd: {  	s6 =	sshrl.u32 s25, $0x2;
	s22 =	smov.u32 @p0 s21;
	s25 =	simm.s32 $0x1  }
0xe: {  	s3 =	sor.u32 s4, s3;
	s23 =	ssub.s32 s7, s8;
	s4 =	sshrl.u32 s24, $0x2  }
0xf: {  	s7 =	sand.u32 $0x380, s26;
	s22 =	sadd.s32 s22, s31;
	s24 =	simm.s32 $0x400  }
0x10: {  	s26 =	simm.s32 $0x2780;
	s3 =	sadd.s32 $0x4F000, s3;
	s4 =	sadd.s32 s4, s5  }
0x11: {  	s5 =	sadd.s32 s6, s5;
	s21 =	smax.u32 s23, $0x1;
	s23 =	simm.s32 $0x80  }
0x12: {  	s3 =	sshrl.u32 s3, $0x3;
	s4 =	sadd.s32 s7, s4;
	s6 =	sadd.s32 $0x80, s5  }
0x13: {  	s7 =	sadd.s32 $0x100, s5;
	s8 =	sadd.s32 $0x180, s5;
	s9 =	sadd.s32 $0x200, s5  }
0x14: {  	s10 =	sadd.s32 $0x280, s5;
	s11 =	sadd.s32 $0x300, s5;
	s12 =	sadd.s32 $0x380, s5  }
0x15: {  	s13 =	sadd.s32 $0x14000, s5;
	s14 =	sadd.s32 $0x14080, s5;
	s15 =	sadd.s32 $0x14100, s5  }
0x16: {  	s16 =	sadd.s32 $0x14180, s5;
	s17 =	sadd.s32 $0x14200, s5;
	s18 =	sadd.s32 $0x14280, s5  }
0x17: {  	v0 =	vimm.f32 $0.0e+00;
	v1 =	vimm.f32 $1.000000000e+00;
	s19 =	sadd.s32 $0x14300, s5;
	s20 =	sadd.s32 $0x14380, s5;
	s3 =	sadd.s32 s0, s3  }
.LBB2_1:
0x18: {  	[tilespmem:s1], [sflag:$0x1] =	stream.strided.gather [hbm4b:s3+s23], $0x2780, s24, s23, $0x38;
	[tilespmem:$0x7C80] =	vst v63  }
0x19: {  	_ =	swait.ge [sflag:s25], $0x2780  }
0x1a: {  	[sflag:s25] =	ssyncset.done $0x0  }
0x1b: {  	s0 =	simm.s32 $0x0;
	[sflag:s25] =	ssyncadd.s32 $0xFFFFD880  }
.LBB2_2:
0x1c: {  	p0 =	sne.s32 s0, $0x9FC0  }
.Ltmp0:
0x1d: {  	_ = 	snop;
	(pc) =	sbr.rel @p0 .LBB2_2-.Ltmp0, $3  }
0x1e: {  	_ =	sdelay $0x1  }
0x1f: {  	s31 =	sshra.s32 s0, $0x2  }
0x20: {  	s0 =	sadd.s32 $0x40, s0;
	[tilespmem:s31+$0x2780] =	vst v0  }
0x21: {  	s31 =	simm.s32 $0x0;
	s0 =	simm.s32 $0x40  }
.LBB2_4:
0x22: {  	p0 =	sne.s32 s0, $0x9C00;
	v2 =	vld [tilespmem:s31+$0x0];
	_ =	sdelay $0x3  }
.Ltmp1:
0x23: {  	(pc) =	sbr.rel @p0 .LBB2_4-.Ltmp1, $2  }
0x24: {  	_ =	sdelay $0x2  }
0x25: {  	s31 =	sshra.s32 s0, $0x2;
	s0 =	sadd.s32 $0x40, s0;
	[tilespmem:v2+s26+$0x0] =	vst.idx.add.f32.msk $0xffff, v1  }
0x26: {  	v2 =	vld [tilespmem:s31+$0x0];
	_ =	sdelay $0x7  }
0x27: {  	[tilespmem:v2+s26+$0x0] =	vst.idx.add.f32.msk $0xffff, v1  }
0x28: {  	[spmem:s4] =	stream.strided.scatter [tilespmem:s26], [sflag:$0x1], $0x2800, s24, s23, $0x38;
	[tilespmem:$0x7C80] =	vst v63  }
0x29: {  	_ =	swait.ge [sflag:s25], $0x2800  }
0x2a: {  	[sflag:s25] =	ssyncset.done $0x0  }
0x2b: {  	[sflag:s25] =	ssyncadd.s32 $0xFFFFD800  }
0x2c: {  	[bflag:$0x0] =	sbarrier.arrive $0xFFFF  }
0x2d: {  	[tilespmem:$0x4F80] =	vst v0  }
0x2e: {  	[tilespmem:$0x4F90] =	vst v0  }
0x2f: {  	[tilespmem:$0x4FA0] =	vst v0  }
0x30: {  	[tilespmem:$0x4FB0] =	vst v0  }
0x31: {  	[tilespmem:$0x4FC0] =	vst v0  }
0x32: {  	[tilespmem:$0x4FD0] =	vst v0  }
0x33: {  	[tilespmem:$0x4FE0] =	vst v0  }
0x34: {  	[tilespmem:$0x4FF0] =	vst v0  }
0x35: {  	[tilespmem:$0x5000] =	vst v0  }
0x36: {  	[tilespmem:$0x5010] =	vst v0  }
0x37: {  	[tilespmem:$0x5020] =	vst v0  }
0x38: {  	[tilespmem:$0x5030] =	vst v0  }
0x39: {  	[tilespmem:$0x5040] =	vst v0  }
0x3a: {  	[tilespmem:$0x5050] =	vst v0  }
0x3b: {  	[tilespmem:$0x5060] =	vst v0  }
0x3c: {  	[tilespmem:$0x5070] =	vst v0  }
0x3d: {  	[tilespmem:$0x5080] =	vst v0  }
0x3e: {  	[tilespmem:$0x5090] =	vst v0  }
0x3f: {  	[tilespmem:$0x50A0] =	vst v0  }
0x40: {  	[tilespmem:$0x50B0] =	vst v0  }
0x41: {  	[tilespmem:$0x50C0] =	vst v0  }
0x42: {  	[tilespmem:$0x50D0] =	vst v0  }
0x43: {  	[tilespmem:$0x50E0] =	vst v0  }
0x44: {  	[tilespmem:$0x50F0] =	vst v0  }
0x45: {  	[tilespmem:$0x5100] =	vst v0  }
0x46: {  	[tilespmem:$0x5110] =	vst v0  }
0x47: {  	[tilespmem:$0x5120] =	vst v0  }
0x48: {  	[tilespmem:$0x5130] =	vst v0  }
0x49: {  	[tilespmem:$0x5140] =	vst v0  }
0x4a: {  	[tilespmem:$0x5150] =	vst v0  }
0x4b: {  	[tilespmem:$0x5160] =	vst v0  }
0x4c: {  	[tilespmem:$0x5170] =	vst v0  }
0x4d: {  	[tilespmem:$0x5180] =	vst v0  }
0x4e: {  	[tilespmem:$0x5190] =	vst v0  }
0x4f: {  	[tilespmem:$0x51A0] =	vst v0  }
0x50: {  	[tilespmem:$0x51B0] =	vst v0  }
0x51: {  	[tilespmem:$0x51C0] =	vst v0  }
0x52: {  	[tilespmem:$0x51D0] =	vst v0  }
0x53: {  	[tilespmem:$0x51E0] =	vst v0  }
0x54: {  	[tilespmem:$0x51F0] =	vst v0  }
0x55: {  	[tilespmem:s28], [sflag:$0x1] =	stream.strided.gather [spmem:s5], $0x280, s24, s23, $0x38;
	[tilespmem:$0x7C80] =	vst v63  }
0x56: {  	_ =	swait.ge [sflag:s25], $0x280  }
0x57: {  	[sflag:s25] =	ssyncset.done $0x0  }
0x58: {  	s31 =	simm.s32 $0x0;
	[sflag:s25] =	ssyncadd.s32 $0xFFFFFD80  }
0x59: {  	s0 =	simm.s32 $0x40;
	v2 =	vld [tilespmem:s31+$0x5200]  }
.LBB2_6:
0x5a: {  	p0 =	sne.s32 s0, $0x9C0;
	v3 =	vld [tilespmem:s31+$0x4F80];
	_ =	sdelay $0x2  }
.Ltmp2:
0x5b: {  	(pc) =	sbr.rel @p0 .LBB2_6-.Ltmp2, $4  }
0x5c: {  	_ = 	snop  }
0x5d: {  	v3 =	vadd.f32 v2, v3  }
0x5e: {  	s2 =	sshra.s32 s0, $0x2  }
0x5f: {  	s0 =	sadd.s32 $0x40, s0;
	v2 =	vld [tilespmem:s2+$0x5200];
	[tilespmem:s31+$0x4F80] =	vst v3;
	s31 =	smov.u32 s2  }
0x60: {  	v3 =	vld [tilespmem:s31+$0x4F80];
	_ =	sdelay $0x4  }
0x61: {  	v2 =	vadd.f32 v2, v3;
	_ =	sdelay $0x1  }
0x62: {  	[tilespmem:s31+$0x4F80] =	vst v2  }
0x63: {  	[tilespmem:s28], [sflag:$0x1] =	stream.strided.gather [spmem:s6], $0x280, s24, s23, $0x38;
	[tilespmem:$0x7C80] =	vst v63  }
0x64: {  	_ =	swait.ge [sflag:s25], $0x280  }
0x65: {  	[sflag:s25] =	ssyncset.done $0x0  }
0x66: {  	s31 =	simm.s32 $0x0;
	[sflag:s25] =	ssyncadd.s32 $0xFFFFFD80  }
0x67: {  	s0 =	simm.s32 $0x40;
	v2 =	vld [tilespmem:s31+$0x5200]  }
.LBB2_8:
0x68: {  	p0 =	sne.s32 s0, $0x9C0;
	v3 =	vld [tilespmem:s31+$0x4F80];
	_ =	sdelay $0x2  }
.Ltmp3:
0x69: {  	(pc) =	sbr.rel @p0 .LBB2_8-.Ltmp3, $4  }
0x6a: {  	_ = 	snop  }
0x6b: {  	v3 =	vadd.f32 v2, v3  }
0x6c: {  	s2 =	sshra.s32 s0, $0x2  }
0x6d: {  	s0 =	sadd.s32 $0x40, s0;
	v2 =	vld [tilespmem:s2+$0x5200];
	[tilespmem:s31+$0x4F80] =	vst v3;
	s31 =	smov.u32 s2  }
0x6e: {  	v3 =	vld [tilespmem:s31+$0x4F80];
	_ =	sdelay $0x4  }
0x6f: {  	v2 =	vadd.f32 v2, v3;
	_ =	sdelay $0x1  }
0x70: {  	[tilespmem:s31+$0x4F80] =	vst v2  }
0x71: {  	[tilespmem:s28], [sflag:$0x1] =	stream.strided.gather [spmem:s7], $0x280, s24, s23, $0x38;
	[tilespmem:$0x7C80] =	vst v63  }
0x72: {  	_ =	swait.ge [sflag:s25], $0x280  }
0x73: {  	[sflag:s25] =	ssyncset.done $0x0  }
0x74: {  	s31 =	simm.s32 $0x0;
	[sflag:s25] =	ssyncadd.s32 $0xFFFFFD80  }
0x75: {  	s0 =	simm.s32 $0x40;
	v2 =	vld [tilespmem:s31+$0x5200]  }
.LBB2_10:
0x76: {  	p0 =	sne.s32 s0, $0x9C0;
	v3 =	vld [tilespmem:s31+$0x4F80];
	_ =	sdelay $0x2  }
.Ltmp4:
0x77: {  	(pc) =	sbr.rel @p0 .LBB2_10-.Ltmp4, $4  }
0x78: {  	_ = 	snop  }
0x79: {  	v3 =	vadd.f32 v2, v3  }
0x7a: {  	s2 =	sshra.s32 s0, $0x2  }
0x7b: {  	s0 =	sadd.s32 $0x40, s0;
	v2 =	vld [tilespmem:s2+$0x5200];
	[tilespmem:s31+$0x4F80] =	vst v3;
	s31 =	smov.u32 s2  }
0x7c: {  	v3 =	vld [tilespmem:s31+$0x4F80];
	_ =	sdelay $0x4  }
0x7d: {  	v2 =	vadd.f32 v2, v3;
	_ =	sdelay $0x1  }
0x7e: {  	[tilespmem:s31+$0x4F80] =	vst v2  }
0x7f: {  	[tilespmem:s28], [sflag:$0x1] =	stream.strided.gather [spmem:s8], $0x280, s24, s23, $0x38;
	[tilespmem:$0x7C80] =	vst v63  }
0x80: {  	_ =	swait.ge [sflag:s25], $0x280  }
0x81: {  	[sflag:s25] =	ssyncset.done $0x0  }
0x82: {  	s31 =	simm.s32 $0x0;
	[sflag:s25] =	ssyncadd.s32 $0xFFFFFD80  }
0x83: {  	s0 =	simm.s32 $0x40;
	v2 =	vld [tilespmem:s31+$0x5200]  }
.LBB2_12:
0x84: {  	p0 =	sne.s32 s0, $0x9C0;
	v3 =	vld [tilespmem:s31+$0x4F80];
	_ =	sdelay $0x2  }
.Ltmp5:
0x85: {  	(pc) =	sbr.rel @p0 .LBB2_12-.Ltmp5, $4  }
0x86: {  	_ = 	snop  }
0x87: {  	v3 =	vadd.f32 v2, v3  }
0x88: {  	s2 =	sshra.s32 s0, $0x2  }
0x89: {  	s0 =	sadd.s32 $0x40, s0;
	v2 =	vld [tilespmem:s2+$0x5200];
	[tilespmem:s31+$0x4F80] =	vst v3;
	s31 =	smov.u32 s2  }
0x8a: {  	v3 =	vld [tilespmem:s31+$0x4F80];
	_ =	sdelay $0x4  }
0x8b: {  	v2 =	vadd.f32 v2, v3;
	_ =	sdelay $0x1  }
0x8c: {  	[tilespmem:s31+$0x4F80] =	vst v2  }
0x8d: {  	[tilespmem:s28], [sflag:$0x1] =	stream.strided.gather [spmem:s9], $0x280, s24, s23, $0x38;
	[tilespmem:$0x7C80] =	vst v63  }
0x8e: {  	_ =	swait.ge [sflag:s25], $0x280  }
0x8f: {  	[sflag:s25] =	ssyncset.done $0x0  }
0x90: {  	s31 =	simm.s32 $0x0;
	[sflag:s25] =	ssyncadd.s32 $0xFFFFFD80  }
0x91: {  	s0 =	simm.s32 $0x40;
	v2 =	vld [tilespmem:s31+$0x5200]  }
.LBB2_14:
0x92: {  	p0 =	sne.s32 s0, $0x9C0;
	v3 =	vld [tilespmem:s31+$0x4F80];
	_ =	sdelay $0x2  }
.Ltmp6:
0x93: {  	(pc) =	sbr.rel @p0 .LBB2_14-.Ltmp6, $4  }
0x94: {  	_ = 	snop  }
0x95: {  	v3 =	vadd.f32 v2, v3  }
0x96: {  	s2 =	sshra.s32 s0, $0x2  }
0x97: {  	s0 =	sadd.s32 $0x40, s0;
	v2 =	vld [tilespmem:s2+$0x5200];
	[tilespmem:s31+$0x4F80] =	vst v3;
	s31 =	smov.u32 s2  }
0x98: {  	v3 =	vld [tilespmem:s31+$0x4F80];
	_ =	sdelay $0x4  }
0x99: {  	v2 =	vadd.f32 v2, v3;
	_ =	sdelay $0x1  }
0x9a: {  	[tilespmem:s31+$0x4F80] =	vst v2  }
0x9b: {  	[tilespmem:s28], [sflag:$0x1] =	stream.strided.gather [spmem:s10], $0x280, s24, s23, $0x38;
	[tilespmem:$0x7C80] =	vst v63  }
0x9c: {  	_ =	swait.ge [sflag:s25], $0x280  }
0x9d: {  	[sflag:s25] =	ssyncset.done $0x0  }
0x9e: {  	s31 =	simm.s32 $0x0;
	[sflag:s25] =	ssyncadd.s32 $0xFFFFFD80  }
0x9f: {  	s0 =	simm.s32 $0x40;
	v2 =	vld [tilespmem:s31+$0x5200]  }
.LBB2_16:
0xa0: {  	p0 =	sne.s32 s0, $0x9C0;
	v3 =	vld [tilespmem:s31+$0x4F80];
	_ =	sdelay $0x2  }
.Ltmp7:
0xa1: {  	(pc) =	sbr.rel @p0 .LBB2_16-.Ltmp7, $4  }
0xa2: {  	_ = 	snop  }
0xa3: {  	v3 =	vadd.f32 v2, v3  }
0xa4: {  	s2 =	sshra.s32 s0, $0x2  }
0xa5: {  	s0 =	sadd.s32 $0x40, s0;
	v2 =	vld [tilespmem:s2+$0x5200];
	[tilespmem:s31+$0x4F80] =	vst v3;
	s31 =	smov.u32 s2  }
0xa6: {  	v3 =	vld [tilespmem:s31+$0x4F80];
	_ =	sdelay $0x4  }
0xa7: {  	v2 =	vadd.f32 v2, v3;
	_ =	sdelay $0x1  }
0xa8: {  	[tilespmem:s31+$0x4F80] =	vst v2  }
0xa9: {  	[tilespmem:s28], [sflag:$0x1] =	stream.strided.gather [spmem:s11], $0x280, s24, s23, $0x38;
	[tilespmem:$0x7C80] =	vst v63  }
0xaa: {  	_ =	swait.ge [sflag:s25], $0x280  }
0xab: {  	[sflag:s25] =	ssyncset.done $0x0  }
0xac: {  	s31 =	simm.s32 $0x0;
	[sflag:s25] =	ssyncadd.s32 $0xFFFFFD80  }
0xad: {  	s0 =	simm.s32 $0x40;
	v2 =	vld [tilespmem:s31+$0x5200]  }
.LBB2_18:
0xae: {  	p0 =	sne.s32 s0, $0x9C0;
	v3 =	vld [tilespmem:s31+$0x4F80];
	_ =	sdelay $0x2  }
.Ltmp8:
0xaf: {  	(pc) =	sbr.rel @p0 .LBB2_18-.Ltmp8, $4  }
0xb0: {  	_ = 	snop  }
0xb1: {  	v3 =	vadd.f32 v2, v3  }
0xb2: {  	s2 =	sshra.s32 s0, $0x2  }
0xb3: {  	s0 =	sadd.s32 $0x40, s0;
	v2 =	vld [tilespmem:s2+$0x5200];
	[tilespmem:s31+$0x4F80] =	vst v3;
	s31 =	smov.u32 s2  }
0xb4: {  	v3 =	vld [tilespmem:s31+$0x4F80];
	_ =	sdelay $0x4  }
0xb5: {  	v2 =	vadd.f32 v2, v3;
	_ =	sdelay $0x1  }
0xb6: {  	[tilespmem:s31+$0x4F80] =	vst v2  }
0xb7: {  	[tilespmem:s28], [sflag:$0x1] =	stream.strided.gather [spmem:s12], $0x280, s24, s23, $0x38;
	[tilespmem:$0x7C80] =	vst v63  }
0xb8: {  	_ =	swait.ge [sflag:s25], $0x280  }
0xb9: {  	[sflag:s25] =	ssyncset.done $0x0  }
0xba: {  	s31 =	simm.s32 $0x0;
	[sflag:s25] =	ssyncadd.s32 $0xFFFFFD80  }
0xbb: {  	s0 =	simm.s32 $0x40;
	v2 =	vld [tilespmem:s31+$0x5200]  }
.LBB2_20:
0xbc: {  	p0 =	sne.s32 s0, $0x9C0;
	v3 =	vld [tilespmem:s31+$0x4F80];
	_ =	sdelay $0x2  }
.Ltmp9:
0xbd: {  	(pc) =	sbr.rel @p0 .LBB2_20-.Ltmp9, $4  }
0xbe: {  	_ = 	snop  }
0xbf: {  	v3 =	vadd.f32 v2, v3  }
0xc0: {  	s2 =	sshra.s32 s0, $0x2  }
0xc1: {  	s0 =	sadd.s32 $0x40, s0;
	v2 =	vld [tilespmem:s2+$0x5200];
	[tilespmem:s31+$0x4F80] =	vst v3;
	s31 =	smov.u32 s2  }
0xc2: {  	v3 =	vld [tilespmem:s31+$0x4F80];
	_ =	sdelay $0x4  }
0xc3: {  	v2 =	vadd.f32 v2, v3;
	_ =	sdelay $0x1  }
0xc4: {  	[tilespmem:s31+$0x4F80] =	vst v2  }
0xc5: {  	[tilespmem:s28], [sflag:$0x1] =	stream.strided.gather [spmem:s13], $0x280, s24, s23, $0x38;
	[tilespmem:$0x7C80] =	vst v63  }
0xc6: {  	_ =	swait.ge [sflag:s25], $0x280  }
0xc7: {  	[sflag:s25] =	ssyncset.done $0x0  }
0xc8: {  	s31 =	simm.s32 $0x0;
	[sflag:s25] =	ssyncadd.s32 $0xFFFFFD80  }
0xc9: {  	s0 =	simm.s32 $0x40;
	v2 =	vld [tilespmem:s31+$0x5200]  }
.LBB2_22:
0xca: {  	p0 =	sne.s32 s0, $0x9C0;
	v3 =	vld [tilespmem:s31+$0x4F80];
	_ =	sdelay $0x2  }
.Ltmp10:
0xcb: {  	(pc) =	sbr.rel @p0 .LBB2_22-.Ltmp10, $4  }
0xcc: {  	_ = 	snop  }
0xcd: {  	v3 =	vadd.f32 v2, v3  }
0xce: {  	s2 =	sshra.s32 s0, $0x2  }
0xcf: {  	s0 =	sadd.s32 $0x40, s0;
	v2 =	vld [tilespmem:s2+$0x5200];
	[tilespmem:s31+$0x4F80] =	vst v3;
	s31 =	smov.u32 s2  }
0xd0: {  	v3 =	vld [tilespmem:s31+$0x4F80];
	_ =	sdelay $0x4  }
0xd1: {  	v2 =	vadd.f32 v2, v3;
	_ =	sdelay $0x1  }
0xd2: {  	[tilespmem:s31+$0x4F80] =	vst v2  }
0xd3: {  	[tilespmem:s28], [sflag:$0x1] =	stream.strided.gather [spmem:s14], $0x280, s24, s23, $0x38;
	[tilespmem:$0x7C80] =	vst v63  }
0xd4: {  	_ =	swait.ge [sflag:s25], $0x280  }
0xd5: {  	[sflag:s25] =	ssyncset.done $0x0  }
0xd6: {  	s31 =	simm.s32 $0x0;
	[sflag:s25] =	ssyncadd.s32 $0xFFFFFD80  }
0xd7: {  	s0 =	simm.s32 $0x40;
	v2 =	vld [tilespmem:s31+$0x5200]  }
.LBB2_24:
0xd8: {  	p0 =	sne.s32 s0, $0x9C0;
	v3 =	vld [tilespmem:s31+$0x4F80];
	_ =	sdelay $0x2  }
.Ltmp11:
0xd9: {  	(pc) =	sbr.rel @p0 .LBB2_24-.Ltmp11, $4  }
0xda: {  	_ = 	snop  }
0xdb: {  	v3 =	vadd.f32 v2, v3  }
0xdc: {  	s2 =	sshra.s32 s0, $0x2  }
0xdd: {  	s0 =	sadd.s32 $0x40, s0;
	v2 =	vld [tilespmem:s2+$0x5200];
	[tilespmem:s31+$0x4F80] =	vst v3;
	s31 =	smov.u32 s2  }
0xde: {  	v3 =	vld [tilespmem:s31+$0x4F80];
	_ =	sdelay $0x4  }
0xdf: {  	v2 =	vadd.f32 v2, v3;
	_ =	sdelay $0x1  }
0xe0: {  	[tilespmem:s31+$0x4F80] =	vst v2  }
0xe1: {  	[tilespmem:s28], [sflag:$0x1] =	stream.strided.gather [spmem:s15], $0x280, s24, s23, $0x38;
	[tilespmem:$0x7C80] =	vst v63  }
0xe2: {  	_ =	swait.ge [sflag:s25], $0x280  }
0xe3: {  	[sflag:s25] =	ssyncset.done $0x0  }
0xe4: {  	s31 =	simm.s32 $0x0;
	[sflag:s25] =	ssyncadd.s32 $0xFFFFFD80  }
0xe5: {  	s0 =	simm.s32 $0x40;
	v2 =	vld [tilespmem:s31+$0x5200]  }
.LBB2_26:
0xe6: {  	p0 =	sne.s32 s0, $0x9C0;
	v3 =	vld [tilespmem:s31+$0x4F80];
	_ =	sdelay $0x2  }
.Ltmp12:
0xe7: {  	(pc) =	sbr.rel @p0 .LBB2_26-.Ltmp12, $4  }
0xe8: {  	_ = 	snop  }
0xe9: {  	v3 =	vadd.f32 v2, v3  }
0xea: {  	s2 =	sshra.s32 s0, $0x2  }
0xeb: {  	s0 =	sadd.s32 $0x40, s0;
	v2 =	vld [tilespmem:s2+$0x5200];
	[tilespmem:s31+$0x4F80] =	vst v3;
	s31 =	smov.u32 s2  }
0xec: {  	v3 =	vld [tilespmem:s31+$0x4F80];
	_ =	sdelay $0x4  }
0xed: {  	v2 =	vadd.f32 v2, v3;
	_ =	sdelay $0x1  }
0xee: {  	[tilespmem:s31+$0x4F80] =	vst v2  }
0xef: {  	[tilespmem:s28], [sflag:$0x1] =	stream.strided.gather [spmem:s16], $0x280, s24, s23, $0x38;
	[tilespmem:$0x7C80] =	vst v63  }
0xf0: {  	_ =	swait.ge [sflag:s25], $0x280  }
0xf1: {  	[sflag:s25] =	ssyncset.done $0x0  }
0xf2: {  	s31 =	simm.s32 $0x0;
	[sflag:s25] =	ssyncadd.s32 $0xFFFFFD80  }
0xf3: {  	s0 =	simm.s32 $0x40;
	v2 =	vld [tilespmem:s31+$0x5200]  }
.LBB2_28:
0xf4: {  	p0 =	sne.s32 s0, $0x9C0;
	v3 =	vld [tilespmem:s31+$0x4F80];
	_ =	sdelay $0x2  }
.Ltmp13:
0xf5: {  	(pc) =	sbr.rel @p0 .LBB2_28-.Ltmp13, $4  }
0xf6: {  	_ = 	snop  }
0xf7: {  	v3 =	vadd.f32 v2, v3  }
0xf8: {  	s2 =	sshra.s32 s0, $0x2  }
0xf9: {  	s0 =	sadd.s32 $0x40, s0;
	v2 =	vld [tilespmem:s2+$0x5200];
	[tilespmem:s31+$0x4F80] =	vst v3;
	s31 =	smov.u32 s2  }
0xfa: {  	v3 =	vld [tilespmem:s31+$0x4F80];
	_ =	sdelay $0x4  }
0xfb: {  	v2 =	vadd.f32 v2, v3;
	_ =	sdelay $0x1  }
0xfc: {  	[tilespmem:s31+$0x4F80] =	vst v2  }
0xfd: {  	[tilespmem:s28], [sflag:$0x1] =	stream.strided.gather [spmem:s17], $0x280, s24, s23, $0x38;
	[tilespmem:$0x7C80] =	vst v63  }
0xfe: {  	_ =	swait.ge [sflag:s25], $0x280  }
0xff: {  	[sflag:s25] =	ssyncset.done $0x0  }
0x100: {  	s31 =	simm.s32 $0x0;
	[sflag:s25] =	ssyncadd.s32 $0xFFFFFD80  }
0x101: {  	s0 =	simm.s32 $0x40;
	v2 =	vld [tilespmem:s31+$0x5200]  }
.LBB2_30:
0x102: {  	p0 =	sne.s32 s0, $0x9C0;
	v3 =	vld [tilespmem:s31+$0x4F80];
	_ =	sdelay $0x2  }
.Ltmp14:
0x103: {  	(pc) =	sbr.rel @p0 .LBB2_30-.Ltmp14, $4  }
0x104: {  	_ = 	snop  }
0x105: {  	v3 =	vadd.f32 v2, v3  }
0x106: {  	s2 =	sshra.s32 s0, $0x2  }
0x107: {  	s0 =	sadd.s32 $0x40, s0;
	v2 =	vld [tilespmem:s2+$0x5200];
	[tilespmem:s31+$0x4F80] =	vst v3;
	s31 =	smov.u32 s2  }
0x108: {  	v3 =	vld [tilespmem:s31+$0x4F80];
	_ =	sdelay $0x4  }
0x109: {  	v2 =	vadd.f32 v2, v3;
	_ =	sdelay $0x1  }
0x10a: {  	[tilespmem:s31+$0x4F80] =	vst v2  }
0x10b: {  	[tilespmem:s28], [sflag:$0x1] =	stream.strided.gather [spmem:s18], $0x280, s24, s23, $0x38;
	[tilespmem:$0x7C80] =	vst v63  }
0x10c: {  	_ =	swait.ge [sflag:s25], $0x280  }
0x10d: {  	[sflag:s25] =	ssyncset.done $0x0  }
0x10e: {  	s31 =	simm.s32 $0x0;
	[sflag:s25] =	ssyncadd.s32 $0xFFFFFD80  }
0x10f: {  	s0 =	simm.s32 $0x40;
	v2 =	vld [tilespmem:s31+$0x5200]  }
.LBB2_32:
0x110: {  	p0 =	sne.s32 s0, $0x9C0;
	v3 =	vld [tilespmem:s31+$0x4F80];
	_ =	sdelay $0x2  }
.Ltmp15:
0x111: {  	(pc) =	sbr.rel @p0 .LBB2_32-.Ltmp15, $4  }
0x112: {  	_ = 	snop  }
0x113: {  	v3 =	vadd.f32 v2, v3  }
0x114: {  	s2 =	sshra.s32 s0, $0x2  }
0x115: {  	s0 =	sadd.s32 $0x40, s0;
	v2 =	vld [tilespmem:s2+$0x5200];
	[tilespmem:s31+$0x4F80] =	vst v3;
	s31 =	smov.u32 s2  }
0x116: {  	v3 =	vld [tilespmem:s31+$0x4F80];
	_ =	sdelay $0x4  }
0x117: {  	v2 =	vadd.f32 v2, v3;
	_ =	sdelay $0x1  }
0x118: {  	[tilespmem:s31+$0x4F80] =	vst v2  }
0x119: {  	[tilespmem:s28], [sflag:$0x1] =	stream.strided.gather [spmem:s19], $0x280, s24, s23, $0x38;
	[tilespmem:$0x7C80] =	vst v63  }
0x11a: {  	_ =	swait.ge [sflag:s25], $0x280  }
0x11b: {  	[sflag:s25] =	ssyncset.done $0x0  }
0x11c: {  	s31 =	simm.s32 $0x0;
	[sflag:s25] =	ssyncadd.s32 $0xFFFFFD80  }
0x11d: {  	s0 =	simm.s32 $0x40;
	v2 =	vld [tilespmem:s31+$0x5200]  }
.LBB2_34:
0x11e: {  	p0 =	sne.s32 s0, $0x9C0;
	v3 =	vld [tilespmem:s31+$0x4F80];
	_ =	sdelay $0x2  }
.Ltmp16:
0x11f: {  	(pc) =	sbr.rel @p0 .LBB2_34-.Ltmp16, $4  }
0x120: {  	_ = 	snop  }
0x121: {  	v3 =	vadd.f32 v2, v3  }
0x122: {  	s2 =	sshra.s32 s0, $0x2  }
0x123: {  	s0 =	sadd.s32 $0x40, s0;
	v2 =	vld [tilespmem:s2+$0x5200];
	[tilespmem:s31+$0x4F80] =	vst v3;
	s31 =	smov.u32 s2  }
0x124: {  	v3 =	vld [tilespmem:s31+$0x4F80];
	_ =	sdelay $0x4  }
0x125: {  	v2 =	vadd.f32 v2, v3;
	_ =	sdelay $0x1  }
0x126: {  	[tilespmem:s31+$0x4F80] =	vst v2  }
0x127: {  	[tilespmem:s28], [sflag:$0x1] =	stream.strided.gather [spmem:s20], $0x280, s24, s23, $0x38;
	[tilespmem:$0x7C80] =	vst v63  }
0x128: {  	_ =	swait.ge [sflag:s25], $0x280  }
0x129: {  	[sflag:s25] =	ssyncset.done $0x0  }
0x12a: {  	s31 =	simm.s32 $0x0;
	[sflag:s25] =	ssyncadd.s32 $0xFFFFFD80  }
0x12b: {  	s0 =	simm.s32 $0x40;
	v2 =	vld [tilespmem:s31+$0x5200]  }
.LBB2_36:
0x12c: {  	p0 =	sne.s32 s0, $0x9C0;
	v3 =	vld [tilespmem:s31+$0x4F80];
	_ =	sdelay $0x2  }
.Ltmp17:
0x12d: {  	(pc) =	sbr.rel @p0 .LBB2_36-.Ltmp17, $4  }
0x12e: {  	_ = 	snop  }
0x12f: {  	v3 =	vadd.f32 v2, v3  }
0x130: {  	s2 =	sshra.s32 s0, $0x2  }
0x131: {  	s0 =	sadd.s32 $0x40, s0;
	v2 =	vld [tilespmem:s2+$0x5200];
	[tilespmem:s31+$0x4F80] =	vst v3;
	s31 =	smov.u32 s2  }
0x132: {  	v3 =	vld [tilespmem:s31+$0x4F80];
	_ =	sdelay $0x4  }
0x133: {  	s30 =	sadd.s32 $0x1, s30;
	v2 =	vadd.f32 v2, v3  }
0x134: {  	p0 =	sne.s32 s30, s21  }
.Ltmp18:
0x135: {  	[tilespmem:s31+$0x4F80] =	vst v2;
	(pc) =	sbr.rel @p0 .LBB2_1-.Ltmp18, $4  }
0x136: {  	[hbm4b:s22+s1] =	stream.linear.scatter [tilespmem:s29], [sflag:$0x1], $0x280, $0x38;
	[tilespmem:$0x7C80] =	vst v63  }
0x137: {  	_ =	swait.ge [sflag:s25], $0x280  }
0x138: {  	[sflag:s25] =	ssyncset.done $0x0  }
0x139: {  	[sflag:s25] =	ssyncadd.s32 $0xFFFFFD80  }
0x13a: {  	_ =	sfence.sel $0x180000  }
0x13b: {  	[bflag:$0x0] =	sbarrier.arrive $0xFFFF  }
0x13c: {  	_ =	strace $0x90000047  }
0x13d: {  	s0 =	stileid.u32;
	[bflag:$0x2] =	sbarrier.arrive $0xFFFF  }
0x13e: {  	p0 =	sne.s32 s0, $0x0;
	s0 =	rddreg [dreg:$0x4]  }
0x13f: {  	s0 =	sadd.s32 @!p0 $0x100000, s0  }
0x140: {  	[sflag:s0] =	ssyncadd.tile.s32 @!p0 $0x1;
	_ =	shalt  }
.Lfunc_end2:
_tile_overlayer_lowered:
.L_overlay_start_2:
0x141: {  	(tag) =	ssettag $0x2  }
0x142: {  	s0 =	rddreg [dreg:$0x0];
	s2 =	stileid.u32  }
0x143: {  	s1 =	rddreg [dreg:$0x1];
	p0 =	sne.s32 s2, $0x0  }
0x144: {  	s3 =	rddreg [dreg:$0x2];
	[bflag:$0x3] =	sbarrier.arrive $0xFFFF;
	s2 =	simm.s32 @!p0 $0x1C01  }
0x145: {  	[timem:s3], [sflag:s2] =	dma.local @!p0 [hbm:s0], s1  }
0x146: {  	s0 =	simm.s32 @!p0 $0x1  }
0x147: {  	_ =	swait.ge @!p0 [sflag:s0], s1  }
0x148: {  	s1 =	ssub.s32 @!p0 $0x0, s1;
	[sflag:s0] =	ssyncset.done @!p0 $0x0  }
0x149: {  	[sflag:s0] =	ssyncadd.s32 @!p0 s1  }
0x14a: {  	[bflag:$0x3] =	sbarrier.arrive $0xFFFF  }
0x14b: {  	_ =	shalt  }

</sc_bundles>
